<compile_context>
chip_gen: v7x
topology: tpu7x:2x2x1
jax: 0.10.2.dev20260603
libtpu: 0.0.44.dev20260713+nightly
codegen_flags: <defaults>
</compile_context>

<pallas_src>
import functools

import jax
import jax.numpy as jnp
from jax import lax
from jax.experimental import pallas as pl
from jax.experimental.pallas import tpu as pltpu
from jax.experimental.pallas import tpu_sc as plsc

DIM = 32
W = 256
TPW = 2
NW = 32
LANES = 16
GROUPS = W // LANES
VCOV = 999936
QSZ = 1 << 18
QSH = 18
BLK = 4096


def _sc_gather(w128, tail, xp_flat, n, b, t):
    mesh = plsc.VectorSubcoreMesh(core_axis_name="core",
                                  subcore_axis_name="subcore")
    n_win = n // W
    per_w = n_win // NW
    n_tail = tail.shape[0]

    @functools.partial(
        pl.kernel,
        out_type=jax.ShapeDtypeStruct((t, DIM, b), jnp.float32),
        mesh=mesh,
        compiler_params=pltpu.CompilerParams(
            needs_layout_passes=False, disable_bounds_checks=True),
        scratch_types=[
            pltpu.VMEM((per_w * W,), jnp.int32),
            pltpu.VMEM((n_tail, DIM), jnp.float32),
            pltpu.VMEM((W,), jnp.int32),
            pltpu.VMEM((W,), jnp.int32),
            pltpu.VMEM((W, 128), jnp.float32),
            pltpu.VMEM((W, 128), jnp.float32),
            pltpu.VMEM((TPW, DIM, 128), jnp.float32),
            pltpu.VMEM((TPW, DIM, 128), jnp.float32),
            pltpu.SemaphoreType.DMA,
            pltpu.SemaphoreType.DMA,
            pltpu.SemaphoreType.DMA,
            pltpu.SemaphoreType.DMA,
        ],
    )
    def gather_kernel(w_hbm, tail_hbm, x_hbm, o_hbm, idx_all, tail_v,
                      q0, q1, g0, g1, t0b, t1b, gs0, gs1, os0, os1):
        wid = lax.axis_index("subcore") * 2 + lax.axis_index("core")
        base_win = wid * per_w
        pltpu.sync_copy(x_hbm.at[pl.ds(base_win * W, per_w * W)], idx_all)
        pltpu.sync_copy(tail_hbm, tail_v)

        qbufs = (q0, q1)
        gbufs = (g0, g1)
        tbufs = (t0b, t1b)
        gsems = (gs0, gs1)
        osems = (os0, os1)
        rows = [lax.iota(jnp.int32, LANES) + g * LANES
                for g in range(GROUPS)]

        def out_slice(k):
            win = base_win + k
            tt = win // 128
            bt = lax.rem(win, 128) // 4
            t0 = tt * 8 + lax.rem(win, 4) * TPW
            return o_hbm.at[pl.ds(t0, TPW), :, pl.ds(bt * 128, 128)]

        def prep_gather(k, p):
            @pl.loop(0, GROUPS)
            def _(j):
                xg = idx_all[pl.ds(k * W + j * LANES, LANES)]
                qbufs[p][pl.ds(j * LANES, LANES)] = xg & (QSZ - 1)

            pltpu.async_copy(w_hbm.at[qbufs[p]], gbufs[p], gsems[p])

        def wait_gather(p):
            pltpu.make_async_copy(w_hbm.at[qbufs[p]], gbufs[p],
                                  gsems[p]).wait()

        def start_out(k, p):
            pltpu.async_copy(tbufs[p], out_slice(k), osems[p])

        def wait_out(k, p):
            pltpu.make_async_copy(tbufs[p], out_slice(k), osems[p]).wait()

        def extract(k, p):
            gb = gbufs[p]
            tb = tbufs[p]
            cols, trows, tmask = [], [], []
            for g in range(GROUPS):
                xg = idx_all[pl.ds(k * W + g * LANES, LANES)]
                cols.append((xg >> QSH) * DIM)
                trows.append(jnp.maximum(xg - VCOV, 0))
                tmask.append(xg >= VCOV)

            @pl.loop(0, DIM)
            def _(d):
                dvec = jnp.full((LANES,), d, dtype=jnp.int32)
                vals = [plsc.load_gather(gb, [rows[g], cols[g] + d])
                        for g in range(GROUPS)]
                tvals = [plsc.load_gather(tail_v, [trows[g], dvec])
                         for g in range(GROUPS)]
                for g in range(GROUPS):
                    s, j = divmod(g, 128 // LANES)
                    tb[s, d, pl.ds(j * LANES, LANES)] = jnp.where(
                        tmask[g], tvals[g], vals[g])

        prep_gather(0, 0)

        @pl.loop(0, per_w, step=2)
        def _(k):
            for h in range(2):
                kk = k + h

                @pl.when(kk + 1 < per_w)
                def _():
                    prep_gather(kk + 1, (h + 1) % 2)

                wait_gather(h)

                @pl.when(kk >= 2)
                def _():
                    wait_out(kk - 2, h)

                extract(kk, h)
                start_out(kk, h)

        wait_out(per_w - 2, 0)
        wait_out(per_w - 1, 1)

    return gather_kernel(w128, tail, xp_flat)


def _tc_relayout(wt):
    nblk = QSZ // BLK
    full3 = (VCOV - 3 * QSZ) // BLK
    part3 = VCOV - 3 * QSZ - full3 * BLK

    def q3_copies(i, buf, sem):
        off = pl.multiple_of(i * BLK, 128)

        @pl.when(i < full3)
        def _():
            pltpu.make_async_copy(
                w_hbm_g[0].at[:, pl.ds(3 * QSZ + off, BLK)],
                buf.at[3], sem).start()

        @pl.when(i == full3)
        def _():
            pltpu.make_async_copy(
                w_hbm_g[0].at[:, pl.ds(3 * QSZ + full3 * BLK, part3)],
                buf.at[3, :, pl.ds(0, part3)], sem).start()

    def q3_waits(i, buf, sem):
        @pl.when(i < full3)
        def _():
            pltpu.make_async_copy(
                w_hbm_g[0].at[:, pl.ds(3 * QSZ, BLK)],
                buf.at[3], sem).wait()

        @pl.when(i == full3)
        def _():
            pltpu.make_async_copy(
                w_hbm_g[0].at[:, pl.ds(3 * QSZ, part3)],
                buf.at[3, :, pl.ds(0, part3)], sem).wait()

    w_hbm_g = []

    def start_block(i, buf, sem):
        off = pl.multiple_of(i * BLK, 128)
        for q in range(3):
            pltpu.make_async_copy(
                w_hbm_g[0].at[:, pl.ds(q * QSZ + off, BLK)],
                buf.at[q], sem).start()
        q3_copies(i, buf, sem)

    def wait_block(i, buf, sem):
        for q in range(3):
            pltpu.make_async_copy(
                w_hbm_g[0].at[:, pl.ds(q * QSZ, BLK)],
                buf.at[q], sem).wait()
        q3_waits(i, buf, sem)

    def body(w_hbm, o_ref, wbuf, sem0, sem1):
        if not w_hbm_g:
            w_hbm_g.append(w_hbm)
        else:
            w_hbm_g[0] = w_hbm
        i = pl.program_id(0)
        p = lax.rem(i, 2)
        sems = (sem0, sem1)

        @pl.when(i == 0)
        def _():
            start_block(i, wbuf.at[0], sem0)

        @pl.when((i + 1 < nblk) & (p == 0))
        def _():
            start_block(i + 1, wbuf.at[1], sem1)

        @pl.when((i + 1 < nblk) & (p == 1))
        def _():
            start_block(i + 1, wbuf.at[0], sem0)

        @pl.when(p == 0)
        def _():
            wait_block(i, wbuf.at[0], sem0)
            for q in range(4):
                o_ref[:, pl.ds(q * DIM, DIM)] = wbuf[0, q].T

        @pl.when(p == 1)
        def _():
            wait_block(i, wbuf.at[1], sem1)
            for q in range(4):
                o_ref[:, pl.ds(q * DIM, DIM)] = wbuf[1, q].T

    return pl.pallas_call(
        body,
        grid=(nblk,),
        in_specs=[pl.BlockSpec(memory_space=pltpu.MemorySpace.HBM)],
        out_specs=pl.BlockSpec((BLK, 128), lambda i: (i, 0)),
        out_shape=jax.ShapeDtypeStruct((QSZ, 128), jnp.float32),
        scratch_shapes=[pltpu.VMEM((2, 4, DIM, BLK), jnp.float32),
                        pltpu.SemaphoreType.DMA,
                        pltpu.SemaphoreType.DMA],
    )(wt)


def kernel(x, weight):
    b, t = x.shape
    n = x.size
    v = weight.shape[0]
    xp = x.reshape(b // 128, 128, t // 8, 8).transpose((2, 0, 3, 1))
    xp_flat = xp.reshape((n,)).astype(jnp.int32)
    w128 = _tc_relayout(weight.T)
    tail = lax.slice(weight, (VCOV, 0), (v, DIM))
    out3 = _sc_gather(w128, tail, xp_flat, n, b, t)
    return out3.transpose((2, 0, 1))

# --- scband reference (transcript-rebuilt; emitter-appended) ---
"""Pipeline reference for scband-embedding-56538949485232 (READ-ONLY COPY).

The authoritative reference and input builder live on the scoring server;
editing this copy changes nothing except your own understanding.
"""

import jax, jax.numpy as jnp
import numpy as np
import math

VOCAB_SIZE = 1000000
DIM = 32

def setup_inputs(seed: int = 0) -> dict:
    key = jax.random.key(seed)
    k_x, k_w = jax.random.split(key)
    x = jax.random.randint(k_x, (4096, 200), 0, VOCAB_SIZE, dtype=jnp.int64 if jax.config.jax_enable_x64 else jnp.int32)
    weight = jax.random.normal(k_w, (VOCAB_SIZE, DIM), dtype=jnp.float32) / math.sqrt(DIM)
    return {"x": x, "weight": weight}

def reference(x, weight):
    # y = weight[x]  (embedding gather)
    y = jnp.take(weight, x, axis=0)
    return y

if __name__ == "__main__":
    import jax
    _d = setup_inputs()
    print(jax.jit(kernel)(*tuple(_d.values())))

</pallas_src>

<mosaic_0001>
#map = affine_map<(d0, d1) -> (0, 0)>
#map1 = affine_map<(d0, d1) -> (0)>
#map2 = affine_map<(d0, d1) -> (0, 0, 0)>
module attributes {stable_mosaic.version = 14 : i64} {
  func.func @gather_kernel(%arg0: i32, %arg1: i32, %arg2: memref<262144x128xf32, #tpu.memory_space<hbm>>, %arg3: memref<64x32xf32, #tpu.memory_space<hbm>>, %arg4: memref<819200xi32, #tpu.memory_space<hbm>>, %arg5: memref<200x32x4096xf32, #tpu.memory_space<hbm>>, %arg6: memref<25600xi32, #tpu.memory_space<vmem>>, %arg7: memref<64x32xf32, #tpu.memory_space<vmem>>, %arg8: memref<256xi32, #tpu.memory_space<vmem>>, %arg9: memref<256xi32, #tpu.memory_space<vmem>>, %arg10: memref<256x128xf32, #tpu.memory_space<vmem>>, %arg11: memref<256x128xf32, #tpu.memory_space<vmem>>, %arg12: memref<2x32x128xf32, #tpu.memory_space<vmem>>, %arg13: memref<2x32x128xf32, #tpu.memory_space<vmem>>, %arg14: memref<!tpu.dma_semaphore, #tpu.memory_space<semaphore_mem>>, %arg15: memref<!tpu.dma_semaphore, #tpu.memory_space<semaphore_mem>>, %arg16: memref<!tpu.dma_semaphore, #tpu.memory_space<semaphore_mem>>, %arg17: memref<!tpu.dma_semaphore, #tpu.memory_space<semaphore_mem>>) attributes {dimension_semantics = [#tpu.dimension_semantics<core_parallel>, #tpu.dimension_semantics<subcore_parallel>], iteration_bounds = array<i64: 2, 16>, scalar_prefetch = 0 : i64, scratch_operands = 12 : i64, tpu.core_type = #tpu.core_type<sc_vector_subcore>, window_params = [{transform_indices = #map}, {transform_indices = #map}, {transform_indices = #map1}, {transform_indices = #map2}]} {
    %mul3A = arith.constant 2 : i32
    %mul3A_0 = arith.muli %arg1, %mul3A : i32
    %add3A = arith.addi %mul3A_0, %arg0 : i32
    %mul3A_1 = arith.constant 100 : i32
    %mul3A_2 = arith.muli %add3A, %mul3A_1 : i32
    %mul3A_3 = arith.constant 256 : i32
    %mul3A_4 = arith.muli %mul3A_2, %mul3A_3 : i32
    "tpu.region"() ({
      %run_scoped3A = tpu.sem_alloc : memref<!tpu.dma_semaphore, #tpu.memory_space<semaphore_mem>>
      %dma_start3A_200 = tpu.memref_slice %arg4[%mul3A_4] : memref<819200xi32, #tpu.memory_space<hbm>> -> memref<25600xi32, #tpu.memory_space<hbm>>
      %dma_start3A_201 = tpu.memref_slice %arg4[%mul3A_4] : memref<819200xi32, #tpu.memory_space<hbm>> -> memref<25600xi32, #tpu.memory_space<hbm>>
      tpu.enqueue_dma source(%dma_start3A_201 : memref<25600xi32, #tpu.memory_space<hbm>>) target(%arg6 : memref<25600xi32, #tpu.memory_space<vmem>>) target_semaphore(%run_scoped3A : memref<!tpu.dma_semaphore, #tpu.memory_space<semaphore_mem>>)
      %dma_wait3A_202 = tpu.memref_slice %arg4[%mul3A_4] : memref<819200xi32, #tpu.memory_space<hbm>> -> memref<25600xi32, #tpu.memory_space<hbm>>
      %dma_wait3A_203 = tpu.memref_slice %arg4[%mul3A_4] : memref<819200xi32, #tpu.memory_space<hbm>> -> memref<25600xi32, #tpu.memory_space<hbm>>
      tpu.wait_dma2 semaphore(%run_scoped3A : memref<!tpu.dma_semaphore, #tpu.memory_space<semaphore_mem>>) src(%dma_wait3A_203 : memref<25600xi32, #tpu.memory_space<hbm>>) dst(%arg6 : memref<25600xi32, #tpu.memory_space<vmem>>)
      tpu.yield
    }) : () -> ()
    "tpu.region"() ({
      %run_scoped3A = tpu.sem_alloc : memref<!tpu.dma_semaphore, #tpu.memory_space<semaphore_mem>>
      tpu.enqueue_dma source(%arg3 : memref<64x32xf32, #tpu.memory_space<hbm>>) target(%arg7 : memref<64x32xf32, #tpu.memory_space<vmem>>) target_semaphore(%run_scoped3A : memref<!tpu.dma_semaphore, #tpu.memory_space<semaphore_mem>>)
      tpu.wait_dma2 semaphore(%run_scoped3A : memref<!tpu.dma_semaphore, #tpu.memory_space<semaphore_mem>>) src(%arg3 : memref<64x32xf32, #tpu.memory_space<hbm>>) dst(%arg7 : memref<64x32xf32, #tpu.memory_space<vmem>>)
      tpu.yield
    }) : () -> ()
    %iota3A = tpu.iota {dimensions = array<i32: 0>} : vector<16xi32>
    %add3A_5 = arith.constant 0 : i32
    %add3A_6 = vector.broadcast %add3A_5 : i32 to vector<16xi32>
    %add3A_7 = arith.addi %iota3A, %add3A_6 : vector<16xi32>
    %iota3A_8 = tpu.iota {dimensions = array<i32: 0>} : vector<16xi32>
    %add3A_9 = arith.constant 16 : i32
    %add3A_10 = vector.broadcast %add3A_9 : i32 to vector<16xi32>
    %add3A_11 = arith.addi %iota3A_8, %add3A_10 : vector<16xi32>
    %iota3A_12 = tpu.iota {dimensions = array<i32: 0>} : vector<16xi32>
    %add3A_13 = arith.constant 32 : i32
    %add3A_14 = vector.broadcast %add3A_13 : i32 to vector<16xi32>
    %add3A_15 = arith.addi %iota3A_12, %add3A_14 : vector<16xi32>
    %iota3A_16 = tpu.iota {dimensions = array<i32: 0>} : vector<16xi32>
    %add3A_17 = arith.constant 48 : i32
    %add3A_18 = vector.broadcast %add3A_17 : i32 to vector<16xi32>
    %add3A_19 = arith.addi %iota3A_16, %add3A_18 : vector<16xi32>
    %iota3A_20 = tpu.iota {dimensions = array<i32: 0>} : vector<16xi32>
    %add3A_21 = arith.constant 64 : i32
    %add3A_22 = vector.broadcast %add3A_21 : i32 to vector<16xi32>
    %add3A_23 = arith.addi %iota3A_20, %add3A_22 : vector<16xi32>
    %iota3A_24 = tpu.iota {dimensions = array<i32: 0>} : vector<16xi32>
    %add3A_25 = arith.constant 80 : i32
    %add3A_26 = vector.broadcast %add3A_25 : i32 to vector<16xi32>
    %add3A_27 = arith.addi %iota3A_24, %add3A_26 : vector<16xi32>
    %iota3A_28 = tpu.iota {dimensions = array<i32: 0>} : vector<16xi32>
    %add3A_29 = arith.constant 96 : i32
    %add3A_30 = vector.broadcast %add3A_29 : i32 to vector<16xi32>
    %add3A_31 = arith.addi %iota3A_28, %add3A_30 : vector<16xi32>
    %iota3A_32 = tpu.iota {dimensions = array<i32: 0>} : vector<16xi32>
    %add3A_33 = arith.constant 112 : i32
    %add3A_34 = vector.broadcast %add3A_33 : i32 to vector<16xi32>
    %add3A_35 = arith.addi %iota3A_32, %add3A_34 : vector<16xi32>
    %iota3A_36 = tpu.iota {dimensions = array<i32: 0>} : vector<16xi32>
    %add3A_37 = arith.constant 128 : i32
    %add3A_38 = vector.broadcast %add3A_37 : i32 to vector<16xi32>
    %add3A_39 = arith.addi %iota3A_36, %add3A_38 : vector<16xi32>
    %iota3A_40 = tpu.iota {dimensions = array<i32: 0>} : vector<16xi32>
    %add3A_41 = arith.constant 144 : i32
    %add3A_42 = vector.broadcast %add3A_41 : i32 to vector<16xi32>
    %add3A_43 = arith.addi %iota3A_40, %add3A_42 : vector<16xi32>
    %iota3A_44 = tpu.iota {dimensions = array<i32: 0>} : vector<16xi32>
    %add3A_45 = arith.constant 160 : i32
    %add3A_46 = vector.broadcast %add3A_45 : i32 to vector<16xi32>
    %add3A_47 = arith.addi %iota3A_44, %add3A_46 : vector<16xi32>
    %iota3A_48 = tpu.iota {dimensions = array<i32: 0>} : vector<16xi32>
    %add3A_49 = arith.constant 176 : i32
    %add3A_50 = vector.broadcast %add3A_49 : i32 to vector<16xi32>
    %add3A_51 = arith.addi %iota3A_48, %add3A_50 : vector<16xi32>
    %iota3A_52 = tpu.iota {dimensions = array<i32: 0>} : vector<16xi32>
    %add3A_53 = arith.constant 192 : i32
    %add3A_54 = vector.broadcast %add3A_53 : i32 to vector<16xi32>
    %add3A_55 = arith.addi %iota3A_52, %add3A_54 : vector<16xi32>
    %iota3A_56 = tpu.iota {dimensions = array<i32: 0>} : vector<16xi32>
    %add3A_57 = arith.constant 208 : i32
    %add3A_58 = vector.broadcast %add3A_57 : i32 to vector<16xi32>
    %add3A_59 = arith.addi %iota3A_56, %add3A_58 : vector<16xi32>
    %iota3A_60 = tpu.iota {dimensions = array<i32: 0>} : vector<16xi32>
    %add3A_61 = arith.constant 224 : i32
    %add3A_62 = vector.broadcast %add3A_61 : i32 to vector<16xi32>
    %add3A_63 = arith.addi %iota3A_60, %add3A_62 : vector<16xi32>
    %iota3A_64 = tpu.iota {dimensions = array<i32: 0>} : vector<16xi32>
    %add3A_65 = arith.constant 240 : i32
    %add3A_66 = vector.broadcast %add3A_65 : i32 to vector<16xi32>
    %add3A_67 = arith.addi %iota3A_64, %add3A_66 : vector<16xi32>
    %scan3A = arith.constant 0 : i32
    %scan3A_68 = arith.constant 16 : i32
    %scan3A_69 = arith.addi %scan3A, %scan3A_68 : i32
    %scan3A_70 = arith.constant 1 : i32
    scf.for %scan3A_200 = %scan3A to %scan3A_69 step %scan3A_70  : i32 {
      %mul3A_201 = arith.constant 1 : i32
      %mul3A_202 = arith.muli %scan3A_200, %mul3A_201 : i32
      %add3A_203 = arith.constant 0 : i32
      %add3A_204 = arith.addi %add3A_203, %mul3A_202 : i32
      %mul3A_205 = arith.constant 16 : i32
      %mul3A_206 = arith.muli %add3A_204, %mul3A_205 : i32
      %add3A_207 = arith.constant 0 : i32
      %add3A_208 = arith.addi %add3A_207, %mul3A_206 : i32
      %get3A = arith.index_cast %add3A_208 : i32 to index
      %get3A_209 = tpu.vector_load %arg6[%get3A] {strides = array<i32>} : memref<25600xi32, #tpu.memory_space<vmem>>, vector<16xi32>,
      %and3A_210 = arith.constant 262143 : i32
      %and3A_211 = vector.broadcast %and3A_210 : i32 to vector<16xi32>
      %and3A_212 = arith.andi %get3A_209, %and3A_211 : vector<16xi32>
      %mul3A_213 = arith.constant 16 : i32
      %mul3A_214 = arith.muli %add3A_204, %mul3A_213 : i32
      %swap3A = arith.index_cast %mul3A_214 : i32 to index
      %swap3A_215 = tpu.vector_load %arg8[%swap3A] {strides = array<i32>} : memref<256xi32, #tpu.memory_space<vmem>>, vector<16xi32>,
      tpu.vector_store %arg8[%swap3A], %and3A_212 {strides = array<i32>} : memref<256xi32, #tpu.memory_space<vmem>>, vector<16xi32>,
    }
    %scan3A_71 = arith.constant 16 : i32
    %dma_start3A = arith.constant 0 : i32
    %dma_start3A_72 = arith.constant 0 : i32
    %dma_start3A_73 = tpu.memref_slice %arg2[%dma_start3A, %dma_start3A_72] : memref<262144x128xf32, #tpu.memory_space<hbm>> -> memref<262144x128xf32, #tpu.memory_space<hbm>>
    tpu.enqueue_indirect_dma source(%dma_start3A_73 : memref<262144x128xf32, #tpu.memory_space<hbm>>) target(%arg10 : memref<256x128xf32, #tpu.memory_space<vmem>>) offsets(%arg8 : memref<256xi32, #tpu.memory_space<vmem>>) semaphore(%arg14 : memref<!tpu.dma_semaphore, #tpu.memory_space<semaphore_mem>>)
    %scan3A_74 = arith.constant 0 : i32
    %scan3A_75 = arith.constant 50 : i32
    %scan3A_76 = arith.addi %scan3A_74, %scan3A_75 : i32
    %scan3A_77 = arith.constant 1 : i32
    scf.for %scan3A_200 = %scan3A_74 to %scan3A_76 step %scan3A_77  : i32 {
      %mul3A_201 = arith.constant 2 : i32
      %mul3A_202 = arith.muli %scan3A_200, %mul3A_201 : i32
      %add3A_203 = arith.constant 0 : i32
      %add3A_204 = arith.addi %add3A_203, %mul3A_202 : i32
      %add3A_205 = arith.constant 0 : i32
      %add3A_206 = arith.addi %add3A_204, %add3A_205 : i32
      %add3A_207 = arith.constant 1 : i32
      %add3A_208 = arith.addi %add3A_206, %add3A_207 : i32
      %lt3A = arith.constant 100 : i32
      %lt3A_209 = arith.cmpi slt, %add3A_208, %lt3A : i32
      %convert_element_type3A = arith.extui %lt3A_209 : i1 to i32
      %cond3A = arith.constant 0 : i32
      %cond3A_210 = arith.cmpi ne, %convert_element_type3A, %cond3A : i32
      scf.if %cond3A_210 {
        %add3A_1042 = arith.constant 1 : i32
        %add3A_1043 = arith.addi %add3A_206, %add3A_1042 : i32
        %scan3A_1044 = arith.constant 0 : i32
        %scan3A_1045 = arith.constant 16 : i32
        %scan3A_1046 = arith.addi %scan3A_1044, %scan3A_1045 : i32
        %scan3A_1047 = arith.constant 1 : i32
        scf.for %scan3A_1052 = %scan3A_1044 to %scan3A_1046 step %scan3A_1047  : i32 {
          %mul3A_1053 = arith.constant 1 : i32
          %mul3A_1054 = arith.muli %scan3A_1052, %mul3A_1053 : i32
          %add3A_1055 = arith.constant 0 : i32
          %add3A_1056 = arith.addi %add3A_1055, %mul3A_1054 : i32
          %mul3A_1057 = arith.constant 256 : i32
          %mul3A_1058 = arith.muli %add3A_1043, %mul3A_1057 : i32
          %mul3A_1059 = arith.constant 16 : i32
          %mul3A_1060 = arith.muli %add3A_1056, %mul3A_1059 : i32
          %add3A_1061 = arith.addi %mul3A_1058, %mul3A_1060 : i32
          %get3A_1062 = arith.index_cast %add3A_1061 : i32 to index
          %get3A_1063 = tpu.vector_load %arg6[%get3A_1062] {strides = array<i32>} : memref<25600xi32, #tpu.memory_space<vmem>>, vector<16xi32>,
          %and3A_1064 = arith.constant 262143 : i32
          %and3A_1065 = vector.broadcast %and3A_1064 : i32 to vector<16xi32>
          %and3A_1066 = arith.andi %get3A_1063, %and3A_1065 : vector<16xi32>
          %mul3A_1067 = arith.constant 16 : i32
          %mul3A_1068 = arith.muli %add3A_1056, %mul3A_1067 : i32
          %swap3A = arith.index_cast %mul3A_1068 : i32 to index
          %swap3A_1069 = tpu.vector_load %arg9[%swap3A] {strides = array<i32>} : memref<256xi32, #tpu.memory_space<vmem>>, vector<16xi32>,
          tpu.vector_store %arg9[%swap3A], %and3A_1066 {strides = array<i32>} : memref<256xi32, #tpu.memory_space<vmem>>, vector<16xi32>,
        }
        %scan3A_1048 = arith.constant 16 : i32
        %dma_start3A_1049 = arith.constant 0 : i32
        %dma_start3A_1050 = arith.constant 0 : i32
        %dma_start3A_1051 = tpu.memref_slice %arg2[%dma_start3A_1049, %dma_start3A_1050] : memref<262144x128xf32, #tpu.memory_space<hbm>> -> memref<262144x128xf32, #tpu.memory_space<hbm>>
        tpu.enqueue_indirect_dma source(%dma_start3A_1051 : memref<262144x128xf32, #tpu.memory_space<hbm>>) target(%arg11 : memref<256x128xf32, #tpu.memory_space<vmem>>) offsets(%arg9 : memref<256xi32, #tpu.memory_space<vmem>>) semaphore(%arg15 : memref<!tpu.dma_semaphore, #tpu.memory_space<semaphore_mem>>)
      } else {
      }
      %dma_wait3A_211 = arith.constant 0 : i32
      %dma_wait3A_212 = arith.constant 0 : i32
      %dma_wait3A_213 = tpu.memref_slice %arg2[%dma_wait3A_211, %dma_wait3A_212] : memref<262144x128xf32, #tpu.memory_space<hbm>> -> memref<262144x128xf32, #tpu.memory_space<hbm>>
      tpu.wait_indirect_dma semaphore(%arg14 : memref<!tpu.dma_semaphore, #tpu.memory_space<semaphore_mem>>) src(%dma_wait3A_213 : memref<262144x128xf32, #tpu.memory_space<hbm>>) dst(%arg10 : memref<256x128xf32, #tpu.memory_space<vmem>>)
      %ge3A = arith.constant 2 : i32
      %ge3A_214 = arith.cmpi sge, %add3A_206, %ge3A : i32
      %convert_element_type3A_215 = arith.extui %ge3A_214 : i1 to i32
      %cond3A_216 = arith.constant 0 : i32
      %cond3A_217 = arith.cmpi ne, %convert_element_type3A_215, %cond3A_216 : i32
      scf.if %cond3A_217 {
        %sub3A_1042 = arith.constant 2 : i32
        %sub3A_1043 = arith.subi %add3A_206, %sub3A_1042 : i32
        %add3A_1044 = arith.addi %mul3A_2, %sub3A_1043 : i32
        %jit3A_1045 = arith.constant 128 : i32
        %div3A_1046 = arith.divsi %add3A_1044, %jit3A_1045 : i32
        %sign3A_1047 = arith.constant 0 : i32
        %sign3A_1048 = arith.cmpi sgt, %add3A_1044, %sign3A_1047 : i32
        %sign3A_1049 = arith.extui %sign3A_1048 : i1 to i32
        %sign3A_1050 = arith.constant 0 : i32
        %sign3A_1051 = arith.cmpi slt, %add3A_1044, %sign3A_1050 : i32
        %sign3A_1052 = arith.extui %sign3A_1051 : i1 to i32
        %sign3A_1053 = arith.subi %sign3A_1049, %sign3A_1052 : i32
        %sign3A_1054 = arith.constant 0 : i32
        %sign3A_1055 = arith.cmpi sgt, %jit3A_1045, %sign3A_1054 : i32
        %sign3A_1056 = arith.extui %sign3A_1055 : i1 to i32
        %sign3A_1057 = arith.constant 0 : i32
        %sign3A_1058 = arith.cmpi slt, %jit3A_1045, %sign3A_1057 : i32
        %sign3A_1059 = arith.extui %sign3A_1058 : i1 to i32
        %sign3A_1060 = arith.subi %sign3A_1056, %sign3A_1059 : i32
        %ne3A_1061 = arith.cmpi ne, %sign3A_1053, %sign3A_1060 : i32
        %rem3A_1062 = arith.remsi %add3A_1044, %jit3A_1045 : i32
        %ne3A_1063 = arith.constant 0 : i32
        %ne3A_1064 = arith.cmpi ne, %rem3A_1062, %ne3A_1063 : i32
        %and3A_1065 = arith.andi %ne3A_1061, %ne3A_1064 : i1
        %sub3A_1066 = arith.constant 1 : i32
        %sub3A_1067 = arith.subi %div3A_1046, %sub3A_1066 : i32
        %select_n3A_1068 = arith.select %and3A_1065, %sub3A_1067, %div3A_1046 : i32
        %rem3A_1069 = arith.constant 128 : i32
        %rem3A_1070 = arith.remsi %add3A_1044, %rem3A_1069 : i32
        %jit3A_1071 = arith.constant 4 : i32
        %div3A_1072 = arith.divsi %rem3A_1070, %jit3A_1071 : i32
        %sign3A_1073 = arith.constant 0 : i32
        %sign3A_1074 = arith.cmpi sgt, %rem3A_1070, %sign3A_1073 : i32
        %sign3A_1075 = arith.extui %sign3A_1074 : i1 to i32
        %sign3A_1076 = arith.constant 0 : i32
        %sign3A_1077 = arith.cmpi slt, %rem3A_1070, %sign3A_1076 : i32
        %sign3A_1078 = arith.extui %sign3A_1077 : i1 to i32
        %sign3A_1079 = arith.subi %sign3A_1075, %sign3A_1078 : i32
        %sign3A_1080 = arith.constant 0 : i32
        %sign3A_1081 = arith.cmpi sgt, %jit3A_1071, %sign3A_1080 : i32
        %sign3A_1082 = arith.extui %sign3A_1081 : i1 to i32
        %sign3A_1083 = arith.constant 0 : i32
        %sign3A_1084 = arith.cmpi slt, %jit3A_1071, %sign3A_1083 : i32
        %sign3A_1085 = arith.extui %sign3A_1084 : i1 to i32
        %sign3A_1086 = arith.subi %sign3A_1082, %sign3A_1085 : i32
        %ne3A_1087 = arith.cmpi ne, %sign3A_1079, %sign3A_1086 : i32
        %rem3A_1088 = arith.remsi %rem3A_1070, %jit3A_1071 : i32
        %ne3A_1089 = arith.constant 0 : i32
        %ne3A_1090 = arith.cmpi ne, %rem3A_1088, %ne3A_1089 : i32
        %and3A_1091 = arith.andi %ne3A_1087, %ne3A_1090 : i1
        %sub3A_1092 = arith.constant 1 : i32
        %sub3A_1093 = arith.subi %div3A_1072, %sub3A_1092 : i32
        %select_n3A_1094 = arith.select %and3A_1091, %sub3A_1093, %div3A_1072 : i32
        %mul3A_1095 = arith.constant 8 : i32
        %mul3A_1096 = arith.muli %select_n3A_1068, %mul3A_1095 : i32
        %rem3A_1097 = arith.constant 4 : i32
        %rem3A_1098 = arith.remsi %add3A_1044, %rem3A_1097 : i32
        %mul3A_1099 = arith.constant 2 : i32
        %mul3A_1100 = arith.muli %rem3A_1098, %mul3A_1099 : i32
        %add3A_1101 = arith.addi %mul3A_1096, %mul3A_1100 : i32
        %mul3A_1102 = arith.constant 128 : i32
        %mul3A_1103 = arith.muli %select_n3A_1094, %mul3A_1102 : i32
        %dma_wait3A_1104 = arith.constant 0 : i32
        %dma_wait3A_1105 = tpu.memref_slice %arg5[%add3A_1101, %dma_wait3A_1104, %mul3A_1103] : memref<200x32x4096xf32, #tpu.memory_space<hbm>> -> memref<2x32x128xf32, #tpu.memory_space<hbm>>
        %dma_wait3A_1106 = arith.constant 0 : i32
        %dma_wait3A_1107 = tpu.memref_slice %arg5[%add3A_1101, %dma_wait3A_1106, %mul3A_1103] : memref<200x32x4096xf32, #tpu.memory_space<hbm>> -> memref<2x32x128xf32, #tpu.memory_space<hbm>>
        tpu.wait_dma2 semaphore(%arg16 : memref<!tpu.dma_semaphore, #tpu.memory_space<semaphore_mem>>) src(%arg12 : memref<2x32x128xf32, #tpu.memory_space<vmem>>) dst(%dma_wait3A_1107 : memref<2x32x128xf32, #tpu.memory_space<hbm>>)
      } else {
      }
      %mul3A_218 = arith.constant 256 : i32
      %mul3A_219 = arith.muli %add3A_206, %mul3A_218 : i32
      %add3A_220 = arith.constant 0 : i32
      %add3A_221 = arith.addi %mul3A_219, %add3A_220 : i32
      %get3A = arith.index_cast %add3A_221 : i32 to index
      %get3A_222 = tpu.vector_load %arg6[%get3A] {strides = array<i32>} : memref<25600xi32, #tpu.memory_space<vmem>>, vector<16xi32>,
      %shift_right_arithmetic3A = arith.constant 18 : i32
      %shift_right_arithmetic3A_223 = vector.broadcast %shift_right_arithmetic3A : i32 to vector<16xi32>
      %shift_right_arithmetic3A_224 = arith.shrsi %get3A_222, %shift_right_arithmetic3A_223 : vector<16xi32>
      %mul3A_225 = arith.constant 32 : i32
      %mul3A_226 = vector.broadcast %mul3A_225 : i32 to vector<16xi32>
      %mul3A_227 = arith.muli %shift_right_arithmetic3A_224, %mul3A_226 : vector<16xi32>
      %sub3A_228 = arith.constant 999936 : i32
      %sub3A_229 = vector.broadcast %sub3A_228 : i32 to vector<16xi32>
      %sub3A_230 = arith.subi %get3A_222, %sub3A_229 : vector<16xi32>
      %max3A = arith.constant 0 : i32
      %max3A_231 = vector.broadcast %max3A : i32 to vector<16xi32>
      %max3A_232 = arith.maxsi %sub3A_230, %max3A_231 : vector<16xi32>
      %ge3A_233 = arith.constant 999936 : i32
      %ge3A_234 = vector.broadcast %ge3A_233 : i32 to vector<16xi32>
      %ge3A_235 = arith.cmpi sge, %get3A_222, %ge3A_234 : vector<16xi32>
      %mul3A_236 = arith.constant 256 : i32
      %mul3A_237 = arith.muli %add3A_206, %mul3A_236 : i32
      %add3A_238 = arith.constant 16 : i32
      %add3A_239 = arith.addi %mul3A_237, %add3A_238 : i32
      %get3A_240 = arith.index_cast %add3A_239 : i32 to index
      %get3A_241 = tpu.vector_load %arg6[%get3A_240] {strides = array<i32>} : memref<25600xi32, #tpu.memory_space<vmem>>, vector<16xi32>,
      %shift_right_arithmetic3A_242 = arith.constant 18 : i32
      %shift_right_arithmetic3A_243 = vector.broadcast %shift_right_arithmetic3A_242 : i32 to vector<16xi32>
      %shift_right_arithmetic3A_244 = arith.shrsi %get3A_241, %shift_right_arithmetic3A_243 : vector<16xi32>
      %mul3A_245 = arith.constant 32 : i32
      %mul3A_246 = vector.broadcast %mul3A_245 : i32 to vector<16xi32>
      %mul3A_247 = arith.muli %shift_right_arithmetic3A_244, %mul3A_246 : vector<16xi32>
      %sub3A_248 = arith.constant 999936 : i32
      %sub3A_249 = vector.broadcast %sub3A_248 : i32 to vector<16xi32>
      %sub3A_250 = arith.subi %get3A_241, %sub3A_249 : vector<16xi32>
      %max3A_251 = arith.constant 0 : i32
      %max3A_252 = vector.broadcast %max3A_251 : i32 to vector<16xi32>
      %max3A_253 = arith.maxsi %sub3A_250, %max3A_252 : vector<16xi32>
      %ge3A_254 = arith.constant 999936 : i32
      %ge3A_255 = vector.broadcast %ge3A_254 : i32 to vector<16xi32>
      %ge3A_256 = arith.cmpi sge, %get3A_241, %ge3A_255 : vector<16xi32>
      %mul3A_257 = arith.constant 256 : i32
      %mul3A_258 = arith.muli %add3A_206, %mul3A_257 : i32
      %add3A_259 = arith.constant 32 : i32
      %add3A_260 = arith.addi %mul3A_258, %add3A_259 : i32
      %get3A_261 = arith.index_cast %add3A_260 : i32 to index
      %get3A_262 = tpu.vector_load %arg6[%get3A_261] {strides = array<i32>} : memref<25600xi32, #tpu.memory_space<vmem>>, vector<16xi32>,
      %shift_right_arithmetic3A_263 = arith.constant 18 : i32
      %shift_right_arithmetic3A_264 = vector.broadcast %shift_right_arithmetic3A_263 : i32 to vector<16xi32>
      %shift_right_arithmetic3A_265 = arith.shrsi %get3A_262, %shift_right_arithmetic3A_264 : vector<16xi32>
      %mul3A_266 = arith.constant 32 : i32
      %mul3A_267 = vector.broadcast %mul3A_266 : i32 to vector<16xi32>
      %mul3A_268 = arith.muli %shift_right_arithmetic3A_265, %mul3A_267 : vector<16xi32>
      %sub3A_269 = arith.constant 999936 : i32
      %sub3A_270 = vector.broadcast %sub3A_269 : i32 to vector<16xi32>
      %sub3A_271 = arith.subi %get3A_262, %sub3A_270 : vector<16xi32>
      %max3A_272 = arith.constant 0 : i32
      %max3A_273 = vector.broadcast %max3A_272 : i32 to vector<16xi32>
      %max3A_274 = arith.maxsi %sub3A_271, %max3A_273 : vector<16xi32>
      %ge3A_275 = arith.constant 999936 : i32
      %ge3A_276 = vector.broadcast %ge3A_275 : i32 to vector<16xi32>
      %ge3A_277 = arith.cmpi sge, %get3A_262, %ge3A_276 : vector<16xi32>
      %mul3A_278 = arith.constant 256 : i32
      %mul3A_279 = arith.muli %add3A_206, %mul3A_278 : i32
      %add3A_280 = arith.constant 48 : i32
      %add3A_281 = arith.addi %mul3A_279, %add3A_280 : i32
      %get3A_282 = arith.index_cast %add3A_281 : i32 to index
      %get3A_283 = tpu.vector_load %arg6[%get3A_282] {strides = array<i32>} : memref<25600xi32, #tpu.memory_space<vmem>>, vector<16xi32>,
      %shift_right_arithmetic3A_284 = arith.constant 18 : i32
      %shift_right_arithmetic3A_285 = vector.broadcast %shift_right_arithmetic3A_284 : i32 to vector<16xi32>
      %shift_right_arithmetic3A_286 = arith.shrsi %get3A_283, %shift_right_arithmetic3A_285 : vector<16xi32>
      %mul3A_287 = arith.constant 32 : i32
      %mul3A_288 = vector.broadcast %mul3A_287 : i32 to vector<16xi32>
      %mul3A_289 = arith.muli %shift_right_arithmetic3A_286, %mul3A_288 : vector<16xi32>
      %sub3A_290 = arith.constant 999936 : i32
      %sub3A_291 = vector.broadcast %sub3A_290 : i32 to vector<16xi32>
      %sub3A_292 = arith.subi %get3A_283, %sub3A_291 : vector<16xi32>
      %max3A_293 = arith.constant 0 : i32
      %max3A_294 = vector.broadcast %max3A_293 : i32 to vector<16xi32>
      %max3A_295 = arith.maxsi %sub3A_292, %max3A_294 : vector<16xi32>
      %ge3A_296 = arith.constant 999936 : i32
      %ge3A_297 = vector.broadcast %ge3A_296 : i32 to vector<16xi32>
      %ge3A_298 = arith.cmpi sge, %get3A_283, %ge3A_297 : vector<16xi32>
      %mul3A_299 = arith.constant 256 : i32
      %mul3A_300 = arith.muli %add3A_206, %mul3A_299 : i32
      %add3A_301 = arith.constant 64 : i32
      %add3A_302 = arith.addi %mul3A_300, %add3A_301 : i32
      %get3A_303 = arith.index_cast %add3A_302 : i32 to index
      %get3A_304 = tpu.vector_load %arg6[%get3A_303] {strides = array<i32>} : memref<25600xi32, #tpu.memory_space<vmem>>, vector<16xi32>,
      %shift_right_arithmetic3A_305 = arith.constant 18 : i32
      %shift_right_arithmetic3A_306 = vector.broadcast %shift_right_arithmetic3A_305 : i32 to vector<16xi32>
      %shift_right_arithmetic3A_307 = arith.shrsi %get3A_304, %shift_right_arithmetic3A_306 : vector<16xi32>
      %mul3A_308 = arith.constant 32 : i32
      %mul3A_309 = vector.broadcast %mul3A_308 : i32 to vector<16xi32>
      %mul3A_310 = arith.muli %shift_right_arithmetic3A_307, %mul3A_309 : vector<16xi32>
      %sub3A_311 = arith.constant 999936 : i32
      %sub3A_312 = vector.broadcast %sub3A_311 : i32 to vector<16xi32>
      %sub3A_313 = arith.subi %get3A_304, %sub3A_312 : vector<16xi32>
      %max3A_314 = arith.constant 0 : i32
      %max3A_315 = vector.broadcast %max3A_314 : i32 to vector<16xi32>
      %max3A_316 = arith.maxsi %sub3A_313, %max3A_315 : vector<16xi32>
      %ge3A_317 = arith.constant 999936 : i32
      %ge3A_318 = vector.broadcast %ge3A_317 : i32 to vector<16xi32>
      %ge3A_319 = arith.cmpi sge, %get3A_304, %ge3A_318 : vector<16xi32>
      %mul3A_320 = arith.constant 256 : i32
      %mul3A_321 = arith.muli %add3A_206, %mul3A_320 : i32
      %add3A_322 = arith.constant 80 : i32
      %add3A_323 = arith.addi %mul3A_321, %add3A_322 : i32
      %get3A_324 = arith.index_cast %add3A_323 : i32 to index
      %get3A_325 = tpu.vector_load %arg6[%get3A_324] {strides = array<i32>} : memref<25600xi32, #tpu.memory_space<vmem>>, vector<16xi32>,
      %shift_right_arithmetic3A_326 = arith.constant 18 : i32
      %shift_right_arithmetic3A_327 = vector.broadcast %shift_right_arithmetic3A_326 : i32 to vector<16xi32>
      %shift_right_arithmetic3A_328 = arith.shrsi %get3A_325, %shift_right_arithmetic3A_327 : vector<16xi32>
      %mul3A_329 = arith.constant 32 : i32
      %mul3A_330 = vector.broadcast %mul3A_329 : i32 to vector<16xi32>
      %mul3A_331 = arith.muli %shift_right_arithmetic3A_328, %mul3A_330 : vector<16xi32>
      %sub3A_332 = arith.constant 999936 : i32
      %sub3A_333 = vector.broadcast %sub3A_332 : i32 to vector<16xi32>
      %sub3A_334 = arith.subi %get3A_325, %sub3A_333 : vector<16xi32>
      %max3A_335 = arith.constant 0 : i32
      %max3A_336 = vector.broadcast %max3A_335 : i32 to vector<16xi32>
      %max3A_337 = arith.maxsi %sub3A_334, %max3A_336 : vector<16xi32>
      %ge3A_338 = arith.constant 999936 : i32
      %ge3A_339 = vector.broadcast %ge3A_338 : i32 to vector<16xi32>
      %ge3A_340 = arith.cmpi sge, %get3A_325, %ge3A_339 : vector<16xi32>
      %mul3A_341 = arith.constant 256 : i32
      %mul3A_342 = arith.muli %add3A_206, %mul3A_341 : i32
      %add3A_343 = arith.constant 96 : i32
      %add3A_344 = arith.addi %mul3A_342, %add3A_343 : i32
      %get3A_345 = arith.index_cast %add3A_344 : i32 to index
      %get3A_346 = tpu.vector_load %arg6[%get3A_345] {strides = array<i32>} : memref<25600xi32, #tpu.memory_space<vmem>>, vector<16xi32>,
      %shift_right_arithmetic3A_347 = arith.constant 18 : i32
      %shift_right_arithmetic3A_348 = vector.broadcast %shift_right_arithmetic3A_347 : i32 to vector<16xi32>
      %shift_right_arithmetic3A_349 = arith.shrsi %get3A_346, %shift_right_arithmetic3A_348 : vector<16xi32>
      %mul3A_350 = arith.constant 32 : i32
      %mul3A_351 = vector.broadcast %mul3A_350 : i32 to vector<16xi32>
      %mul3A_352 = arith.muli %shift_right_arithmetic3A_349, %mul3A_351 : vector<16xi32>
      %sub3A_353 = arith.constant 999936 : i32
      %sub3A_354 = vector.broadcast %sub3A_353 : i32 to vector<16xi32>
      %sub3A_355 = arith.subi %get3A_346, %sub3A_354 : vector<16xi32>
      %max3A_356 = arith.constant 0 : i32
      %max3A_357 = vector.broadcast %max3A_356 : i32 to vector<16xi32>
      %max3A_358 = arith.maxsi %sub3A_355, %max3A_357 : vector<16xi32>
      %ge3A_359 = arith.constant 999936 : i32
      %ge3A_360 = vector.broadcast %ge3A_359 : i32 to vector<16xi32>
      %ge3A_361 = arith.cmpi sge, %get3A_346, %ge3A_360 : vector<16xi32>
      %mul3A_362 = arith.constant 256 : i32
      %mul3A_363 = arith.muli %add3A_206, %mul3A_362 : i32
      %add3A_364 = arith.constant 112 : i32
      %add3A_365 = arith.addi %mul3A_363, %add3A_364 : i32
      %get3A_366 = arith.index_cast %add3A_365 : i32 to index
      %get3A_367 = tpu.vector_load %arg6[%get3A_366] {strides = array<i32>} : memref<25600xi32, #tpu.memory_space<vmem>>, vector<16xi32>,
      %shift_right_arithmetic3A_368 = arith.constant 18 : i32
      %shift_right_arithmetic3A_369 = vector.broadcast %shift_right_arithmetic3A_368 : i32 to vector<16xi32>
      %shift_right_arithmetic3A_370 = arith.shrsi %get3A_367, %shift_right_arithmetic3A_369 : vector<16xi32>
      %mul3A_371 = arith.constant 32 : i32
      %mul3A_372 = vector.broadcast %mul3A_371 : i32 to vector<16xi32>
      %mul3A_373 = arith.muli %shift_right_arithmetic3A_370, %mul3A_372 : vector<16xi32>
      %sub3A_374 = arith.constant 999936 : i32
      %sub3A_375 = vector.broadcast %sub3A_374 : i32 to vector<16xi32>
      %sub3A_376 = arith.subi %get3A_367, %sub3A_375 : vector<16xi32>
      %max3A_377 = arith.constant 0 : i32
      %max3A_378 = vector.broadcast %max3A_377 : i32 to vector<16xi32>
      %max3A_379 = arith.maxsi %sub3A_376, %max3A_378 : vector<16xi32>
      %ge3A_380 = arith.constant 999936 : i32
      %ge3A_381 = vector.broadcast %ge3A_380 : i32 to vector<16xi32>
      %ge3A_382 = arith.cmpi sge, %get3A_367, %ge3A_381 : vector<16xi32>
      %mul3A_383 = arith.constant 256 : i32
      %mul3A_384 = arith.muli %add3A_206, %mul3A_383 : i32
      %add3A_385 = arith.constant 128 : i32
      %add3A_386 = arith.addi %mul3A_384, %add3A_385 : i32
      %get3A_387 = arith.index_cast %add3A_386 : i32 to index
      %get3A_388 = tpu.vector_load %arg6[%get3A_387] {strides = array<i32>} : memref<25600xi32, #tpu.memory_space<vmem>>, vector<16xi32>,
      %shift_right_arithmetic3A_389 = arith.constant 18 : i32
      %shift_right_arithmetic3A_390 = vector.broadcast %shift_right_arithmetic3A_389 : i32 to vector<16xi32>
      %shift_right_arithmetic3A_391 = arith.shrsi %get3A_388, %shift_right_arithmetic3A_390 : vector<16xi32>
      %mul3A_392 = arith.constant 32 : i32
      %mul3A_393 = vector.broadcast %mul3A_392 : i32 to vector<16xi32>
      %mul3A_394 = arith.muli %shift_right_arithmetic3A_391, %mul3A_393 : vector<16xi32>
      %sub3A_395 = arith.constant 999936 : i32
      %sub3A_396 = vector.broadcast %sub3A_395 : i32 to vector<16xi32>
      %sub3A_397 = arith.subi %get3A_388, %sub3A_396 : vector<16xi32>
      %max3A_398 = arith.constant 0 : i32
      %max3A_399 = vector.broadcast %max3A_398 : i32 to vector<16xi32>
      %max3A_400 = arith.maxsi %sub3A_397, %max3A_399 : vector<16xi32>
      %ge3A_401 = arith.constant 999936 : i32
      %ge3A_402 = vector.broadcast %ge3A_401 : i32 to vector<16xi32>
      %ge3A_403 = arith.cmpi sge, %get3A_388, %ge3A_402 : vector<16xi32>
      %mul3A_404 = arith.constant 256 : i32
      %mul3A_405 = arith.muli %add3A_206, %mul3A_404 : i32
      %add3A_406 = arith.constant 144 : i32
      %add3A_407 = arith.addi %mul3A_405, %add3A_406 : i32
      %get3A_408 = arith.index_cast %add3A_407 : i32 to index
      %get3A_409 = tpu.vector_load %arg6[%get3A_408] {strides = array<i32>} : memref<25600xi32, #tpu.memory_space<vmem>>, vector<16xi32>,
      %shift_right_arithmetic3A_410 = arith.constant 18 : i32
      %shift_right_arithmetic3A_411 = vector.broadcast %shift_right_arithmetic3A_410 : i32 to vector<16xi32>
      %shift_right_arithmetic3A_412 = arith.shrsi %get3A_409, %shift_right_arithmetic3A_411 : vector<16xi32>
      %mul3A_413 = arith.constant 32 : i32
      %mul3A_414 = vector.broadcast %mul3A_413 : i32 to vector<16xi32>
      %mul3A_415 = arith.muli %shift_right_arithmetic3A_412, %mul3A_414 : vector<16xi32>
      %sub3A_416 = arith.constant 999936 : i32
      %sub3A_417 = vector.broadcast %sub3A_416 : i32 to vector<16xi32>
      %sub3A_418 = arith.subi %get3A_409, %sub3A_417 : vector<16xi32>
      %max3A_419 = arith.constant 0 : i32
      %max3A_420 = vector.broadcast %max3A_419 : i32 to vector<16xi32>
      %max3A_421 = arith.maxsi %sub3A_418, %max3A_420 : vector<16xi32>
      %ge3A_422 = arith.constant 999936 : i32
      %ge3A_423 = vector.broadcast %ge3A_422 : i32 to vector<16xi32>
      %ge3A_424 = arith.cmpi sge, %get3A_409, %ge3A_423 : vector<16xi32>
      %mul3A_425 = arith.constant 256 : i32
      %mul3A_426 = arith.muli %add3A_206, %mul3A_425 : i32
      %add3A_427 = arith.constant 160 : i32
      %add3A_428 = arith.addi %mul3A_426, %add3A_427 : i32
      %get3A_429 = arith.index_cast %add3A_428 : i32 to index
      %get3A_430 = tpu.vector_load %arg6[%get3A_429] {strides = array<i32>} : memref<25600xi32, #tpu.memory_space<vmem>>, vector<16xi32>,
      %shift_right_arithmetic3A_431 = arith.constant 18 : i32
      %shift_right_arithmetic3A_432 = vector.broadcast %shift_right_arithmetic3A_431 : i32 to vector<16xi32>
      %shift_right_arithmetic3A_433 = arith.shrsi %get3A_430, %shift_right_arithmetic3A_432 : vector<16xi32>
      %mul3A_434 = arith.constant 32 : i32
      %mul3A_435 = vector.broadcast %mul3A_434 : i32 to vector<16xi32>
      %mul3A_436 = arith.muli %shift_right_arithmetic3A_433, %mul3A_435 : vector<16xi32>
      %sub3A_437 = arith.constant 999936 : i32
      %sub3A_438 = vector.broadcast %sub3A_437 : i32 to vector<16xi32>
      %sub3A_439 = arith.subi %get3A_430, %sub3A_438 : vector<16xi32>
      %max3A_440 = arith.constant 0 : i32
      %max3A_441 = vector.broadcast %max3A_440 : i32 to vector<16xi32>
      %max3A_442 = arith.maxsi %sub3A_439, %max3A_441 : vector<16xi32>
      %ge3A_443 = arith.constant 999936 : i32
      %ge3A_444 = vector.broadcast %ge3A_443 : i32 to vector<16xi32>
      %ge3A_445 = arith.cmpi sge, %get3A_430, %ge3A_444 : vector<16xi32>
      %mul3A_446 = arith.constant 256 : i32
      %mul3A_447 = arith.muli %add3A_206, %mul3A_446 : i32
      %add3A_448 = arith.constant 176 : i32
      %add3A_449 = arith.addi %mul3A_447, %add3A_448 : i32
      %get3A_450 = arith.index_cast %add3A_449 : i32 to index
      %get3A_451 = tpu.vector_load %arg6[%get3A_450] {strides = array<i32>} : memref<25600xi32, #tpu.memory_space<vmem>>, vector<16xi32>,
      %shift_right_arithmetic3A_452 = arith.constant 18 : i32
      %shift_right_arithmetic3A_453 = vector.broadcast %shift_right_arithmetic3A_452 : i32 to vector<16xi32>
      %shift_right_arithmetic3A_454 = arith.shrsi %get3A_451, %shift_right_arithmetic3A_453 : vector<16xi32>
      %mul3A_455 = arith.constant 32 : i32
      %mul3A_456 = vector.broadcast %mul3A_455 : i32 to vector<16xi32>
      %mul3A_457 = arith.muli %shift_right_arithmetic3A_454, %mul3A_456 : vector<16xi32>
      %sub3A_458 = arith.constant 999936 : i32
      %sub3A_459 = vector.broadcast %sub3A_458 : i32 to vector<16xi32>
      %sub3A_460 = arith.subi %get3A_451, %sub3A_459 : vector<16xi32>
      %max3A_461 = arith.constant 0 : i32
      %max3A_462 = vector.broadcast %max3A_461 : i32 to vector<16xi32>
      %max3A_463 = arith.maxsi %sub3A_460, %max3A_462 : vector<16xi32>
      %ge3A_464 = arith.constant 999936 : i32
      %ge3A_465 = vector.broadcast %ge3A_464 : i32 to vector<16xi32>
      %ge3A_466 = arith.cmpi sge, %get3A_451, %ge3A_465 : vector<16xi32>
      %mul3A_467 = arith.constant 256 : i32
      %mul3A_468 = arith.muli %add3A_206, %mul3A_467 : i32
      %add3A_469 = arith.constant 192 : i32
      %add3A_470 = arith.addi %mul3A_468, %add3A_469 : i32
      %get3A_471 = arith.index_cast %add3A_470 : i32 to index
      %get3A_472 = tpu.vector_load %arg6[%get3A_471] {strides = array<i32>} : memref<25600xi32, #tpu.memory_space<vmem>>, vector<16xi32>,
      %shift_right_arithmetic3A_473 = arith.constant 18 : i32
      %shift_right_arithmetic3A_474 = vector.broadcast %shift_right_arithmetic3A_473 : i32 to vector<16xi32>
      %shift_right_arithmetic3A_475 = arith.shrsi %get3A_472, %shift_right_arithmetic3A_474 : vector<16xi32>
      %mul3A_476 = arith.constant 32 : i32
      %mul3A_477 = vector.broadcast %mul3A_476 : i32 to vector<16xi32>
      %mul3A_478 = arith.muli %shift_right_arithmetic3A_475, %mul3A_477 : vector<16xi32>
      %sub3A_479 = arith.constant 999936 : i32
      %sub3A_480 = vector.broadcast %sub3A_479 : i32 to vector<16xi32>
      %sub3A_481 = arith.subi %get3A_472, %sub3A_480 : vector<16xi32>
      %max3A_482 = arith.constant 0 : i32
      %max3A_483 = vector.broadcast %max3A_482 : i32 to vector<16xi32>
      %max3A_484 = arith.maxsi %sub3A_481, %max3A_483 : vector<16xi32>
      %ge3A_485 = arith.constant 999936 : i32
      %ge3A_486 = vector.broadcast %ge3A_485 : i32 to vector<16xi32>
      %ge3A_487 = arith.cmpi sge, %get3A_472, %ge3A_486 : vector<16xi32>
      %mul3A_488 = arith.constant 256 : i32
      %mul3A_489 = arith.muli %add3A_206, %mul3A_488 : i32
      %add3A_490 = arith.constant 208 : i32
      %add3A_491 = arith.addi %mul3A_489, %add3A_490 : i32
      %get3A_492 = arith.index_cast %add3A_491 : i32 to index
      %get3A_493 = tpu.vector_load %arg6[%get3A_492] {strides = array<i32>} : memref<25600xi32, #tpu.memory_space<vmem>>, vector<16xi32>,
      %shift_right_arithmetic3A_494 = arith.constant 18 : i32
      %shift_right_arithmetic3A_495 = vector.broadcast %shift_right_arithmetic3A_494 : i32 to vector<16xi32>
      %shift_right_arithmetic3A_496 = arith.shrsi %get3A_493, %shift_right_arithmetic3A_495 : vector<16xi32>
      %mul3A_497 = arith.constant 32 : i32
      %mul3A_498 = vector.broadcast %mul3A_497 : i32 to vector<16xi32>
      %mul3A_499 = arith.muli %shift_right_arithmetic3A_496, %mul3A_498 : vector<16xi32>
      %sub3A_500 = arith.constant 999936 : i32
      %sub3A_501 = vector.broadcast %sub3A_500 : i32 to vector<16xi32>
      %sub3A_502 = arith.subi %get3A_493, %sub3A_501 : vector<16xi32>
      %max3A_503 = arith.constant 0 : i32
      %max3A_504 = vector.broadcast %max3A_503 : i32 to vector<16xi32>
      %max3A_505 = arith.maxsi %sub3A_502, %max3A_504 : vector<16xi32>
      %ge3A_506 = arith.constant 999936 : i32
      %ge3A_507 = vector.broadcast %ge3A_506 : i32 to vector<16xi32>
      %ge3A_508 = arith.cmpi sge, %get3A_493, %ge3A_507 : vector<16xi32>
      %mul3A_509 = arith.constant 256 : i32
      %mul3A_510 = arith.muli %add3A_206, %mul3A_509 : i32
      %add3A_511 = arith.constant 224 : i32
      %add3A_512 = arith.addi %mul3A_510, %add3A_511 : i32
      %get3A_513 = arith.index_cast %add3A_512 : i32 to index
      %get3A_514 = tpu.vector_load %arg6[%get3A_513] {strides = array<i32>} : memref<25600xi32, #tpu.memory_space<vmem>>, vector<16xi32>,
      %shift_right_arithmetic3A_515 = arith.constant 18 : i32
      %shift_right_arithmetic3A_516 = vector.broadcast %shift_right_arithmetic3A_515 : i32 to vector<16xi32>
      %shift_right_arithmetic3A_517 = arith.shrsi %get3A_514, %shift_right_arithmetic3A_516 : vector<16xi32>
      %mul3A_518 = arith.constant 32 : i32
      %mul3A_519 = vector.broadcast %mul3A_518 : i32 to vector<16xi32>
      %mul3A_520 = arith.muli %shift_right_arithmetic3A_517, %mul3A_519 : vector<16xi32>
      %sub3A_521 = arith.constant 999936 : i32
      %sub3A_522 = vector.broadcast %sub3A_521 : i32 to vector<16xi32>
      %sub3A_523 = arith.subi %get3A_514, %sub3A_522 : vector<16xi32>
      %max3A_524 = arith.constant 0 : i32
      %max3A_525 = vector.broadcast %max3A_524 : i32 to vector<16xi32>
      %max3A_526 = arith.maxsi %sub3A_523, %max3A_525 : vector<16xi32>
      %ge3A_527 = arith.constant 999936 : i32
      %ge3A_528 = vector.broadcast %ge3A_527 : i32 to vector<16xi32>
      %ge3A_529 = arith.cmpi sge, %get3A_514, %ge3A_528 : vector<16xi32>
      %mul3A_530 = arith.constant 256 : i32
      %mul3A_531 = arith.muli %add3A_206, %mul3A_530 : i32
      %add3A_532 = arith.constant 240 : i32
      %add3A_533 = arith.addi %mul3A_531, %add3A_532 : i32
      %get3A_534 = arith.index_cast %add3A_533 : i32 to index
      %get3A_535 = tpu.vector_load %arg6[%get3A_534] {strides = array<i32>} : memref<25600xi32, #tpu.memory_space<vmem>>, vector<16xi32>,
      %shift_right_arithmetic3A_536 = arith.constant 18 : i32
      %shift_right_arithmetic3A_537 = vector.broadcast %shift_right_arithmetic3A_536 : i32 to vector<16xi32>
      %shift_right_arithmetic3A_538 = arith.shrsi %get3A_535, %shift_right_arithmetic3A_537 : vector<16xi32>
      %mul3A_539 = arith.constant 32 : i32
      %mul3A_540 = vector.broadcast %mul3A_539 : i32 to vector<16xi32>
      %mul3A_541 = arith.muli %shift_right_arithmetic3A_538, %mul3A_540 : vector<16xi32>
      %sub3A_542 = arith.constant 999936 : i32
      %sub3A_543 = vector.broadcast %sub3A_542 : i32 to vector<16xi32>
      %sub3A_544 = arith.subi %get3A_535, %sub3A_543 : vector<16xi32>
      %max3A_545 = arith.constant 0 : i32
      %max3A_546 = vector.broadcast %max3A_545 : i32 to vector<16xi32>
      %max3A_547 = arith.maxsi %sub3A_544, %max3A_546 : vector<16xi32>
      %ge3A_548 = arith.constant 999936 : i32
      %ge3A_549 = vector.broadcast %ge3A_548 : i32 to vector<16xi32>
      %ge3A_550 = arith.cmpi sge, %get3A_535, %ge3A_549 : vector<16xi32>
      %scan3A_551 = arith.constant 0 : i32
      %scan3A_552 = arith.constant 32 : i32
      %scan3A_553 = arith.addi %scan3A_551, %scan3A_552 : i32
      %scan3A_554 = arith.constant 1 : i32
      scf.for %scan3A_1042 = %scan3A_551 to %scan3A_553 step %scan3A_554  : i32 {
        %mul3A_1043 = arith.constant 1 : i32
        %mul3A_1044 = arith.muli %scan3A_1042, %mul3A_1043 : i32
        %add3A_1045 = arith.constant 0 : i32
        %add3A_1046 = arith.addi %add3A_1045, %mul3A_1044 : i32
        %broadcast_in_dim3A = vector.broadcast %add3A_1046 : i32 to vector<16xi32>
        %add3A_1047 = vector.broadcast %add3A_1046 : i32 to vector<16xi32>
        %add3A_1048 = arith.addi %mul3A_227, %add3A_1047 : vector<16xi32>
        %gather3A = tpu.vector_load_idx %arg10[%add3A_7, %add3A_1048] : memref<256x128xf32, #tpu.memory_space<vmem>>[vector<16xi32>, vector<16xi32>], vector<16xf32>,
        %add3A_1049 = vector.broadcast %add3A_1046 : i32 to vector<16xi32>
        %add3A_1050 = arith.addi %mul3A_247, %add3A_1049 : vector<16xi32>
        %gather3A_1051 = tpu.vector_load_idx %arg10[%add3A_11, %add3A_1050] : memref<256x128xf32, #tpu.memory_space<vmem>>[vector<16xi32>, vector<16xi32>], vector<16xf32>,
        %add3A_1052 = vector.broadcast %add3A_1046 : i32 to vector<16xi32>
        %add3A_1053 = arith.addi %mul3A_268, %add3A_1052 : vector<16xi32>
        %gather3A_1054 = tpu.vector_load_idx %arg10[%add3A_15, %add3A_1053] : memref<256x128xf32, #tpu.memory_space<vmem>>[vector<16xi32>, vector<16xi32>], vector<16xf32>,
        %add3A_1055 = vector.broadcast %add3A_1046 : i32 to vector<16xi32>
        %add3A_1056 = arith.addi %mul3A_289, %add3A_1055 : vector<16xi32>
        %gather3A_1057 = tpu.vector_load_idx %arg10[%add3A_19, %add3A_1056] : memref<256x128xf32, #tpu.memory_space<vmem>>[vector<16xi32>, vector<16xi32>], vector<16xf32>,
        %add3A_1058 = vector.broadcast %add3A_1046 : i32 to vector<16xi32>
        %add3A_1059 = arith.addi %mul3A_310, %add3A_1058 : vector<16xi32>
        %gather3A_1060 = tpu.vector_load_idx %arg10[%add3A_23, %add3A_1059] : memref<256x128xf32, #tpu.memory_space<vmem>>[vector<16xi32>, vector<16xi32>], vector<16xf32>,
        %add3A_1061 = vector.broadcast %add3A_1046 : i32 to vector<16xi32>
        %add3A_1062 = arith.addi %mul3A_331, %add3A_1061 : vector<16xi32>
        %gather3A_1063 = tpu.vector_load_idx %arg10[%add3A_27, %add3A_1062] : memref<256x128xf32, #tpu.memory_space<vmem>>[vector<16xi32>, vector<16xi32>], vector<16xf32>,
        %add3A_1064 = vector.broadcast %add3A_1046 : i32 to vector<16xi32>
        %add3A_1065 = arith.addi %mul3A_352, %add3A_1064 : vector<16xi32>
        %gather3A_1066 = tpu.vector_load_idx %arg10[%add3A_31, %add3A_1065] : memref<256x128xf32, #tpu.memory_space<vmem>>[vector<16xi32>, vector<16xi32>], vector<16xf32>,
        %add3A_1067 = vector.broadcast %add3A_1046 : i32 to vector<16xi32>
        %add3A_1068 = arith.addi %mul3A_373, %add3A_1067 : vector<16xi32>
        %gather3A_1069 = tpu.vector_load_idx %arg10[%add3A_35, %add3A_1068] : memref<256x128xf32, #tpu.memory_space<vmem>>[vector<16xi32>, vector<16xi32>], vector<16xf32>,
        %add3A_1070 = vector.broadcast %add3A_1046 : i32 to vector<16xi32>
        %add3A_1071 = arith.addi %mul3A_394, %add3A_1070 : vector<16xi32>
        %gather3A_1072 = tpu.vector_load_idx %arg10[%add3A_39, %add3A_1071] : memref<256x128xf32, #tpu.memory_space<vmem>>[vector<16xi32>, vector<16xi32>], vector<16xf32>,
        %add3A_1073 = vector.broadcast %add3A_1046 : i32 to vector<16xi32>
        %add3A_1074 = arith.addi %mul3A_415, %add3A_1073 : vector<16xi32>
        %gather3A_1075 = tpu.vector_load_idx %arg10[%add3A_43, %add3A_1074] : memref<256x128xf32, #tpu.memory_space<vmem>>[vector<16xi32>, vector<16xi32>], vector<16xf32>,
        %add3A_1076 = vector.broadcast %add3A_1046 : i32 to vector<16xi32>
        %add3A_1077 = arith.addi %mul3A_436, %add3A_1076 : vector<16xi32>
        %gather3A_1078 = tpu.vector_load_idx %arg10[%add3A_47, %add3A_1077] : memref<256x128xf32, #tpu.memory_space<vmem>>[vector<16xi32>, vector<16xi32>], vector<16xf32>,
        %add3A_1079 = vector.broadcast %add3A_1046 : i32 to vector<16xi32>
        %add3A_1080 = arith.addi %mul3A_457, %add3A_1079 : vector<16xi32>
        %gather3A_1081 = tpu.vector_load_idx %arg10[%add3A_51, %add3A_1080] : memref<256x128xf32, #tpu.memory_space<vmem>>[vector<16xi32>, vector<16xi32>], vector<16xf32>,
        %add3A_1082 = vector.broadcast %add3A_1046 : i32 to vector<16xi32>
        %add3A_1083 = arith.addi %mul3A_478, %add3A_1082 : vector<16xi32>
        %gather3A_1084 = tpu.vector_load_idx %arg10[%add3A_55, %add3A_1083] : memref<256x128xf32, #tpu.memory_space<vmem>>[vector<16xi32>, vector<16xi32>], vector<16xf32>,
        %add3A_1085 = vector.broadcast %add3A_1046 : i32 to vector<16xi32>
        %add3A_1086 = arith.addi %mul3A_499, %add3A_1085 : vector<16xi32>
        %gather3A_1087 = tpu.vector_load_idx %arg10[%add3A_59, %add3A_1086] : memref<256x128xf32, #tpu.memory_space<vmem>>[vector<16xi32>, vector<16xi32>], vector<16xf32>,
        %add3A_1088 = vector.broadcast %add3A_1046 : i32 to vector<16xi32>
        %add3A_1089 = arith.addi %mul3A_520, %add3A_1088 : vector<16xi32>
        %gather3A_1090 = tpu.vector_load_idx %arg10[%add3A_63, %add3A_1089] : memref<256x128xf32, #tpu.memory_space<vmem>>[vector<16xi32>, vector<16xi32>], vector<16xf32>,
        %add3A_1091 = vector.broadcast %add3A_1046 : i32 to vector<16xi32>
        %add3A_1092 = arith.addi %mul3A_541, %add3A_1091 : vector<16xi32>
        %gather3A_1093 = tpu.vector_load_idx %arg10[%add3A_67, %add3A_1092] : memref<256x128xf32, #tpu.memory_space<vmem>>[vector<16xi32>, vector<16xi32>], vector<16xf32>,
        %gather3A_1094 = tpu.vector_load_idx %arg7[%max3A_232, %broadcast_in_dim3A] : memref<64x32xf32, #tpu.memory_space<vmem>>[vector<16xi32>, vector<16xi32>], vector<16xf32>,
        %gather3A_1095 = tpu.vector_load_idx %arg7[%max3A_253, %broadcast_in_dim3A] : memref<64x32xf32, #tpu.memory_space<vmem>>[vector<16xi32>, vector<16xi32>], vector<16xf32>,
        %gather3A_1096 = tpu.vector_load_idx %arg7[%max3A_274, %broadcast_in_dim3A] : memref<64x32xf32, #tpu.memory_space<vmem>>[vector<16xi32>, vector<16xi32>], vector<16xf32>,
        %gather3A_1097 = tpu.vector_load_idx %arg7[%max3A_295, %broadcast_in_dim3A] : memref<64x32xf32, #tpu.memory_space<vmem>>[vector<16xi32>, vector<16xi32>], vector<16xf32>,
        %gather3A_1098 = tpu.vector_load_idx %arg7[%max3A_316, %broadcast_in_dim3A] : memref<64x32xf32, #tpu.memory_space<vmem>>[vector<16xi32>, vector<16xi32>], vector<16xf32>,
        %gather3A_1099 = tpu.vector_load_idx %arg7[%max3A_337, %broadcast_in_dim3A] : memref<64x32xf32, #tpu.memory_space<vmem>>[vector<16xi32>, vector<16xi32>], vector<16xf32>,
        %gather3A_1100 = tpu.vector_load_idx %arg7[%max3A_358, %broadcast_in_dim3A] : memref<64x32xf32, #tpu.memory_space<vmem>>[vector<16xi32>, vector<16xi32>], vector<16xf32>,
        %gather3A_1101 = tpu.vector_load_idx %arg7[%max3A_379, %broadcast_in_dim3A] : memref<64x32xf32, #tpu.memory_space<vmem>>[vector<16xi32>, vector<16xi32>], vector<16xf32>,
        %gather3A_1102 = tpu.vector_load_idx %arg7[%max3A_400, %broadcast_in_dim3A] : memref<64x32xf32, #tpu.memory_space<vmem>>[vector<16xi32>, vector<16xi32>], vector<16xf32>,
        %gather3A_1103 = tpu.vector_load_idx %arg7[%max3A_421, %broadcast_in_dim3A] : memref<64x32xf32, #tpu.memory_space<vmem>>[vector<16xi32>, vector<16xi32>], vector<16xf32>,
        %gather3A_1104 = tpu.vector_load_idx %arg7[%max3A_442, %broadcast_in_dim3A] : memref<64x32xf32, #tpu.memory_space<vmem>>[vector<16xi32>, vector<16xi32>], vector<16xf32>,
        %gather3A_1105 = tpu.vector_load_idx %arg7[%max3A_463, %broadcast_in_dim3A] : memref<64x32xf32, #tpu.memory_space<vmem>>[vector<16xi32>, vector<16xi32>], vector<16xf32>,
        %gather3A_1106 = tpu.vector_load_idx %arg7[%max3A_484, %broadcast_in_dim3A] : memref<64x32xf32, #tpu.memory_space<vmem>>[vector<16xi32>, vector<16xi32>], vector<16xf32>,
        %gather3A_1107 = tpu.vector_load_idx %arg7[%max3A_505, %broadcast_in_dim3A] : memref<64x32xf32, #tpu.memory_space<vmem>>[vector<16xi32>, vector<16xi32>], vector<16xf32>,
        %gather3A_1108 = tpu.vector_load_idx %arg7[%max3A_526, %broadcast_in_dim3A] : memref<64x32xf32, #tpu.memory_space<vmem>>[vector<16xi32>, vector<16xi32>], vector<16xf32>,
        %gather3A_1109 = tpu.vector_load_idx %arg7[%max3A_547, %broadcast_in_dim3A] : memref<64x32xf32, #tpu.memory_space<vmem>>[vector<16xi32>, vector<16xi32>], vector<16xf32>,
        %select_n3A_1110 = arith.select %ge3A_235, %gather3A_1094, %gather3A : vector<16xi1>, vector<16xf32>
        %swap3A = arith.constant 0 : i32
        %swap3A_1111 = arith.index_cast %swap3A : i32 to index
        %swap3A_1112 = arith.index_cast %add3A_1046 : i32 to index
        %swap3A_1113 = arith.constant 0 : index
        %swap3A_1114 = tpu.vector_load %arg12[%swap3A_1111, %swap3A_1112, %swap3A_1113] {strides = array<i32>} : memref<2x32x128xf32, #tpu.memory_space<vmem>>, vector<16xf32>,
        tpu.vector_store %arg12[%swap3A_1111, %swap3A_1112, %swap3A_1113], %select_n3A_1110 {strides = array<i32>} : memref<2x32x128xf32, #tpu.memory_space<vmem>>, vector<16xf32>,
        %select_n3A_1115 = arith.select %ge3A_256, %gather3A_1095, %gather3A_1051 : vector<16xi1>, vector<16xf32>
        %swap3A_1116 = arith.constant 0 : i32
        %swap3A_1117 = arith.index_cast %swap3A_1116 : i32 to index
        %swap3A_1118 = arith.index_cast %add3A_1046 : i32 to index
        %swap3A_1119 = arith.constant 16 : index
        %swap3A_1120 = tpu.vector_load %arg12[%swap3A_1117, %swap3A_1118, %swap3A_1119] {strides = array<i32>} : memref<2x32x128xf32, #tpu.memory_space<vmem>>, vector<16xf32>,
        tpu.vector_store %arg12[%swap3A_1117, %swap3A_1118, %swap3A_1119], %select_n3A_1115 {strides = array<i32>} : memref<2x32x128xf32, #tpu.memory_space<vmem>>, vector<16xf32>,
        %select_n3A_1121 = arith.select %ge3A_277, %gather3A_1096, %gather3A_1054 : vector<16xi1>, vector<16xf32>
        %swap3A_1122 = arith.constant 0 : i32
        %swap3A_1123 = arith.index_cast %swap3A_1122 : i32 to index
        %swap3A_1124 = arith.index_cast %add3A_1046 : i32 to index
        %swap3A_1125 = arith.constant 32 : index
        %swap3A_1126 = tpu.vector_load %arg12[%swap3A_1123, %swap3A_1124, %swap3A_1125] {strides = array<i32>} : memref<2x32x128xf32, #tpu.memory_space<vmem>>, vector<16xf32>,
        tpu.vector_store %arg12[%swap3A_1123, %swap3A_1124, %swap3A_1125], %select_n3A_1121 {strides = array<i32>} : memref<2x32x128xf32, #tpu.memory_space<vmem>>, vector<16xf32>,
        %select_n3A_1127 = arith.select %ge3A_298, %gather3A_1097, %gather3A_1057 : vector<16xi1>, vector<16xf32>
        %swap3A_1128 = arith.constant 0 : i32
        %swap3A_1129 = arith.index_cast %swap3A_1128 : i32 to index
        %swap3A_1130 = arith.index_cast %add3A_1046 : i32 to index
        %swap3A_1131 = arith.constant 48 : index
        %swap3A_1132 = tpu.vector_load %arg12[%swap3A_1129, %swap3A_1130, %swap3A_1131] {strides = array<i32>} : memref<2x32x128xf32, #tpu.memory_space<vmem>>, vector<16xf32>,
        tpu.vector_store %arg12[%swap3A_1129, %swap3A_1130, %swap3A_1131], %select_n3A_1127 {strides = array<i32>} : memref<2x32x128xf32, #tpu.memory_space<vmem>>, vector<16xf32>,
        %select_n3A_1133 = arith.select %ge3A_319, %gather3A_1098, %gather3A_1060 : vector<16xi1>, vector<16xf32>
        %swap3A_1134 = arith.constant 0 : i32
        %swap3A_1135 = arith.index_cast %swap3A_1134 : i32 to index
        %swap3A_1136 = arith.index_cast %add3A_1046 : i32 to index
        %swap3A_1137 = arith.constant 64 : index
        %swap3A_1138 = tpu.vector_load %arg12[%swap3A_1135, %swap3A_1136, %swap3A_1137] {strides = array<i32>} : memref<2x32x128xf32, #tpu.memory_space<vmem>>, vector<16xf32>,
        tpu.vector_store %arg12[%swap3A_1135, %swap3A_1136, %swap3A_1137], %select_n3A_1133 {strides = array<i32>} : memref<2x32x128xf32, #tpu.memory_space<vmem>>, vector<16xf32>,
        %select_n3A_1139 = arith.select %ge3A_340, %gather3A_1099, %gather3A_1063 : vector<16xi1>, vector<16xf32>
        %swap3A_1140 = arith.constant 0 : i32
        %swap3A_1141 = arith.index_cast %swap3A_1140 : i32 to index
        %swap3A_1142 = arith.index_cast %add3A_1046 : i32 to index
        %swap3A_1143 = arith.constant 80 : index
        %swap3A_1144 = tpu.vector_load %arg12[%swap3A_1141, %swap3A_1142, %swap3A_1143] {strides = array<i32>} : memref<2x32x128xf32, #tpu.memory_space<vmem>>, vector<16xf32>,
        tpu.vector_store %arg12[%swap3A_1141, %swap3A_1142, %swap3A_1143], %select_n3A_1139 {strides = array<i32>} : memref<2x32x128xf32, #tpu.memory_space<vmem>>, vector<16xf32>,
        %select_n3A_1145 = arith.select %ge3A_361, %gather3A_1100, %gather3A_1066 : vector<16xi1>, vector<16xf32>
        %swap3A_1146 = arith.constant 0 : i32
        %swap3A_1147 = arith.index_cast %swap3A_1146 : i32 to index
        %swap3A_1148 = arith.index_cast %add3A_1046 : i32 to index
        %swap3A_1149 = arith.constant 96 : index
        %swap3A_1150 = tpu.vector_load %arg12[%swap3A_1147, %swap3A_1148, %swap3A_1149] {strides = array<i32>} : memref<2x32x128xf32, #tpu.memory_space<vmem>>, vector<16xf32>,
        tpu.vector_store %arg12[%swap3A_1147, %swap3A_1148, %swap3A_1149], %select_n3A_1145 {strides = array<i32>} : memref<2x32x128xf32, #tpu.memory_space<vmem>>, vector<16xf32>,
        %select_n3A_1151 = arith.select %ge3A_382, %gather3A_1101, %gather3A_1069 : vector<16xi1>, vector<16xf32>
        %swap3A_1152 = arith.constant 0 : i32
        %swap3A_1153 = arith.index_cast %swap3A_1152 : i32 to index
        %swap3A_1154 = arith.index_cast %add3A_1046 : i32 to index
        %swap3A_1155 = arith.constant 112 : index
        %swap3A_1156 = tpu.vector_load %arg12[%swap3A_1153, %swap3A_1154, %swap3A_1155] {strides = array<i32>} : memref<2x32x128xf32, #tpu.memory_space<vmem>>, vector<16xf32>,
        tpu.vector_store %arg12[%swap3A_1153, %swap3A_1154, %swap3A_1155], %select_n3A_1151 {strides = array<i32>} : memref<2x32x128xf32, #tpu.memory_space<vmem>>, vector<16xf32>,
        %select_n3A_1157 = arith.select %ge3A_403, %gather3A_1102, %gather3A_1072 : vector<16xi1>, vector<16xf32>
        %swap3A_1158 = arith.constant 1 : i32
        %swap3A_1159 = arith.index_cast %swap3A_1158 : i32 to index
        %swap3A_1160 = arith.index_cast %add3A_1046 : i32 to index
        %swap3A_1161 = arith.constant 0 : index
        %swap3A_1162 = tpu.vector_load %arg12[%swap3A_1159, %swap3A_1160, %swap3A_1161] {strides = array<i32>} : memref<2x32x128xf32, #tpu.memory_space<vmem>>, vector<16xf32>,
        tpu.vector_store %arg12[%swap3A_1159, %swap3A_1160, %swap3A_1161], %select_n3A_1157 {strides = array<i32>} : memref<2x32x128xf32, #tpu.memory_space<vmem>>, vector<16xf32>,
        %select_n3A_1163 = arith.select %ge3A_424, %gather3A_1103, %gather3A_1075 : vector<16xi1>, vector<16xf32>
        %swap3A_1164 = arith.constant 1 : i32
        %swap3A_1165 = arith.index_cast %swap3A_1164 : i32 to index
        %swap3A_1166 = arith.index_cast %add3A_1046 : i32 to index
        %swap3A_1167 = arith.constant 16 : index
        %swap3A_1168 = tpu.vector_load %arg12[%swap3A_1165, %swap3A_1166, %swap3A_1167] {strides = array<i32>} : memref<2x32x128xf32, #tpu.memory_space<vmem>>, vector<16xf32>,
        tpu.vector_store %arg12[%swap3A_1165, %swap3A_1166, %swap3A_1167], %select_n3A_1163 {strides = array<i32>} : memref<2x32x128xf32, #tpu.memory_space<vmem>>, vector<16xf32>,
        %select_n3A_1169 = arith.select %ge3A_445, %gather3A_1104, %gather3A_1078 : vector<16xi1>, vector<16xf32>
        %swap3A_1170 = arith.constant 1 : i32
        %swap3A_1171 = arith.index_cast %swap3A_1170 : i32 to index
        %swap3A_1172 = arith.index_cast %add3A_1046 : i32 to index
        %swap3A_1173 = arith.constant 32 : index
        %swap3A_1174 = tpu.vector_load %arg12[%swap3A_1171, %swap3A_1172, %swap3A_1173] {strides = array<i32>} : memref<2x32x128xf32, #tpu.memory_space<vmem>>, vector<16xf32>,
        tpu.vector_store %arg12[%swap3A_1171, %swap3A_1172, %swap3A_1173], %select_n3A_1169 {strides = array<i32>} : memref<2x32x128xf32, #tpu.memory_space<vmem>>, vector<16xf32>,
        %select_n3A_1175 = arith.select %ge3A_466, %gather3A_1105, %gather3A_1081 : vector<16xi1>, vector<16xf32>
        %swap3A_1176 = arith.constant 1 : i32
        %swap3A_1177 = arith.index_cast %swap3A_1176 : i32 to index
        %swap3A_1178 = arith.index_cast %add3A_1046 : i32 to index
        %swap3A_1179 = arith.constant 48 : index
        %swap3A_1180 = tpu.vector_load %arg12[%swap3A_1177, %swap3A_1178, %swap3A_1179] {strides = array<i32>} : memref<2x32x128xf32, #tpu.memory_space<vmem>>, vector<16xf32>,
        tpu.vector_store %arg12[%swap3A_1177, %swap3A_1178, %swap3A_1179], %select_n3A_1175 {strides = array<i32>} : memref<2x32x128xf32, #tpu.memory_space<vmem>>, vector<16xf32>,
        %select_n3A_1181 = arith.select %ge3A_487, %gather3A_1106, %gather3A_1084 : vector<16xi1>, vector<16xf32>
        %swap3A_1182 = arith.constant 1 : i32
        %swap3A_1183 = arith.index_cast %swap3A_1182 : i32 to index
        %swap3A_1184 = arith.index_cast %add3A_1046 : i32 to index
        %swap3A_1185 = arith.constant 64 : index
        %swap3A_1186 = tpu.vector_load %arg12[%swap3A_1183, %swap3A_1184, %swap3A_1185] {strides = array<i32>} : memref<2x32x128xf32, #tpu.memory_space<vmem>>, vector<16xf32>,
        tpu.vector_store %arg12[%swap3A_1183, %swap3A_1184, %swap3A_1185], %select_n3A_1181 {strides = array<i32>} : memref<2x32x128xf32, #tpu.memory_space<vmem>>, vector<16xf32>,
        %select_n3A_1187 = arith.select %ge3A_508, %gather3A_1107, %gather3A_1087 : vector<16xi1>, vector<16xf32>
        %swap3A_1188 = arith.constant 1 : i32
        %swap3A_1189 = arith.index_cast %swap3A_1188 : i32 to index
        %swap3A_1190 = arith.index_cast %add3A_1046 : i32 to index
        %swap3A_1191 = arith.constant 80 : index
        %swap3A_1192 = tpu.vector_load %arg12[%swap3A_1189, %swap3A_1190, %swap3A_1191] {strides = array<i32>} : memref<2x32x128xf32, #tpu.memory_space<vmem>>, vector<16xf32>,
        tpu.vector_store %arg12[%swap3A_1189, %swap3A_1190, %swap3A_1191], %select_n3A_1187 {strides = array<i32>} : memref<2x32x128xf32, #tpu.memory_space<vmem>>, vector<16xf32>,
        %select_n3A_1193 = arith.select %ge3A_529, %gather3A_1108, %gather3A_1090 : vector<16xi1>, vector<16xf32>
        %swap3A_1194 = arith.constant 1 : i32
        %swap3A_1195 = arith.index_cast %swap3A_1194 : i32 to index
        %swap3A_1196 = arith.index_cast %add3A_1046 : i32 to index
        %swap3A_1197 = arith.constant 96 : index
        %swap3A_1198 = tpu.vector_load %arg12[%swap3A_1195, %swap3A_1196, %swap3A_1197] {strides = array<i32>} : memref<2x32x128xf32, #tpu.memory_space<vmem>>, vector<16xf32>,
        tpu.vector_store %arg12[%swap3A_1195, %swap3A_1196, %swap3A_1197], %select_n3A_1193 {strides = array<i32>} : memref<2x32x128xf32, #tpu.memory_space<vmem>>, vector<16xf32>,
        %select_n3A_1199 = arith.select %ge3A_550, %gather3A_1109, %gather3A_1093 : vector<16xi1>, vector<16xf32>
        %swap3A_1200 = arith.constant 1 : i32
        %swap3A_1201 = arith.index_cast %swap3A_1200 : i32 to index
        %swap3A_1202 = arith.index_cast %add3A_1046 : i32 to index
        %swap3A_1203 = arith.constant 112 : index
        %swap3A_1204 = tpu.vector_load %arg12[%swap3A_1201, %swap3A_1202, %swap3A_1203] {strides = array<i32>} : memref<2x32x128xf32, #tpu.memory_space<vmem>>, vector<16xf32>,
        tpu.vector_store %arg12[%swap3A_1201, %swap3A_1202, %swap3A_1203], %select_n3A_1199 {strides = array<i32>} : memref<2x32x128xf32, #tpu.memory_space<vmem>>, vector<16xf32>,
      }
      %scan3A_555 = arith.constant 32 : i32
      %add3A_556 = arith.addi %mul3A_2, %add3A_206 : i32
      %jit3A_557 = arith.constant 128 : i32
      %div3A_558 = arith.divsi %add3A_556, %jit3A_557 : i32
      %sign3A_559 = arith.constant 0 : i32
      %sign3A_560 = arith.cmpi sgt, %add3A_556, %sign3A_559 : i32
      %sign3A_561 = arith.extui %sign3A_560 : i1 to i32
      %sign3A_562 = arith.constant 0 : i32
      %sign3A_563 = arith.cmpi slt, %add3A_556, %sign3A_562 : i32
      %sign3A_564 = arith.extui %sign3A_563 : i1 to i32
      %sign3A_565 = arith.subi %sign3A_561, %sign3A_564 : i32
      %sign3A_566 = arith.constant 0 : i32
      %sign3A_567 = arith.cmpi sgt, %jit3A_557, %sign3A_566 : i32
      %sign3A_568 = arith.extui %sign3A_567 : i1 to i32
      %sign3A_569 = arith.constant 0 : i32
      %sign3A_570 = arith.cmpi slt, %jit3A_557, %sign3A_569 : i32
      %sign3A_571 = arith.extui %sign3A_570 : i1 to i32
      %sign3A_572 = arith.subi %sign3A_568, %sign3A_571 : i32
      %ne3A_573 = arith.cmpi ne, %sign3A_565, %sign3A_572 : i32
      %rem3A_574 = arith.remsi %add3A_556, %jit3A_557 : i32
      %ne3A_575 = arith.constant 0 : i32
      %ne3A_576 = arith.cmpi ne, %rem3A_574, %ne3A_575 : i32
      %and3A_577 = arith.andi %ne3A_573, %ne3A_576 : i1
      %sub3A_578 = arith.constant 1 : i32
      %sub3A_579 = arith.subi %div3A_558, %sub3A_578 : i32
      %select_n3A_580 = arith.select %and3A_577, %sub3A_579, %div3A_558 : i32
      %rem3A_581 = arith.constant 128 : i32
      %rem3A_582 = arith.remsi %add3A_556, %rem3A_581 : i32
      %jit3A_583 = arith.constant 4 : i32
      %div3A_584 = arith.divsi %rem3A_582, %jit3A_583 : i32
      %sign3A_585 = arith.constant 0 : i32
      %sign3A_586 = arith.cmpi sgt, %rem3A_582, %sign3A_585 : i32
      %sign3A_587 = arith.extui %sign3A_586 : i1 to i32
      %sign3A_588 = arith.constant 0 : i32
      %sign3A_589 = arith.cmpi slt, %rem3A_582, %sign3A_588 : i32
      %sign3A_590 = arith.extui %sign3A_589 : i1 to i32
      %sign3A_591 = arith.subi %sign3A_587, %sign3A_590 : i32
      %sign3A_592 = arith.constant 0 : i32
      %sign3A_593 = arith.cmpi sgt, %jit3A_583, %sign3A_592 : i32
      %sign3A_594 = arith.extui %sign3A_593 : i1 to i32
      %sign3A_595 = arith.constant 0 : i32
      %sign3A_596 = arith.cmpi slt, %jit3A_583, %sign3A_595 : i32
      %sign3A_597 = arith.extui %sign3A_596 : i1 to i32
      %sign3A_598 = arith.subi %sign3A_594, %sign3A_597 : i32
      %ne3A_599 = arith.cmpi ne, %sign3A_591, %sign3A_598 : i32
      %rem3A_600 = arith.remsi %rem3A_582, %jit3A_583 : i32
      %ne3A_601 = arith.constant 0 : i32
      %ne3A_602 = arith.cmpi ne, %rem3A_600, %ne3A_601 : i32
      %and3A_603 = arith.andi %ne3A_599, %ne3A_602 : i1
      %sub3A_604 = arith.constant 1 : i32
      %sub3A_605 = arith.subi %div3A_584, %sub3A_604 : i32
      %select_n3A_606 = arith.select %and3A_603, %sub3A_605, %div3A_584 : i32
      %mul3A_607 = arith.constant 8 : i32
      %mul3A_608 = arith.muli %select_n3A_580, %mul3A_607 : i32
      %rem3A_609 = arith.constant 4 : i32
      %rem3A_610 = arith.remsi %add3A_556, %rem3A_609 : i32
      %mul3A_611 = arith.constant 2 : i32
      %mul3A_612 = arith.muli %rem3A_610, %mul3A_611 : i32
      %add3A_613 = arith.addi %mul3A_608, %mul3A_612 : i32
      %mul3A_614 = arith.constant 128 : i32
      %mul3A_615 = arith.muli %select_n3A_606, %mul3A_614 : i32
      %dma_start3A_616 = arith.constant 0 : i32
      %dma_start3A_617 = tpu.memref_slice %arg5[%add3A_613, %dma_start3A_616, %mul3A_615] : memref<200x32x4096xf32, #tpu.memory_space<hbm>> -> memref<2x32x128xf32, #tpu.memory_space<hbm>>
      %dma_start3A_618 = arith.constant 0 : i32
      %dma_start3A_619 = tpu.memref_slice %arg5[%add3A_613, %dma_start3A_618, %mul3A_615] : memref<200x32x4096xf32, #tpu.memory_space<hbm>> -> memref<2x32x128xf32, #tpu.memory_space<hbm>>
      tpu.enqueue_dma source(%arg12 : memref<2x32x128xf32, #tpu.memory_space<vmem>>) target(%dma_start3A_619 : memref<2x32x128xf32, #tpu.memory_space<hbm>>) target_semaphore(%arg16 : memref<!tpu.dma_semaphore, #tpu.memory_space<semaphore_mem>>)
      %add3A_620 = arith.constant 1 : i32
      %add3A_621 = arith.addi %add3A_204, %add3A_620 : i32
      %add3A_622 = arith.constant 1 : i32
      %add3A_623 = arith.addi %add3A_621, %add3A_622 : i32
      %lt3A_624 = arith.constant 100 : i32
      %lt3A_625 = arith.cmpi slt, %add3A_623, %lt3A_624 : i32
      %convert_element_type3A_626 = arith.extui %lt3A_625 : i1 to i32
      %cond3A_627 = arith.constant 0 : i32
      %cond3A_628 = arith.cmpi ne, %convert_element_type3A_626, %cond3A_627 : i32
      scf.if %cond3A_628 {
        %add3A_1042 = arith.constant 1 : i32
        %add3A_1043 = arith.addi %add3A_621, %add3A_1042 : i32
        %scan3A_1044 = arith.constant 0 : i32
        %scan3A_1045 = arith.constant 16 : i32
        %scan3A_1046 = arith.addi %scan3A_1044, %scan3A_1045 : i32
        %scan3A_1047 = arith.constant 1 : i32
        scf.for %scan3A_1052 = %scan3A_1044 to %scan3A_1046 step %scan3A_1047  : i32 {
          %mul3A_1053 = arith.constant 1 : i32
          %mul3A_1054 = arith.muli %scan3A_1052, %mul3A_1053 : i32
          %add3A_1055 = arith.constant 0 : i32
          %add3A_1056 = arith.addi %add3A_1055, %mul3A_1054 : i32
          %mul3A_1057 = arith.constant 256 : i32
          %mul3A_1058 = arith.muli %add3A_1043, %mul3A_1057 : i32
          %mul3A_1059 = arith.constant 16 : i32
          %mul3A_1060 = arith.muli %add3A_1056, %mul3A_1059 : i32
          %add3A_1061 = arith.addi %mul3A_1058, %mul3A_1060 : i32
          %get3A_1062 = arith.index_cast %add3A_1061 : i32 to index
          %get3A_1063 = tpu.vector_load %arg6[%get3A_1062] {strides = array<i32>} : memref<25600xi32, #tpu.memory_space<vmem>>, vector<16xi32>,
          %and3A_1064 = arith.constant 262143 : i32
          %and3A_1065 = vector.broadcast %and3A_1064 : i32 to vector<16xi32>
          %and3A_1066 = arith.andi %get3A_1063, %and3A_1065 : vector<16xi32>
          %mul3A_1067 = arith.constant 16 : i32
          %mul3A_1068 = arith.muli %add3A_1056, %mul3A_1067 : i32
          %swap3A = arith.index_cast %mul3A_1068 : i32 to index
          %swap3A_1069 = tpu.vector_load %arg8[%swap3A] {strides = array<i32>} : memref<256xi32, #tpu.memory_space<vmem>>, vector<16xi32>,
          tpu.vector_store %arg8[%swap3A], %and3A_1066 {strides = array<i32>} : memref<256xi32, #tpu.memory_space<vmem>>, vector<16xi32>,
        }
        %scan3A_1048 = arith.constant 16 : i32
        %dma_start3A_1049 = arith.constant 0 : i32
        %dma_start3A_1050 = arith.constant 0 : i32
        %dma_start3A_1051 = tpu.memref_slice %arg2[%dma_start3A_1049, %dma_start3A_1050] : memref<262144x128xf32, #tpu.memory_space<hbm>> -> memref<262144x128xf32, #tpu.memory_space<hbm>>
        tpu.enqueue_indirect_dma source(%dma_start3A_1051 : memref<262144x128xf32, #tpu.memory_space<hbm>>) target(%arg10 : memref<256x128xf32, #tpu.memory_space<vmem>>) offsets(%arg8 : memref<256xi32, #tpu.memory_space<vmem>>) semaphore(%arg14 : memref<!tpu.dma_semaphore, #tpu.memory_space<semaphore_mem>>)
      } else {
      }
      %dma_wait3A_629 = arith.constant 0 : i32
      %dma_wait3A_630 = arith.constant 0 : i32
      %dma_wait3A_631 = tpu.memref_slice %arg2[%dma_wait3A_629, %dma_wait3A_630] : memref<262144x128xf32, #tpu.memory_space<hbm>> -> memref<262144x128xf32, #tpu.memory_space<hbm>>
      tpu.wait_indirect_dma semaphore(%arg15 : memref<!tpu.dma_semaphore, #tpu.memory_space<semaphore_mem>>) src(%dma_wait3A_631 : memref<262144x128xf32, #tpu.memory_space<hbm>>) dst(%arg11 : memref<256x128xf32, #tpu.memory_space<vmem>>)
      %ge3A_632 = arith.constant 2 : i32
      %ge3A_633 = arith.cmpi sge, %add3A_621, %ge3A_632 : i32
      %convert_element_type3A_634 = arith.extui %ge3A_633 : i1 to i32
      %cond3A_635 = arith.constant 0 : i32
      %cond3A_636 = arith.cmpi ne, %convert_element_type3A_634, %cond3A_635 : i32
      scf.if %cond3A_636 {
        %sub3A_1042 = arith.constant 2 : i32
        %sub3A_1043 = arith.subi %add3A_621, %sub3A_1042 : i32
        %add3A_1044 = arith.addi %mul3A_2, %sub3A_1043 : i32
        %jit3A_1045 = arith.constant 128 : i32
        %div3A_1046 = arith.divsi %add3A_1044, %jit3A_1045 : i32
        %sign3A_1047 = arith.constant 0 : i32
        %sign3A_1048 = arith.cmpi sgt, %add3A_1044, %sign3A_1047 : i32
        %sign3A_1049 = arith.extui %sign3A_1048 : i1 to i32
        %sign3A_1050 = arith.constant 0 : i32
        %sign3A_1051 = arith.cmpi slt, %add3A_1044, %sign3A_1050 : i32
        %sign3A_1052 = arith.extui %sign3A_1051 : i1 to i32
        %sign3A_1053 = arith.subi %sign3A_1049, %sign3A_1052 : i32
        %sign3A_1054 = arith.constant 0 : i32
        %sign3A_1055 = arith.cmpi sgt, %jit3A_1045, %sign3A_1054 : i32
        %sign3A_1056 = arith.extui %sign3A_1055 : i1 to i32
        %sign3A_1057 = arith.constant 0 : i32
        %sign3A_1058 = arith.cmpi slt, %jit3A_1045, %sign3A_1057 : i32
        %sign3A_1059 = arith.extui %sign3A_1058 : i1 to i32
        %sign3A_1060 = arith.subi %sign3A_1056, %sign3A_1059 : i32
        %ne3A_1061 = arith.cmpi ne, %sign3A_1053, %sign3A_1060 : i32
        %rem3A_1062 = arith.remsi %add3A_1044, %jit3A_1045 : i32
        %ne3A_1063 = arith.constant 0 : i32
        %ne3A_1064 = arith.cmpi ne, %rem3A_1062, %ne3A_1063 : i32
        %and3A_1065 = arith.andi %ne3A_1061, %ne3A_1064 : i1
        %sub3A_1066 = arith.constant 1 : i32
        %sub3A_1067 = arith.subi %div3A_1046, %sub3A_1066 : i32
        %select_n3A_1068 = arith.select %and3A_1065, %sub3A_1067, %div3A_1046 : i32
        %rem3A_1069 = arith.constant 128 : i32
        %rem3A_1070 = arith.remsi %add3A_1044, %rem3A_1069 : i32
        %jit3A_1071 = arith.constant 4 : i32
        %div3A_1072 = arith.divsi %rem3A_1070, %jit3A_1071 : i32
        %sign3A_1073 = arith.constant 0 : i32
        %sign3A_1074 = arith.cmpi sgt, %rem3A_1070, %sign3A_1073 : i32
        %sign3A_1075 = arith.extui %sign3A_1074 : i1 to i32
        %sign3A_1076 = arith.constant 0 : i32
        %sign3A_1077 = arith.cmpi slt, %rem3A_1070, %sign3A_1076 : i32
        %sign3A_1078 = arith.extui %sign3A_1077 : i1 to i32
        %sign3A_1079 = arith.subi %sign3A_1075, %sign3A_1078 : i32
        %sign3A_1080 = arith.constant 0 : i32
        %sign3A_1081 = arith.cmpi sgt, %jit3A_1071, %sign3A_1080 : i32
        %sign3A_1082 = arith.extui %sign3A_1081 : i1 to i32
        %sign3A_1083 = arith.constant 0 : i32
        %sign3A_1084 = arith.cmpi slt, %jit3A_1071, %sign3A_1083 : i32
        %sign3A_1085 = arith.extui %sign3A_1084 : i1 to i32
        %sign3A_1086 = arith.subi %sign3A_1082, %sign3A_1085 : i32
        %ne3A_1087 = arith.cmpi ne, %sign3A_1079, %sign3A_1086 : i32
        %rem3A_1088 = arith.remsi %rem3A_1070, %jit3A_1071 : i32
        %ne3A_1089 = arith.constant 0 : i32
        %ne3A_1090 = arith.cmpi ne, %rem3A_1088, %ne3A_1089 : i32
        %and3A_1091 = arith.andi %ne3A_1087, %ne3A_1090 : i1
        %sub3A_1092 = arith.constant 1 : i32
        %sub3A_1093 = arith.subi %div3A_1072, %sub3A_1092 : i32
        %select_n3A_1094 = arith.select %and3A_1091, %sub3A_1093, %div3A_1072 : i32
        %mul3A_1095 = arith.constant 8 : i32
        %mul3A_1096 = arith.muli %select_n3A_1068, %mul3A_1095 : i32
        %rem3A_1097 = arith.constant 4 : i32
        %rem3A_1098 = arith.remsi %add3A_1044, %rem3A_1097 : i32
        %mul3A_1099 = arith.constant 2 : i32
        %mul3A_1100 = arith.muli %rem3A_1098, %mul3A_1099 : i32
        %add3A_1101 = arith.addi %mul3A_1096, %mul3A_1100 : i32
        %mul3A_1102 = arith.constant 128 : i32
        %mul3A_1103 = arith.muli %select_n3A_1094, %mul3A_1102 : i32
        %dma_wait3A_1104 = arith.constant 0 : i32
        %dma_wait3A_1105 = tpu.memref_slice %arg5[%add3A_1101, %dma_wait3A_1104, %mul3A_1103] : memref<200x32x4096xf32, #tpu.memory_space<hbm>> -> memref<2x32x128xf32, #tpu.memory_space<hbm>>
        %dma_wait3A_1106 = arith.constant 0 : i32
        %dma_wait3A_1107 = tpu.memref_slice %arg5[%add3A_1101, %dma_wait3A_1106, %mul3A_1103] : memref<200x32x4096xf32, #tpu.memory_space<hbm>> -> memref<2x32x128xf32, #tpu.memory_space<hbm>>
        tpu.wait_dma2 semaphore(%arg17 : memref<!tpu.dma_semaphore, #tpu.memory_space<semaphore_mem>>) src(%arg13 : memref<2x32x128xf32, #tpu.memory_space<vmem>>) dst(%dma_wait3A_1107 : memref<2x32x128xf32, #tpu.memory_space<hbm>>)
      } else {
      }
      %mul3A_637 = arith.constant 256 : i32
      %mul3A_638 = arith.muli %add3A_621, %mul3A_637 : i32
      %add3A_639 = arith.constant 0 : i32
      %add3A_640 = arith.addi %mul3A_638, %add3A_639 : i32
      %get3A_641 = arith.index_cast %add3A_640 : i32 to index
      %get3A_642 = tpu.vector_load %arg6[%get3A_641] {strides = array<i32>} : memref<25600xi32, #tpu.memory_space<vmem>>, vector<16xi32>,
      %shift_right_arithmetic3A_643 = arith.constant 18 : i32
      %shift_right_arithmetic3A_644 = vector.broadcast %shift_right_arithmetic3A_643 : i32 to vector<16xi32>
      %shift_right_arithmetic3A_645 = arith.shrsi %get3A_642, %shift_right_arithmetic3A_644 : vector<16xi32>
      %mul3A_646 = arith.constant 32 : i32
      %mul3A_647 = vector.broadcast %mul3A_646 : i32 to vector<16xi32>
      %mul3A_648 = arith.muli %shift_right_arithmetic3A_645, %mul3A_647 : vector<16xi32>
      %sub3A_649 = arith.constant 999936 : i32
      %sub3A_650 = vector.broadcast %sub3A_649 : i32 to vector<16xi32>
      %sub3A_651 = arith.subi %get3A_642, %sub3A_650 : vector<16xi32>
      %max3A_652 = arith.constant 0 : i32
      %max3A_653 = vector.broadcast %max3A_652 : i32 to vector<16xi32>
      %max3A_654 = arith.maxsi %sub3A_651, %max3A_653 : vector<16xi32>
      %ge3A_655 = arith.constant 999936 : i32
      %ge3A_656 = vector.broadcast %ge3A_655 : i32 to vector<16xi32>
      %ge3A_657 = arith.cmpi sge, %get3A_642, %ge3A_656 : vector<16xi32>
      %mul3A_658 = arith.constant 256 : i32
      %mul3A_659 = arith.muli %add3A_621, %mul3A_658 : i32
      %add3A_660 = arith.constant 16 : i32
      %add3A_661 = arith.addi %mul3A_659, %add3A_660 : i32
      %get3A_662 = arith.index_cast %add3A_661 : i32 to index
      %get3A_663 = tpu.vector_load %arg6[%get3A_662] {strides = array<i32>} : memref<25600xi32, #tpu.memory_space<vmem>>, vector<16xi32>,
      %shift_right_arithmetic3A_664 = arith.constant 18 : i32
      %shift_right_arithmetic3A_665 = vector.broadcast %shift_right_arithmetic3A_664 : i32 to vector<16xi32>
      %shift_right_arithmetic3A_666 = arith.shrsi %get3A_663, %shift_right_arithmetic3A_665 : vector<16xi32>
      %mul3A_667 = arith.constant 32 : i32
      %mul3A_668 = vector.broadcast %mul3A_667 : i32 to vector<16xi32>
      %mul3A_669 = arith.muli %shift_right_arithmetic3A_666, %mul3A_668 : vector<16xi32>
      %sub3A_670 = arith.constant 999936 : i32
      %sub3A_671 = vector.broadcast %sub3A_670 : i32 to vector<16xi32>
      %sub3A_672 = arith.subi %get3A_663, %sub3A_671 : vector<16xi32>
      %max3A_673 = arith.constant 0 : i32
      %max3A_674 = vector.broadcast %max3A_673 : i32 to vector<16xi32>
      %max3A_675 = arith.maxsi %sub3A_672, %max3A_674 : vector<16xi32>
      %ge3A_676 = arith.constant 999936 : i32
      %ge3A_677 = vector.broadcast %ge3A_676 : i32 to vector<16xi32>
      %ge3A_678 = arith.cmpi sge, %get3A_663, %ge3A_677 : vector<16xi32>
      %mul3A_679 = arith.constant 256 : i32
      %mul3A_680 = arith.muli %add3A_621, %mul3A_679 : i32
      %add3A_681 = arith.constant 32 : i32
      %add3A_682 = arith.addi %mul3A_680, %add3A_681 : i32
      %get3A_683 = arith.index_cast %add3A_682 : i32 to index
      %get3A_684 = tpu.vector_load %arg6[%get3A_683] {strides = array<i32>} : memref<25600xi32, #tpu.memory_space<vmem>>, vector<16xi32>,
      %shift_right_arithmetic3A_685 = arith.constant 18 : i32
      %shift_right_arithmetic3A_686 = vector.broadcast %shift_right_arithmetic3A_685 : i32 to vector<16xi32>
      %shift_right_arithmetic3A_687 = arith.shrsi %get3A_684, %shift_right_arithmetic3A_686 : vector<16xi32>
      %mul3A_688 = arith.constant 32 : i32
      %mul3A_689 = vector.broadcast %mul3A_688 : i32 to vector<16xi32>
      %mul3A_690 = arith.muli %shift_right_arithmetic3A_687, %mul3A_689 : vector<16xi32>
      %sub3A_691 = arith.constant 999936 : i32
      %sub3A_692 = vector.broadcast %sub3A_691 : i32 to vector<16xi32>
      %sub3A_693 = arith.subi %get3A_684, %sub3A_692 : vector<16xi32>
      %max3A_694 = arith.constant 0 : i32
      %max3A_695 = vector.broadcast %max3A_694 : i32 to vector<16xi32>
      %max3A_696 = arith.maxsi %sub3A_693, %max3A_695 : vector<16xi32>
      %ge3A_697 = arith.constant 999936 : i32
      %ge3A_698 = vector.broadcast %ge3A_697 : i32 to vector<16xi32>
      %ge3A_699 = arith.cmpi sge, %get3A_684, %ge3A_698 : vector<16xi32>
      %mul3A_700 = arith.constant 256 : i32
      %mul3A_701 = arith.muli %add3A_621, %mul3A_700 : i32
      %add3A_702 = arith.constant 48 : i32
      %add3A_703 = arith.addi %mul3A_701, %add3A_702 : i32
      %get3A_704 = arith.index_cast %add3A_703 : i32 to index
      %get3A_705 = tpu.vector_load %arg6[%get3A_704] {strides = array<i32>} : memref<25600xi32, #tpu.memory_space<vmem>>, vector<16xi32>,
      %shift_right_arithmetic3A_706 = arith.constant 18 : i32
      %shift_right_arithmetic3A_707 = vector.broadcast %shift_right_arithmetic3A_706 : i32 to vector<16xi32>
      %shift_right_arithmetic3A_708 = arith.shrsi %get3A_705, %shift_right_arithmetic3A_707 : vector<16xi32>
      %mul3A_709 = arith.constant 32 : i32
      %mul3A_710 = vector.broadcast %mul3A_709 : i32 to vector<16xi32>
      %mul3A_711 = arith.muli %shift_right_arithmetic3A_708, %mul3A_710 : vector<16xi32>
      %sub3A_712 = arith.constant 999936 : i32
      %sub3A_713 = vector.broadcast %sub3A_712 : i32 to vector<16xi32>
      %sub3A_714 = arith.subi %get3A_705, %sub3A_713 : vector<16xi32>
      %max3A_715 = arith.constant 0 : i32
      %max3A_716 = vector.broadcast %max3A_715 : i32 to vector<16xi32>
      %max3A_717 = arith.maxsi %sub3A_714, %max3A_716 : vector<16xi32>
      %ge3A_718 = arith.constant 999936 : i32
      %ge3A_719 = vector.broadcast %ge3A_718 : i32 to vector<16xi32>
      %ge3A_720 = arith.cmpi sge, %get3A_705, %ge3A_719 : vector<16xi32>
      %mul3A_721 = arith.constant 256 : i32
      %mul3A_722 = arith.muli %add3A_621, %mul3A_721 : i32
      %add3A_723 = arith.constant 64 : i32
      %add3A_724 = arith.addi %mul3A_722, %add3A_723 : i32
      %get3A_725 = arith.index_cast %add3A_724 : i32 to index
      %get3A_726 = tpu.vector_load %arg6[%get3A_725] {strides = array<i32>} : memref<25600xi32, #tpu.memory_space<vmem>>, vector<16xi32>,
      %shift_right_arithmetic3A_727 = arith.constant 18 : i32
      %shift_right_arithmetic3A_728 = vector.broadcast %shift_right_arithmetic3A_727 : i32 to vector<16xi32>
      %shift_right_arithmetic3A_729 = arith.shrsi %get3A_726, %shift_right_arithmetic3A_728 : vector<16xi32>
      %mul3A_730 = arith.constant 32 : i32
      %mul3A_731 = vector.broadcast %mul3A_730 : i32 to vector<16xi32>
      %mul3A_732 = arith.muli %shift_right_arithmetic3A_729, %mul3A_731 : vector<16xi32>
      %sub3A_733 = arith.constant 999936 : i32
      %sub3A_734 = vector.broadcast %sub3A_733 : i32 to vector<16xi32>
      %sub3A_735 = arith.subi %get3A_726, %sub3A_734 : vector<16xi32>
      %max3A_736 = arith.constant 0 : i32
      %max3A_737 = vector.broadcast %max3A_736 : i32 to vector<16xi32>
      %max3A_738 = arith.maxsi %sub3A_735, %max3A_737 : vector<16xi32>
      %ge3A_739 = arith.constant 999936 : i32
      %ge3A_740 = vector.broadcast %ge3A_739 : i32 to vector<16xi32>
      %ge3A_741 = arith.cmpi sge, %get3A_726, %ge3A_740 : vector<16xi32>
      %mul3A_742 = arith.constant 256 : i32
      %mul3A_743 = arith.muli %add3A_621, %mul3A_742 : i32
      %add3A_744 = arith.constant 80 : i32
      %add3A_745 = arith.addi %mul3A_743, %add3A_744 : i32
      %get3A_746 = arith.index_cast %add3A_745 : i32 to index
      %get3A_747 = tpu.vector_load %arg6[%get3A_746] {strides = array<i32>} : memref<25600xi32, #tpu.memory_space<vmem>>, vector<16xi32>,
      %shift_right_arithmetic3A_748 = arith.constant 18 : i32
      %shift_right_arithmetic3A_749 = vector.broadcast %shift_right_arithmetic3A_748 : i32 to vector<16xi32>
      %shift_right_arithmetic3A_750 = arith.shrsi %get3A_747, %shift_right_arithmetic3A_749 : vector<16xi32>
      %mul3A_751 = arith.constant 32 : i32
      %mul3A_752 = vector.broadcast %mul3A_751 : i32 to vector<16xi32>
      %mul3A_753 = arith.muli %shift_right_arithmetic3A_750, %mul3A_752 : vector<16xi32>
      %sub3A_754 = arith.constant 999936 : i32
      %sub3A_755 = vector.broadcast %sub3A_754 : i32 to vector<16xi32>
      %sub3A_756 = arith.subi %get3A_747, %sub3A_755 : vector<16xi32>
      %max3A_757 = arith.constant 0 : i32
      %max3A_758 = vector.broadcast %max3A_757 : i32 to vector<16xi32>
      %max3A_759 = arith.maxsi %sub3A_756, %max3A_758 : vector<16xi32>
      %ge3A_760 = arith.constant 999936 : i32
      %ge3A_761 = vector.broadcast %ge3A_760 : i32 to vector<16xi32>
      %ge3A_762 = arith.cmpi sge, %get3A_747, %ge3A_761 : vector<16xi32>
      %mul3A_763 = arith.constant 256 : i32
      %mul3A_764 = arith.muli %add3A_621, %mul3A_763 : i32
      %add3A_765 = arith.constant 96 : i32
      %add3A_766 = arith.addi %mul3A_764, %add3A_765 : i32
      %get3A_767 = arith.index_cast %add3A_766 : i32 to index
      %get3A_768 = tpu.vector_load %arg6[%get3A_767] {strides = array<i32>} : memref<25600xi32, #tpu.memory_space<vmem>>, vector<16xi32>,
      %shift_right_arithmetic3A_769 = arith.constant 18 : i32
      %shift_right_arithmetic3A_770 = vector.broadcast %shift_right_arithmetic3A_769 : i32 to vector<16xi32>
      %shift_right_arithmetic3A_771 = arith.shrsi %get3A_768, %shift_right_arithmetic3A_770 : vector<16xi32>
      %mul3A_772 = arith.constant 32 : i32
      %mul3A_773 = vector.broadcast %mul3A_772 : i32 to vector<16xi32>
      %mul3A_774 = arith.muli %shift_right_arithmetic3A_771, %mul3A_773 : vector<16xi32>
      %sub3A_775 = arith.constant 999936 : i32
      %sub3A_776 = vector.broadcast %sub3A_775 : i32 to vector<16xi32>
      %sub3A_777 = arith.subi %get3A_768, %sub3A_776 : vector<16xi32>
      %max3A_778 = arith.constant 0 : i32
      %max3A_779 = vector.broadcast %max3A_778 : i32 to vector<16xi32>
      %max3A_780 = arith.maxsi %sub3A_777, %max3A_779 : vector<16xi32>
      %ge3A_781 = arith.constant 999936 : i32
      %ge3A_782 = vector.broadcast %ge3A_781 : i32 to vector<16xi32>
      %ge3A_783 = arith.cmpi sge, %get3A_768, %ge3A_782 : vector<16xi32>
      %mul3A_784 = arith.constant 256 : i32
      %mul3A_785 = arith.muli %add3A_621, %mul3A_784 : i32
      %add3A_786 = arith.constant 112 : i32
      %add3A_787 = arith.addi %mul3A_785, %add3A_786 : i32
      %get3A_788 = arith.index_cast %add3A_787 : i32 to index
      %get3A_789 = tpu.vector_load %arg6[%get3A_788] {strides = array<i32>} : memref<25600xi32, #tpu.memory_space<vmem>>, vector<16xi32>,
      %shift_right_arithmetic3A_790 = arith.constant 18 : i32
      %shift_right_arithmetic3A_791 = vector.broadcast %shift_right_arithmetic3A_790 : i32 to vector<16xi32>
      %shift_right_arithmetic3A_792 = arith.shrsi %get3A_789, %shift_right_arithmetic3A_791 : vector<16xi32>
      %mul3A_793 = arith.constant 32 : i32
      %mul3A_794 = vector.broadcast %mul3A_793 : i32 to vector<16xi32>
      %mul3A_795 = arith.muli %shift_right_arithmetic3A_792, %mul3A_794 : vector<16xi32>
      %sub3A_796 = arith.constant 999936 : i32
      %sub3A_797 = vector.broadcast %sub3A_796 : i32 to vector<16xi32>
      %sub3A_798 = arith.subi %get3A_789, %sub3A_797 : vector<16xi32>
      %max3A_799 = arith.constant 0 : i32
      %max3A_800 = vector.broadcast %max3A_799 : i32 to vector<16xi32>
      %max3A_801 = arith.maxsi %sub3A_798, %max3A_800 : vector<16xi32>
      %ge3A_802 = arith.constant 999936 : i32
      %ge3A_803 = vector.broadcast %ge3A_802 : i32 to vector<16xi32>
      %ge3A_804 = arith.cmpi sge, %get3A_789, %ge3A_803 : vector<16xi32>
      %mul3A_805 = arith.constant 256 : i32
      %mul3A_806 = arith.muli %add3A_621, %mul3A_805 : i32
      %add3A_807 = arith.constant 128 : i32
      %add3A_808 = arith.addi %mul3A_806, %add3A_807 : i32
      %get3A_809 = arith.index_cast %add3A_808 : i32 to index
      %get3A_810 = tpu.vector_load %arg6[%get3A_809] {strides = array<i32>} : memref<25600xi32, #tpu.memory_space<vmem>>, vector<16xi32>,
      %shift_right_arithmetic3A_811 = arith.constant 18 : i32
      %shift_right_arithmetic3A_812 = vector.broadcast %shift_right_arithmetic3A_811 : i32 to vector<16xi32>
      %shift_right_arithmetic3A_813 = arith.shrsi %get3A_810, %shift_right_arithmetic3A_812 : vector<16xi32>
      %mul3A_814 = arith.constant 32 : i32
      %mul3A_815 = vector.broadcast %mul3A_814 : i32 to vector<16xi32>
      %mul3A_816 = arith.muli %shift_right_arithmetic3A_813, %mul3A_815 : vector<16xi32>
      %sub3A_817 = arith.constant 999936 : i32
      %sub3A_818 = vector.broadcast %sub3A_817 : i32 to vector<16xi32>
      %sub3A_819 = arith.subi %get3A_810, %sub3A_818 : vector<16xi32>
      %max3A_820 = arith.constant 0 : i32
      %max3A_821 = vector.broadcast %max3A_820 : i32 to vector<16xi32>
      %max3A_822 = arith.maxsi %sub3A_819, %max3A_821 : vector<16xi32>
      %ge3A_823 = arith.constant 999936 : i32
      %ge3A_824 = vector.broadcast %ge3A_823 : i32 to vector<16xi32>
      %ge3A_825 = arith.cmpi sge, %get3A_810, %ge3A_824 : vector<16xi32>
      %mul3A_826 = arith.constant 256 : i32
      %mul3A_827 = arith.muli %add3A_621, %mul3A_826 : i32
      %add3A_828 = arith.constant 144 : i32
      %add3A_829 = arith.addi %mul3A_827, %add3A_828 : i32
      %get3A_830 = arith.index_cast %add3A_829 : i32 to index
      %get3A_831 = tpu.vector_load %arg6[%get3A_830] {strides = array<i32>} : memref<25600xi32, #tpu.memory_space<vmem>>, vector<16xi32>,
      %shift_right_arithmetic3A_832 = arith.constant 18 : i32
      %shift_right_arithmetic3A_833 = vector.broadcast %shift_right_arithmetic3A_832 : i32 to vector<16xi32>
      %shift_right_arithmetic3A_834 = arith.shrsi %get3A_831, %shift_right_arithmetic3A_833 : vector<16xi32>
      %mul3A_835 = arith.constant 32 : i32
      %mul3A_836 = vector.broadcast %mul3A_835 : i32 to vector<16xi32>
      %mul3A_837 = arith.muli %shift_right_arithmetic3A_834, %mul3A_836 : vector<16xi32>
      %sub3A_838 = arith.constant 999936 : i32
      %sub3A_839 = vector.broadcast %sub3A_838 : i32 to vector<16xi32>
      %sub3A_840 = arith.subi %get3A_831, %sub3A_839 : vector<16xi32>
      %max3A_841 = arith.constant 0 : i32
      %max3A_842 = vector.broadcast %max3A_841 : i32 to vector<16xi32>
      %max3A_843 = arith.maxsi %sub3A_840, %max3A_842 : vector<16xi32>
      %ge3A_844 = arith.constant 999936 : i32
      %ge3A_845 = vector.broadcast %ge3A_844 : i32 to vector<16xi32>
      %ge3A_846 = arith.cmpi sge, %get3A_831, %ge3A_845 : vector<16xi32>
      %mul3A_847 = arith.constant 256 : i32
      %mul3A_848 = arith.muli %add3A_621, %mul3A_847 : i32
      %add3A_849 = arith.constant 160 : i32
      %add3A_850 = arith.addi %mul3A_848, %add3A_849 : i32
      %get3A_851 = arith.index_cast %add3A_850 : i32 to index
      %get3A_852 = tpu.vector_load %arg6[%get3A_851] {strides = array<i32>} : memref<25600xi32, #tpu.memory_space<vmem>>, vector<16xi32>,
      %shift_right_arithmetic3A_853 = arith.constant 18 : i32
      %shift_right_arithmetic3A_854 = vector.broadcast %shift_right_arithmetic3A_853 : i32 to vector<16xi32>
      %shift_right_arithmetic3A_855 = arith.shrsi %get3A_852, %shift_right_arithmetic3A_854 : vector<16xi32>
      %mul3A_856 = arith.constant 32 : i32
      %mul3A_857 = vector.broadcast %mul3A_856 : i32 to vector<16xi32>
      %mul3A_858 = arith.muli %shift_right_arithmetic3A_855, %mul3A_857 : vector<16xi32>
      %sub3A_859 = arith.constant 999936 : i32
      %sub3A_860 = vector.broadcast %sub3A_859 : i32 to vector<16xi32>
      %sub3A_861 = arith.subi %get3A_852, %sub3A_860 : vector<16xi32>
      %max3A_862 = arith.constant 0 : i32
      %max3A_863 = vector.broadcast %max3A_862 : i32 to vector<16xi32>
      %max3A_864 = arith.maxsi %sub3A_861, %max3A_863 : vector<16xi32>
      %ge3A_865 = arith.constant 999936 : i32
      %ge3A_866 = vector.broadcast %ge3A_865 : i32 to vector<16xi32>
      %ge3A_867 = arith.cmpi sge, %get3A_852, %ge3A_866 : vector<16xi32>
      %mul3A_868 = arith.constant 256 : i32
      %mul3A_869 = arith.muli %add3A_621, %mul3A_868 : i32
      %add3A_870 = arith.constant 176 : i32
      %add3A_871 = arith.addi %mul3A_869, %add3A_870 : i32
      %get3A_872 = arith.index_cast %add3A_871 : i32 to index
      %get3A_873 = tpu.vector_load %arg6[%get3A_872] {strides = array<i32>} : memref<25600xi32, #tpu.memory_space<vmem>>, vector<16xi32>,
      %shift_right_arithmetic3A_874 = arith.constant 18 : i32
      %shift_right_arithmetic3A_875 = vector.broadcast %shift_right_arithmetic3A_874 : i32 to vector<16xi32>
      %shift_right_arithmetic3A_876 = arith.shrsi %get3A_873, %shift_right_arithmetic3A_875 : vector<16xi32>
      %mul3A_877 = arith.constant 32 : i32
      %mul3A_878 = vector.broadcast %mul3A_877 : i32 to vector<16xi32>
      %mul3A_879 = arith.muli %shift_right_arithmetic3A_876, %mul3A_878 : vector<16xi32>
      %sub3A_880 = arith.constant 999936 : i32
      %sub3A_881 = vector.broadcast %sub3A_880 : i32 to vector<16xi32>
      %sub3A_882 = arith.subi %get3A_873, %sub3A_881 : vector<16xi32>
      %max3A_883 = arith.constant 0 : i32
      %max3A_884 = vector.broadcast %max3A_883 : i32 to vector<16xi32>
      %max3A_885 = arith.maxsi %sub3A_882, %max3A_884 : vector<16xi32>
      %ge3A_886 = arith.constant 999936 : i32
      %ge3A_887 = vector.broadcast %ge3A_886 : i32 to vector<16xi32>
      %ge3A_888 = arith.cmpi sge, %get3A_873, %ge3A_887 : vector<16xi32>
      %mul3A_889 = arith.constant 256 : i32
      %mul3A_890 = arith.muli %add3A_621, %mul3A_889 : i32
      %add3A_891 = arith.constant 192 : i32
      %add3A_892 = arith.addi %mul3A_890, %add3A_891 : i32
      %get3A_893 = arith.index_cast %add3A_892 : i32 to index
      %get3A_894 = tpu.vector_load %arg6[%get3A_893] {strides = array<i32>} : memref<25600xi32, #tpu.memory_space<vmem>>, vector<16xi32>,
      %shift_right_arithmetic3A_895 = arith.constant 18 : i32
      %shift_right_arithmetic3A_896 = vector.broadcast %shift_right_arithmetic3A_895 : i32 to vector<16xi32>
      %shift_right_arithmetic3A_897 = arith.shrsi %get3A_894, %shift_right_arithmetic3A_896 : vector<16xi32>
      %mul3A_898 = arith.constant 32 : i32
      %mul3A_899 = vector.broadcast %mul3A_898 : i32 to vector<16xi32>
      %mul3A_900 = arith.muli %shift_right_arithmetic3A_897, %mul3A_899 : vector<16xi32>
      %sub3A_901 = arith.constant 999936 : i32
      %sub3A_902 = vector.broadcast %sub3A_901 : i32 to vector<16xi32>
      %sub3A_903 = arith.subi %get3A_894, %sub3A_902 : vector<16xi32>
      %max3A_904 = arith.constant 0 : i32
      %max3A_905 = vector.broadcast %max3A_904 : i32 to vector<16xi32>
      %max3A_906 = arith.maxsi %sub3A_903, %max3A_905 : vector<16xi32>
      %ge3A_907 = arith.constant 999936 : i32
      %ge3A_908 = vector.broadcast %ge3A_907 : i32 to vector<16xi32>
      %ge3A_909 = arith.cmpi sge, %get3A_894, %ge3A_908 : vector<16xi32>
      %mul3A_910 = arith.constant 256 : i32
      %mul3A_911 = arith.muli %add3A_621, %mul3A_910 : i32
      %add3A_912 = arith.constant 208 : i32
      %add3A_913 = arith.addi %mul3A_911, %add3A_912 : i32
      %get3A_914 = arith.index_cast %add3A_913 : i32 to index
      %get3A_915 = tpu.vector_load %arg6[%get3A_914] {strides = array<i32>} : memref<25600xi32, #tpu.memory_space<vmem>>, vector<16xi32>,
      %shift_right_arithmetic3A_916 = arith.constant 18 : i32
      %shift_right_arithmetic3A_917 = vector.broadcast %shift_right_arithmetic3A_916 : i32 to vector<16xi32>
      %shift_right_arithmetic3A_918 = arith.shrsi %get3A_915, %shift_right_arithmetic3A_917 : vector<16xi32>
      %mul3A_919 = arith.constant 32 : i32
      %mul3A_920 = vector.broadcast %mul3A_919 : i32 to vector<16xi32>
      %mul3A_921 = arith.muli %shift_right_arithmetic3A_918, %mul3A_920 : vector<16xi32>
      %sub3A_922 = arith.constant 999936 : i32
      %sub3A_923 = vector.broadcast %sub3A_922 : i32 to vector<16xi32>
      %sub3A_924 = arith.subi %get3A_915, %sub3A_923 : vector<16xi32>
      %max3A_925 = arith.constant 0 : i32
      %max3A_926 = vector.broadcast %max3A_925 : i32 to vector<16xi32>
      %max3A_927 = arith.maxsi %sub3A_924, %max3A_926 : vector<16xi32>
      %ge3A_928 = arith.constant 999936 : i32
      %ge3A_929 = vector.broadcast %ge3A_928 : i32 to vector<16xi32>
      %ge3A_930 = arith.cmpi sge, %get3A_915, %ge3A_929 : vector<16xi32>
      %mul3A_931 = arith.constant 256 : i32
      %mul3A_932 = arith.muli %add3A_621, %mul3A_931 : i32
      %add3A_933 = arith.constant 224 : i32
      %add3A_934 = arith.addi %mul3A_932, %add3A_933 : i32
      %get3A_935 = arith.index_cast %add3A_934 : i32 to index
      %get3A_936 = tpu.vector_load %arg6[%get3A_935] {strides = array<i32>} : memref<25600xi32, #tpu.memory_space<vmem>>, vector<16xi32>,
      %shift_right_arithmetic3A_937 = arith.constant 18 : i32
      %shift_right_arithmetic3A_938 = vector.broadcast %shift_right_arithmetic3A_937 : i32 to vector<16xi32>
      %shift_right_arithmetic3A_939 = arith.shrsi %get3A_936, %shift_right_arithmetic3A_938 : vector<16xi32>
      %mul3A_940 = arith.constant 32 : i32
      %mul3A_941 = vector.broadcast %mul3A_940 : i32 to vector<16xi32>
      %mul3A_942 = arith.muli %shift_right_arithmetic3A_939, %mul3A_941 : vector<16xi32>
      %sub3A_943 = arith.constant 999936 : i32
      %sub3A_944 = vector.broadcast %sub3A_943 : i32 to vector<16xi32>
      %sub3A_945 = arith.subi %get3A_936, %sub3A_944 : vector<16xi32>
      %max3A_946 = arith.constant 0 : i32
      %max3A_947 = vector.broadcast %max3A_946 : i32 to vector<16xi32>
      %max3A_948 = arith.maxsi %sub3A_945, %max3A_947 : vector<16xi32>
      %ge3A_949 = arith.constant 999936 : i32
      %ge3A_950 = vector.broadcast %ge3A_949 : i32 to vector<16xi32>
      %ge3A_951 = arith.cmpi sge, %get3A_936, %ge3A_950 : vector<16xi32>
      %mul3A_952 = arith.constant 256 : i32
      %mul3A_953 = arith.muli %add3A_621, %mul3A_952 : i32
      %add3A_954 = arith.constant 240 : i32
      %add3A_955 = arith.addi %mul3A_953, %add3A_954 : i32
      %get3A_956 = arith.index_cast %add3A_955 : i32 to index
      %get3A_957 = tpu.vector_load %arg6[%get3A_956] {strides = array<i32>} : memref<25600xi32, #tpu.memory_space<vmem>>, vector<16xi32>,
      %shift_right_arithmetic3A_958 = arith.constant 18 : i32
      %shift_right_arithmetic3A_959 = vector.broadcast %shift_right_arithmetic3A_958 : i32 to vector<16xi32>
      %shift_right_arithmetic3A_960 = arith.shrsi %get3A_957, %shift_right_arithmetic3A_959 : vector<16xi32>
      %mul3A_961 = arith.constant 32 : i32
      %mul3A_962 = vector.broadcast %mul3A_961 : i32 to vector<16xi32>
      %mul3A_963 = arith.muli %shift_right_arithmetic3A_960, %mul3A_962 : vector<16xi32>
      %sub3A_964 = arith.constant 999936 : i32
      %sub3A_965 = vector.broadcast %sub3A_964 : i32 to vector<16xi32>
      %sub3A_966 = arith.subi %get3A_957, %sub3A_965 : vector<16xi32>
      %max3A_967 = arith.constant 0 : i32
      %max3A_968 = vector.broadcast %max3A_967 : i32 to vector<16xi32>
      %max3A_969 = arith.maxsi %sub3A_966, %max3A_968 : vector<16xi32>
      %ge3A_970 = arith.constant 999936 : i32
      %ge3A_971 = vector.broadcast %ge3A_970 : i32 to vector<16xi32>
      %ge3A_972 = arith.cmpi sge, %get3A_957, %ge3A_971 : vector<16xi32>
      %scan3A_973 = arith.constant 0 : i32
      %scan3A_974 = arith.constant 32 : i32
      %scan3A_975 = arith.addi %scan3A_973, %scan3A_974 : i32
      %scan3A_976 = arith.constant 1 : i32
      scf.for %scan3A_1042 = %scan3A_973 to %scan3A_975 step %scan3A_976  : i32 {
        %mul3A_1043 = arith.constant 1 : i32
        %mul3A_1044 = arith.muli %scan3A_1042, %mul3A_1043 : i32
        %add3A_1045 = arith.constant 0 : i32
        %add3A_1046 = arith.addi %add3A_1045, %mul3A_1044 : i32
        %broadcast_in_dim3A = vector.broadcast %add3A_1046 : i32 to vector<16xi32>
        %add3A_1047 = vector.broadcast %add3A_1046 : i32 to vector<16xi32>
        %add3A_1048 = arith.addi %mul3A_648, %add3A_1047 : vector<16xi32>
        %gather3A = tpu.vector_load_idx %arg11[%add3A_7, %add3A_1048] : memref<256x128xf32, #tpu.memory_space<vmem>>[vector<16xi32>, vector<16xi32>], vector<16xf32>,
        %add3A_1049 = vector.broadcast %add3A_1046 : i32 to vector<16xi32>
        %add3A_1050 = arith.addi %mul3A_669, %add3A_1049 : vector<16xi32>
        %gather3A_1051 = tpu.vector_load_idx %arg11[%add3A_11, %add3A_1050] : memref<256x128xf32, #tpu.memory_space<vmem>>[vector<16xi32>, vector<16xi32>], vector<16xf32>,
        %add3A_1052 = vector.broadcast %add3A_1046 : i32 to vector<16xi32>
        %add3A_1053 = arith.addi %mul3A_690, %add3A_1052 : vector<16xi32>
        %gather3A_1054 = tpu.vector_load_idx %arg11[%add3A_15, %add3A_1053] : memref<256x128xf32, #tpu.memory_space<vmem>>[vector<16xi32>, vector<16xi32>], vector<16xf32>,
        %add3A_1055 = vector.broadcast %add3A_1046 : i32 to vector<16xi32>
        %add3A_1056 = arith.addi %mul3A_711, %add3A_1055 : vector<16xi32>
        %gather3A_1057 = tpu.vector_load_idx %arg11[%add3A_19, %add3A_1056] : memref<256x128xf32, #tpu.memory_space<vmem>>[vector<16xi32>, vector<16xi32>], vector<16xf32>,
        %add3A_1058 = vector.broadcast %add3A_1046 : i32 to vector<16xi32>
        %add3A_1059 = arith.addi %mul3A_732, %add3A_1058 : vector<16xi32>
        %gather3A_1060 = tpu.vector_load_idx %arg11[%add3A_23, %add3A_1059] : memref<256x128xf32, #tpu.memory_space<vmem>>[vector<16xi32>, vector<16xi32>], vector<16xf32>,
        %add3A_1061 = vector.broadcast %add3A_1046 : i32 to vector<16xi32>
        %add3A_1062 = arith.addi %mul3A_753, %add3A_1061 : vector<16xi32>
        %gather3A_1063 = tpu.vector_load_idx %arg11[%add3A_27, %add3A_1062] : memref<256x128xf32, #tpu.memory_space<vmem>>[vector<16xi32>, vector<16xi32>], vector<16xf32>,
        %add3A_1064 = vector.broadcast %add3A_1046 : i32 to vector<16xi32>
        %add3A_1065 = arith.addi %mul3A_774, %add3A_1064 : vector<16xi32>
        %gather3A_1066 = tpu.vector_load_idx %arg11[%add3A_31, %add3A_1065] : memref<256x128xf32, #tpu.memory_space<vmem>>[vector<16xi32>, vector<16xi32>], vector<16xf32>,
        %add3A_1067 = vector.broadcast %add3A_1046 : i32 to vector<16xi32>
        %add3A_1068 = arith.addi %mul3A_795, %add3A_1067 : vector<16xi32>
        %gather3A_1069 = tpu.vector_load_idx %arg11[%add3A_35, %add3A_1068] : memref<256x128xf32, #tpu.memory_space<vmem>>[vector<16xi32>, vector<16xi32>], vector<16xf32>,
        %add3A_1070 = vector.broadcast %add3A_1046 : i32 to vector<16xi32>
        %add3A_1071 = arith.addi %mul3A_816, %add3A_1070 : vector<16xi32>
        %gather3A_1072 = tpu.vector_load_idx %arg11[%add3A_39, %add3A_1071] : memref<256x128xf32, #tpu.memory_space<vmem>>[vector<16xi32>, vector<16xi32>], vector<16xf32>,
        %add3A_1073 = vector.broadcast %add3A_1046 : i32 to vector<16xi32>
        %add3A_1074 = arith.addi %mul3A_837, %add3A_1073 : vector<16xi32>
        %gather3A_1075 = tpu.vector_load_idx %arg11[%add3A_43, %add3A_1074] : memref<256x128xf32, #tpu.memory_space<vmem>>[vector<16xi32>, vector<16xi32>], vector<16xf32>,
        %add3A_1076 = vector.broadcast %add3A_1046 : i32 to vector<16xi32>
        %add3A_1077 = arith.addi %mul3A_858, %add3A_1076 : vector<16xi32>
        %gather3A_1078 = tpu.vector_load_idx %arg11[%add3A_47, %add3A_1077] : memref<256x128xf32, #tpu.memory_space<vmem>>[vector<16xi32>, vector<16xi32>], vector<16xf32>,
        %add3A_1079 = vector.broadcast %add3A_1046 : i32 to vector<16xi32>
        %add3A_1080 = arith.addi %mul3A_879, %add3A_1079 : vector<16xi32>
        %gather3A_1081 = tpu.vector_load_idx %arg11[%add3A_51, %add3A_1080] : memref<256x128xf32, #tpu.memory_space<vmem>>[vector<16xi32>, vector<16xi32>], vector<16xf32>,
        %add3A_1082 = vector.broadcast %add3A_1046 : i32 to vector<16xi32>
        %add3A_1083 = arith.addi %mul3A_900, %add3A_1082 : vector<16xi32>
        %gather3A_1084 = tpu.vector_load_idx %arg11[%add3A_55, %add3A_1083] : memref<256x128xf32, #tpu.memory_space<vmem>>[vector<16xi32>, vector<16xi32>], vector<16xf32>,
        %add3A_1085 = vector.broadcast %add3A_1046 : i32 to vector<16xi32>
        %add3A_1086 = arith.addi %mul3A_921, %add3A_1085 : vector<16xi32>
        %gather3A_1087 = tpu.vector_load_idx %arg11[%add3A_59, %add3A_1086] : memref<256x128xf32, #tpu.memory_space<vmem>>[vector<16xi32>, vector<16xi32>], vector<16xf32>,
        %add3A_1088 = vector.broadcast %add3A_1046 : i32 to vector<16xi32>
        %add3A_1089 = arith.addi %mul3A_942, %add3A_1088 : vector<16xi32>
        %gather3A_1090 = tpu.vector_load_idx %arg11[%add3A_63, %add3A_1089] : memref<256x128xf32, #tpu.memory_space<vmem>>[vector<16xi32>, vector<16xi32>], vector<16xf32>,
        %add3A_1091 = vector.broadcast %add3A_1046 : i32 to vector<16xi32>
        %add3A_1092 = arith.addi %mul3A_963, %add3A_1091 : vector<16xi32>
        %gather3A_1093 = tpu.vector_load_idx %arg11[%add3A_67, %add3A_1092] : memref<256x128xf32, #tpu.memory_space<vmem>>[vector<16xi32>, vector<16xi32>], vector<16xf32>,
        %gather3A_1094 = tpu.vector_load_idx %arg7[%max3A_654, %broadcast_in_dim3A] : memref<64x32xf32, #tpu.memory_space<vmem>>[vector<16xi32>, vector<16xi32>], vector<16xf32>,
        %gather3A_1095 = tpu.vector_load_idx %arg7[%max3A_675, %broadcast_in_dim3A] : memref<64x32xf32, #tpu.memory_space<vmem>>[vector<16xi32>, vector<16xi32>], vector<16xf32>,
        %gather3A_1096 = tpu.vector_load_idx %arg7[%max3A_696, %broadcast_in_dim3A] : memref<64x32xf32, #tpu.memory_space<vmem>>[vector<16xi32>, vector<16xi32>], vector<16xf32>,
        %gather3A_1097 = tpu.vector_load_idx %arg7[%max3A_717, %broadcast_in_dim3A] : memref<64x32xf32, #tpu.memory_space<vmem>>[vector<16xi32>, vector<16xi32>], vector<16xf32>,
        %gather3A_1098 = tpu.vector_load_idx %arg7[%max3A_738, %broadcast_in_dim3A] : memref<64x32xf32, #tpu.memory_space<vmem>>[vector<16xi32>, vector<16xi32>], vector<16xf32>,
        %gather3A_1099 = tpu.vector_load_idx %arg7[%max3A_759, %broadcast_in_dim3A] : memref<64x32xf32, #tpu.memory_space<vmem>>[vector<16xi32>, vector<16xi32>], vector<16xf32>,
        %gather3A_1100 = tpu.vector_load_idx %arg7[%max3A_780, %broadcast_in_dim3A] : memref<64x32xf32, #tpu.memory_space<vmem>>[vector<16xi32>, vector<16xi32>], vector<16xf32>,
        %gather3A_1101 = tpu.vector_load_idx %arg7[%max3A_801, %broadcast_in_dim3A] : memref<64x32xf32, #tpu.memory_space<vmem>>[vector<16xi32>, vector<16xi32>], vector<16xf32>,
        %gather3A_1102 = tpu.vector_load_idx %arg7[%max3A_822, %broadcast_in_dim3A] : memref<64x32xf32, #tpu.memory_space<vmem>>[vector<16xi32>, vector<16xi32>], vector<16xf32>,
        %gather3A_1103 = tpu.vector_load_idx %arg7[%max3A_843, %broadcast_in_dim3A] : memref<64x32xf32, #tpu.memory_space<vmem>>[vector<16xi32>, vector<16xi32>], vector<16xf32>,
        %gather3A_1104 = tpu.vector_load_idx %arg7[%max3A_864, %broadcast_in_dim3A] : memref<64x32xf32, #tpu.memory_space<vmem>>[vector<16xi32>, vector<16xi32>], vector<16xf32>,
        %gather3A_1105 = tpu.vector_load_idx %arg7[%max3A_885, %broadcast_in_dim3A] : memref<64x32xf32, #tpu.memory_space<vmem>>[vector<16xi32>, vector<16xi32>], vector<16xf32>,
        %gather3A_1106 = tpu.vector_load_idx %arg7[%max3A_906, %broadcast_in_dim3A] : memref<64x32xf32, #tpu.memory_space<vmem>>[vector<16xi32>, vector<16xi32>], vector<16xf32>,
        %gather3A_1107 = tpu.vector_load_idx %arg7[%max3A_927, %broadcast_in_dim3A] : memref<64x32xf32, #tpu.memory_space<vmem>>[vector<16xi32>, vector<16xi32>], vector<16xf32>,
        %gather3A_1108 = tpu.vector_load_idx %arg7[%max3A_948, %broadcast_in_dim3A] : memref<64x32xf32, #tpu.memory_space<vmem>>[vector<16xi32>, vector<16xi32>], vector<16xf32>,
        %gather3A_1109 = tpu.vector_load_idx %arg7[%max3A_969, %broadcast_in_dim3A] : memref<64x32xf32, #tpu.memory_space<vmem>>[vector<16xi32>, vector<16xi32>], vector<16xf32>,
        %select_n3A_1110 = arith.select %ge3A_657, %gather3A_1094, %gather3A : vector<16xi1>, vector<16xf32>
        %swap3A = arith.constant 0 : i32
        %swap3A_1111 = arith.index_cast %swap3A : i32 to index
        %swap3A_1112 = arith.index_cast %add3A_1046 : i32 to index
        %swap3A_1113 = arith.constant 0 : index
        %swap3A_1114 = tpu.vector_load %arg13[%swap3A_1111, %swap3A_1112, %swap3A_1113] {strides = array<i32>} : memref<2x32x128xf32, #tpu.memory_space<vmem>>, vector<16xf32>,
        tpu.vector_store %arg13[%swap3A_1111, %swap3A_1112, %swap3A_1113], %select_n3A_1110 {strides = array<i32>} : memref<2x32x128xf32, #tpu.memory_space<vmem>>, vector<16xf32>,
        %select_n3A_1115 = arith.select %ge3A_678, %gather3A_1095, %gather3A_1051 : vector<16xi1>, vector<16xf32>
        %swap3A_1116 = arith.constant 0 : i32
        %swap3A_1117 = arith.index_cast %swap3A_1116 : i32 to index
        %swap3A_1118 = arith.index_cast %add3A_1046 : i32 to index
        %swap3A_1119 = arith.constant 16 : index
        %swap3A_1120 = tpu.vector_load %arg13[%swap3A_1117, %swap3A_1118, %swap3A_1119] {strides = array<i32>} : memref<2x32x128xf32, #tpu.memory_space<vmem>>, vector<16xf32>,
        tpu.vector_store %arg13[%swap3A_1117, %swap3A_1118, %swap3A_1119], %select_n3A_1115 {strides = array<i32>} : memref<2x32x128xf32, #tpu.memory_space<vmem>>, vector<16xf32>,
        %select_n3A_1121 = arith.select %ge3A_699, %gather3A_1096, %gather3A_1054 : vector<16xi1>, vector<16xf32>
        %swap3A_1122 = arith.constant 0 : i32
        %swap3A_1123 = arith.index_cast %swap3A_1122 : i32 to index
        %swap3A_1124 = arith.index_cast %add3A_1046 : i32 to index
        %swap3A_1125 = arith.constant 32 : index
        %swap3A_1126 = tpu.vector_load %arg13[%swap3A_1123, %swap3A_1124, %swap3A_1125] {strides = array<i32>} : memref<2x32x128xf32, #tpu.memory_space<vmem>>, vector<16xf32>,
        tpu.vector_store %arg13[%swap3A_1123, %swap3A_1124, %swap3A_1125], %select_n3A_1121 {strides = array<i32>} : memref<2x32x128xf32, #tpu.memory_space<vmem>>, vector<16xf32>,
        %select_n3A_1127 = arith.select %ge3A_720, %gather3A_1097, %gather3A_1057 : vector<16xi1>, vector<16xf32>
        %swap3A_1128 = arith.constant 0 : i32
        %swap3A_1129 = arith.index_cast %swap3A_1128 : i32 to index
        %swap3A_1130 = arith.index_cast %add3A_1046 : i32 to index
        %swap3A_1131 = arith.constant 48 : index
        %swap3A_1132 = tpu.vector_load %arg13[%swap3A_1129, %swap3A_1130, %swap3A_1131] {strides = array<i32>} : memref<2x32x128xf32, #tpu.memory_space<vmem>>, vector<16xf32>,
        tpu.vector_store %arg13[%swap3A_1129, %swap3A_1130, %swap3A_1131], %select_n3A_1127 {strides = array<i32>} : memref<2x32x128xf32, #tpu.memory_space<vmem>>, vector<16xf32>,
        %select_n3A_1133 = arith.select %ge3A_741, %gather3A_1098, %gather3A_1060 : vector<16xi1>, vector<16xf32>
        %swap3A_1134 = arith.constant 0 : i32
        %swap3A_1135 = arith.index_cast %swap3A_1134 : i32 to index
        %swap3A_1136 = arith.index_cast %add3A_1046 : i32 to index
        %swap3A_1137 = arith.constant 64 : index
        %swap3A_1138 = tpu.vector_load %arg13[%swap3A_1135, %swap3A_1136, %swap3A_1137] {strides = array<i32>} : memref<2x32x128xf32, #tpu.memory_space<vmem>>, vector<16xf32>,
        tpu.vector_store %arg13[%swap3A_1135, %swap3A_1136, %swap3A_1137], %select_n3A_1133 {strides = array<i32>} : memref<2x32x128xf32, #tpu.memory_space<vmem>>, vector<16xf32>,
        %select_n3A_1139 = arith.select %ge3A_762, %gather3A_1099, %gather3A_1063 : vector<16xi1>, vector<16xf32>
        %swap3A_1140 = arith.constant 0 : i32
        %swap3A_1141 = arith.index_cast %swap3A_1140 : i32 to index
        %swap3A_1142 = arith.index_cast %add3A_1046 : i32 to index
        %swap3A_1143 = arith.constant 80 : index
        %swap3A_1144 = tpu.vector_load %arg13[%swap3A_1141, %swap3A_1142, %swap3A_1143] {strides = array<i32>} : memref<2x32x128xf32, #tpu.memory_space<vmem>>, vector<16xf32>,
        tpu.vector_store %arg13[%swap3A_1141, %swap3A_1142, %swap3A_1143], %select_n3A_1139 {strides = array<i32>} : memref<2x32x128xf32, #tpu.memory_space<vmem>>, vector<16xf32>,
        %select_n3A_1145 = arith.select %ge3A_783, %gather3A_1100, %gather3A_1066 : vector<16xi1>, vector<16xf32>
        %swap3A_1146 = arith.constant 0 : i32
        %swap3A_1147 = arith.index_cast %swap3A_1146 : i32 to index
        %swap3A_1148 = arith.index_cast %add3A_1046 : i32 to index
        %swap3A_1149 = arith.constant 96 : index
        %swap3A_1150 = tpu.vector_load %arg13[%swap3A_1147, %swap3A_1148, %swap3A_1149] {strides = array<i32>} : memref<2x32x128xf32, #tpu.memory_space<vmem>>, vector<16xf32>,
        tpu.vector_store %arg13[%swap3A_1147, %swap3A_1148, %swap3A_1149], %select_n3A_1145 {strides = array<i32>} : memref<2x32x128xf32, #tpu.memory_space<vmem>>, vector<16xf32>,
        %select_n3A_1151 = arith.select %ge3A_804, %gather3A_1101, %gather3A_1069 : vector<16xi1>, vector<16xf32>
        %swap3A_1152 = arith.constant 0 : i32
        %swap3A_1153 = arith.index_cast %swap3A_1152 : i32 to index
        %swap3A_1154 = arith.index_cast %add3A_1046 : i32 to index
        %swap3A_1155 = arith.constant 112 : index
        %swap3A_1156 = tpu.vector_load %arg13[%swap3A_1153, %swap3A_1154, %swap3A_1155] {strides = array<i32>} : memref<2x32x128xf32, #tpu.memory_space<vmem>>, vector<16xf32>,
        tpu.vector_store %arg13[%swap3A_1153, %swap3A_1154, %swap3A_1155], %select_n3A_1151 {strides = array<i32>} : memref<2x32x128xf32, #tpu.memory_space<vmem>>, vector<16xf32>,
        %select_n3A_1157 = arith.select %ge3A_825, %gather3A_1102, %gather3A_1072 : vector<16xi1>, vector<16xf32>
        %swap3A_1158 = arith.constant 1 : i32
        %swap3A_1159 = arith.index_cast %swap3A_1158 : i32 to index
        %swap3A_1160 = arith.index_cast %add3A_1046 : i32 to index
        %swap3A_1161 = arith.constant 0 : index
        %swap3A_1162 = tpu.vector_load %arg13[%swap3A_1159, %swap3A_1160, %swap3A_1161] {strides = array<i32>} : memref<2x32x128xf32, #tpu.memory_space<vmem>>, vector<16xf32>,
        tpu.vector_store %arg13[%swap3A_1159, %swap3A_1160, %swap3A_1161], %select_n3A_1157 {strides = array<i32>} : memref<2x32x128xf32, #tpu.memory_space<vmem>>, vector<16xf32>,
        %select_n3A_1163 = arith.select %ge3A_846, %gather3A_1103, %gather3A_1075 : vector<16xi1>, vector<16xf32>
        %swap3A_1164 = arith.constant 1 : i32
        %swap3A_1165 = arith.index_cast %swap3A_1164 : i32 to index
        %swap3A_1166 = arith.index_cast %add3A_1046 : i32 to index
        %swap3A_1167 = arith.constant 16 : index
        %swap3A_1168 = tpu.vector_load %arg13[%swap3A_1165, %swap3A_1166, %swap3A_1167] {strides = array<i32>} : memref<2x32x128xf32, #tpu.memory_space<vmem>>, vector<16xf32>,
        tpu.vector_store %arg13[%swap3A_1165, %swap3A_1166, %swap3A_1167], %select_n3A_1163 {strides = array<i32>} : memref<2x32x128xf32, #tpu.memory_space<vmem>>, vector<16xf32>,
        %select_n3A_1169 = arith.select %ge3A_867, %gather3A_1104, %gather3A_1078 : vector<16xi1>, vector<16xf32>
        %swap3A_1170 = arith.constant 1 : i32
        %swap3A_1171 = arith.index_cast %swap3A_1170 : i32 to index
        %swap3A_1172 = arith.index_cast %add3A_1046 : i32 to index
        %swap3A_1173 = arith.constant 32 : index
        %swap3A_1174 = tpu.vector_load %arg13[%swap3A_1171, %swap3A_1172, %swap3A_1173] {strides = array<i32>} : memref<2x32x128xf32, #tpu.memory_space<vmem>>, vector<16xf32>,
        tpu.vector_store %arg13[%swap3A_1171, %swap3A_1172, %swap3A_1173], %select_n3A_1169 {strides = array<i32>} : memref<2x32x128xf32, #tpu.memory_space<vmem>>, vector<16xf32>,
        %select_n3A_1175 = arith.select %ge3A_888, %gather3A_1105, %gather3A_1081 : vector<16xi1>, vector<16xf32>
        %swap3A_1176 = arith.constant 1 : i32
        %swap3A_1177 = arith.index_cast %swap3A_1176 : i32 to index
        %swap3A_1178 = arith.index_cast %add3A_1046 : i32 to index
        %swap3A_1179 = arith.constant 48 : index
        %swap3A_1180 = tpu.vector_load %arg13[%swap3A_1177, %swap3A_1178, %swap3A_1179] {strides = array<i32>} : memref<2x32x128xf32, #tpu.memory_space<vmem>>, vector<16xf32>,
        tpu.vector_store %arg13[%swap3A_1177, %swap3A_1178, %swap3A_1179], %select_n3A_1175 {strides = array<i32>} : memref<2x32x128xf32, #tpu.memory_space<vmem>>, vector<16xf32>,
        %select_n3A_1181 = arith.select %ge3A_909, %gather3A_1106, %gather3A_1084 : vector<16xi1>, vector<16xf32>
        %swap3A_1182 = arith.constant 1 : i32
        %swap3A_1183 = arith.index_cast %swap3A_1182 : i32 to index
        %swap3A_1184 = arith.index_cast %add3A_1046 : i32 to index
        %swap3A_1185 = arith.constant 64 : index
        %swap3A_1186 = tpu.vector_load %arg13[%swap3A_1183, %swap3A_1184, %swap3A_1185] {strides = array<i32>} : memref<2x32x128xf32, #tpu.memory_space<vmem>>, vector<16xf32>,
        tpu.vector_store %arg13[%swap3A_1183, %swap3A_1184, %swap3A_1185], %select_n3A_1181 {strides = array<i32>} : memref<2x32x128xf32, #tpu.memory_space<vmem>>, vector<16xf32>,
        %select_n3A_1187 = arith.select %ge3A_930, %gather3A_1107, %gather3A_1087 : vector<16xi1>, vector<16xf32>
        %swap3A_1188 = arith.constant 1 : i32
        %swap3A_1189 = arith.index_cast %swap3A_1188 : i32 to index
        %swap3A_1190 = arith.index_cast %add3A_1046 : i32 to index
        %swap3A_1191 = arith.constant 80 : index
        %swap3A_1192 = tpu.vector_load %arg13[%swap3A_1189, %swap3A_1190, %swap3A_1191] {strides = array<i32>} : memref<2x32x128xf32, #tpu.memory_space<vmem>>, vector<16xf32>,
        tpu.vector_store %arg13[%swap3A_1189, %swap3A_1190, %swap3A_1191], %select_n3A_1187 {strides = array<i32>} : memref<2x32x128xf32, #tpu.memory_space<vmem>>, vector<16xf32>,
        %select_n3A_1193 = arith.select %ge3A_951, %gather3A_1108, %gather3A_1090 : vector<16xi1>, vector<16xf32>
        %swap3A_1194 = arith.constant 1 : i32
        %swap3A_1195 = arith.index_cast %swap3A_1194 : i32 to index
        %swap3A_1196 = arith.index_cast %add3A_1046 : i32 to index
        %swap3A_1197 = arith.constant 96 : index
        %swap3A_1198 = tpu.vector_load %arg13[%swap3A_1195, %swap3A_1196, %swap3A_1197] {strides = array<i32>} : memref<2x32x128xf32, #tpu.memory_space<vmem>>, vector<16xf32>,
        tpu.vector_store %arg13[%swap3A_1195, %swap3A_1196, %swap3A_1197], %select_n3A_1193 {strides = array<i32>} : memref<2x32x128xf32, #tpu.memory_space<vmem>>, vector<16xf32>,
        %select_n3A_1199 = arith.select %ge3A_972, %gather3A_1109, %gather3A_1093 : vector<16xi1>, vector<16xf32>
        %swap3A_1200 = arith.constant 1 : i32
        %swap3A_1201 = arith.index_cast %swap3A_1200 : i32 to index
        %swap3A_1202 = arith.index_cast %add3A_1046 : i32 to index
        %swap3A_1203 = arith.constant 112 : index
        %swap3A_1204 = tpu.vector_load %arg13[%swap3A_1201, %swap3A_1202, %swap3A_1203] {strides = array<i32>} : memref<2x32x128xf32, #tpu.memory_space<vmem>>, vector<16xf32>,
        tpu.vector_store %arg13[%swap3A_1201, %swap3A_1202, %swap3A_1203], %select_n3A_1199 {strides = array<i32>} : memref<2x32x128xf32, #tpu.memory_space<vmem>>, vector<16xf32>,
      }
      %scan3A_977 = arith.constant 32 : i32
      %add3A_978 = arith.addi %mul3A_2, %add3A_621 : i32
      %jit3A_979 = arith.constant 128 : i32
      %div3A_980 = arith.divsi %add3A_978, %jit3A_979 : i32
      %sign3A_981 = arith.constant 0 : i32
      %sign3A_982 = arith.cmpi sgt, %add3A_978, %sign3A_981 : i32
      %sign3A_983 = arith.extui %sign3A_982 : i1 to i32
      %sign3A_984 = arith.constant 0 : i32
      %sign3A_985 = arith.cmpi slt, %add3A_978, %sign3A_984 : i32
      %sign3A_986 = arith.extui %sign3A_985 : i1 to i32
      %sign3A_987 = arith.subi %sign3A_983, %sign3A_986 : i32
      %sign3A_988 = arith.constant 0 : i32
      %sign3A_989 = arith.cmpi sgt, %jit3A_979, %sign3A_988 : i32
      %sign3A_990 = arith.extui %sign3A_989 : i1 to i32
      %sign3A_991 = arith.constant 0 : i32
      %sign3A_992 = arith.cmpi slt, %jit3A_979, %sign3A_991 : i32
      %sign3A_993 = arith.extui %sign3A_992 : i1 to i32
      %sign3A_994 = arith.subi %sign3A_990, %sign3A_993 : i32
      %ne3A_995 = arith.cmpi ne, %sign3A_987, %sign3A_994 : i32
      %rem3A_996 = arith.remsi %add3A_978, %jit3A_979 : i32
      %ne3A_997 = arith.constant 0 : i32
      %ne3A_998 = arith.cmpi ne, %rem3A_996, %ne3A_997 : i32
      %and3A_999 = arith.andi %ne3A_995, %ne3A_998 : i1
      %sub3A_1000 = arith.constant 1 : i32
      %sub3A_1001 = arith.subi %div3A_980, %sub3A_1000 : i32
      %select_n3A_1002 = arith.select %and3A_999, %sub3A_1001, %div3A_980 : i32
      %rem3A_1003 = arith.constant 128 : i32
      %rem3A_1004 = arith.remsi %add3A_978, %rem3A_1003 : i32
      %jit3A_1005 = arith.constant 4 : i32
      %div3A_1006 = arith.divsi %rem3A_1004, %jit3A_1005 : i32
      %sign3A_1007 = arith.constant 0 : i32
      %sign3A_1008 = arith.cmpi sgt, %rem3A_1004, %sign3A_1007 : i32
      %sign3A_1009 = arith.extui %sign3A_1008 : i1 to i32
      %sign3A_1010 = arith.constant 0 : i32
      %sign3A_1011 = arith.cmpi slt, %rem3A_1004, %sign3A_1010 : i32
      %sign3A_1012 = arith.extui %sign3A_1011 : i1 to i32
      %sign3A_1013 = arith.subi %sign3A_1009, %sign3A_1012 : i32
      %sign3A_1014 = arith.constant 0 : i32
      %sign3A_1015 = arith.cmpi sgt, %jit3A_1005, %sign3A_1014 : i32
      %sign3A_1016 = arith.extui %sign3A_1015 : i1 to i32
      %sign3A_1017 = arith.constant 0 : i32
      %sign3A_1018 = arith.cmpi slt, %jit3A_1005, %sign3A_1017 : i32
      %sign3A_1019 = arith.extui %sign3A_1018 : i1 to i32
      %sign3A_1020 = arith.subi %sign3A_1016, %sign3A_1019 : i32
      %ne3A_1021 = arith.cmpi ne, %sign3A_1013, %sign3A_1020 : i32
      %rem3A_1022 = arith.remsi %rem3A_1004, %jit3A_1005 : i32
      %ne3A_1023 = arith.constant 0 : i32
      %ne3A_1024 = arith.cmpi ne, %rem3A_1022, %ne3A_1023 : i32
      %and3A_1025 = arith.andi %ne3A_1021, %ne3A_1024 : i1
      %sub3A_1026 = arith.constant 1 : i32
      %sub3A_1027 = arith.subi %div3A_1006, %sub3A_1026 : i32
      %select_n3A_1028 = arith.select %and3A_1025, %sub3A_1027, %div3A_1006 : i32
      %mul3A_1029 = arith.constant 8 : i32
      %mul3A_1030 = arith.muli %select_n3A_1002, %mul3A_1029 : i32
      %rem3A_1031 = arith.constant 4 : i32
      %rem3A_1032 = arith.remsi %add3A_978, %rem3A_1031 : i32
      %mul3A_1033 = arith.constant 2 : i32
      %mul3A_1034 = arith.muli %rem3A_1032, %mul3A_1033 : i32
      %add3A_1035 = arith.addi %mul3A_1030, %mul3A_1034 : i32
      %mul3A_1036 = arith.constant 128 : i32
      %mul3A_1037 = arith.muli %select_n3A_1028, %mul3A_1036 : i32
      %dma_start3A_1038 = arith.constant 0 : i32
      %dma_start3A_1039 = tpu.memref_slice %arg5[%add3A_1035, %dma_start3A_1038, %mul3A_1037] : memref<200x32x4096xf32, #tpu.memory_space<hbm>> -> memref<2x32x128xf32, #tpu.memory_space<hbm>>
      %dma_start3A_1040 = arith.constant 0 : i32
      %dma_start3A_1041 = tpu.memref_slice %arg5[%add3A_1035, %dma_start3A_1040, %mul3A_1037] : memref<200x32x4096xf32, #tpu.memory_space<hbm>> -> memref<2x32x128xf32, #tpu.memory_space<hbm>>
      tpu.enqueue_dma source(%arg13 : memref<2x32x128xf32, #tpu.memory_space<vmem>>) target(%dma_start3A_1041 : memref<2x32x128xf32, #tpu.memory_space<hbm>>) target_semaphore(%arg17 : memref<!tpu.dma_semaphore, #tpu.memory_space<semaphore_mem>>)
    }
    %scan3A_78 = arith.constant 50 : i32
    %add3A_79 = arith.constant 98 : i32
    %add3A_80 = arith.addi %mul3A_2, %add3A_79 : i32
    %jit3A = arith.constant 128 : i32
    %div3A = arith.divsi %add3A_80, %jit3A : i32
    %sign3A = arith.constant 0 : i32
    %sign3A_81 = arith.cmpi sgt, %add3A_80, %sign3A : i32
    %sign3A_82 = arith.extui %sign3A_81 : i1 to i32
    %sign3A_83 = arith.constant 0 : i32
    %sign3A_84 = arith.cmpi slt, %add3A_80, %sign3A_83 : i32
    %sign3A_85 = arith.extui %sign3A_84 : i1 to i32
    %sign3A_86 = arith.subi %sign3A_82, %sign3A_85 : i32
    %sign3A_87 = arith.constant 0 : i32
    %sign3A_88 = arith.cmpi sgt, %jit3A, %sign3A_87 : i32
    %sign3A_89 = arith.extui %sign3A_88 : i1 to i32
    %sign3A_90 = arith.constant 0 : i32
    %sign3A_91 = arith.cmpi slt, %jit3A, %sign3A_90 : i32
    %sign3A_92 = arith.extui %sign3A_91 : i1 to i32
    %sign3A_93 = arith.subi %sign3A_89, %sign3A_92 : i32
    %ne3A = arith.cmpi ne, %sign3A_86, %sign3A_93 : i32
    %rem3A = arith.remsi %add3A_80, %jit3A : i32
    %ne3A_94 = arith.constant 0 : i32
    %ne3A_95 = arith.cmpi ne, %rem3A, %ne3A_94 : i32
    %and3A = arith.andi %ne3A, %ne3A_95 : i1
    %sub3A = arith.constant 1 : i32
    %sub3A_96 = arith.subi %div3A, %sub3A : i32
    %select_n3A = arith.select %and3A, %sub3A_96, %div3A : i32
    %rem3A_97 = arith.constant 128 : i32
    %rem3A_98 = arith.remsi %add3A_80, %rem3A_97 : i32
    %jit3A_99 = arith.constant 4 : i32
    %div3A_100 = arith.divsi %rem3A_98, %jit3A_99 : i32
    %sign3A_101 = arith.constant 0 : i32
    %sign3A_102 = arith.cmpi sgt, %rem3A_98, %sign3A_101 : i32
    %sign3A_103 = arith.extui %sign3A_102 : i1 to i32
    %sign3A_104 = arith.constant 0 : i32
    %sign3A_105 = arith.cmpi slt, %rem3A_98, %sign3A_104 : i32
    %sign3A_106 = arith.extui %sign3A_105 : i1 to i32
    %sign3A_107 = arith.subi %sign3A_103, %sign3A_106 : i32
    %sign3A_108 = arith.constant 0 : i32
    %sign3A_109 = arith.cmpi sgt, %jit3A_99, %sign3A_108 : i32
    %sign3A_110 = arith.extui %sign3A_109 : i1 to i32
    %sign3A_111 = arith.constant 0 : i32
    %sign3A_112 = arith.cmpi slt, %jit3A_99, %sign3A_111 : i32
    %sign3A_113 = arith.extui %sign3A_112 : i1 to i32
    %sign3A_114 = arith.subi %sign3A_110, %sign3A_113 : i32
    %ne3A_115 = arith.cmpi ne, %sign3A_107, %sign3A_114 : i32
    %rem3A_116 = arith.remsi %rem3A_98, %jit3A_99 : i32
    %ne3A_117 = arith.constant 0 : i32
    %ne3A_118 = arith.cmpi ne, %rem3A_116, %ne3A_117 : i32
    %and3A_119 = arith.andi %ne3A_115, %ne3A_118 : i1
    %sub3A_120 = arith.constant 1 : i32
    %sub3A_121 = arith.subi %div3A_100, %sub3A_120 : i32
    %select_n3A_122 = arith.select %and3A_119, %sub3A_121, %div3A_100 : i32
    %mul3A_123 = arith.constant 8 : i32
    %mul3A_124 = arith.muli %select_n3A, %mul3A_123 : i32
    %rem3A_125 = arith.constant 4 : i32
    %rem3A_126 = arith.remsi %add3A_80, %rem3A_125 : i32
    %mul3A_127 = arith.constant 2 : i32
    %mul3A_128 = arith.muli %rem3A_126, %mul3A_127 : i32
    %add3A_129 = arith.addi %mul3A_124, %mul3A_128 : i32
    %mul3A_130 = arith.constant 128 : i32
    %mul3A_131 = arith.muli %select_n3A_122, %mul3A_130 : i32
    %dma_wait3A = arith.constant 0 : i32
    %dma_wait3A_132 = tpu.memref_slice %arg5[%add3A_129, %dma_wait3A, %mul3A_131] : memref<200x32x4096xf32, #tpu.memory_space<hbm>> -> memref<2x32x128xf32, #tpu.memory_space<hbm>>
    %dma_wait3A_133 = arith.constant 0 : i32
    %dma_wait3A_134 = tpu.memref_slice %arg5[%add3A_129, %dma_wait3A_133, %mul3A_131] : memref<200x32x4096xf32, #tpu.memory_space<hbm>> -> memref<2x32x128xf32, #tpu.memory_space<hbm>>
    tpu.wait_dma2 semaphore(%arg16 : memref<!tpu.dma_semaphore, #tpu.memory_space<semaphore_mem>>) src(%arg12 : memref<2x32x128xf32, #tpu.memory_space<vmem>>) dst(%dma_wait3A_134 : memref<2x32x128xf32, #tpu.memory_space<hbm>>)
    %add3A_135 = arith.constant 99 : i32
    %add3A_136 = arith.addi %mul3A_2, %add3A_135 : i32
    %jit3A_137 = arith.constant 128 : i32
    %div3A_138 = arith.divsi %add3A_136, %jit3A_137 : i32
    %sign3A_139 = arith.constant 0 : i32
    %sign3A_140 = arith.cmpi sgt, %add3A_136, %sign3A_139 : i32
    %sign3A_141 = arith.extui %sign3A_140 : i1 to i32
    %sign3A_142 = arith.constant 0 : i32
    %sign3A_143 = arith.cmpi slt, %add3A_136, %sign3A_142 : i32
    %sign3A_144 = arith.extui %sign3A_143 : i1 to i32
    %sign3A_145 = arith.subi %sign3A_141, %sign3A_144 : i32
    %sign3A_146 = arith.constant 0 : i32
    %sign3A_147 = arith.cmpi sgt, %jit3A_137, %sign3A_146 : i32
    %sign3A_148 = arith.extui %sign3A_147 : i1 to i32
    %sign3A_149 = arith.constant 0 : i32
    %sign3A_150 = arith.cmpi slt, %jit3A_137, %sign3A_149 : i32
    %sign3A_151 = arith.extui %sign3A_150 : i1 to i32
    %sign3A_152 = arith.subi %sign3A_148, %sign3A_151 : i32
    %ne3A_153 = arith.cmpi ne, %sign3A_145, %sign3A_152 : i32
    %rem3A_154 = arith.remsi %add3A_136, %jit3A_137 : i32
    %ne3A_155 = arith.constant 0 : i32
    %ne3A_156 = arith.cmpi ne, %rem3A_154, %ne3A_155 : i32
    %and3A_157 = arith.andi %ne3A_153, %ne3A_156 : i1
    %sub3A_158 = arith.constant 1 : i32
    %sub3A_159 = arith.subi %div3A_138, %sub3A_158 : i32
    %select_n3A_160 = arith.select %and3A_157, %sub3A_159, %div3A_138 : i32
    %rem3A_161 = arith.constant 128 : i32
    %rem3A_162 = arith.remsi %add3A_136, %rem3A_161 : i32
    %jit3A_163 = arith.constant 4 : i32
    %div3A_164 = arith.divsi %rem3A_162, %jit3A_163 : i32
    %sign3A_165 = arith.constant 0 : i32
    %sign3A_166 = arith.cmpi sgt, %rem3A_162, %sign3A_165 : i32
    %sign3A_167 = arith.extui %sign3A_166 : i1 to i32
    %sign3A_168 = arith.constant 0 : i32
    %sign3A_169 = arith.cmpi slt, %rem3A_162, %sign3A_168 : i32
    %sign3A_170 = arith.extui %sign3A_169 : i1 to i32
    %sign3A_171 = arith.subi %sign3A_167, %sign3A_170 : i32
    %sign3A_172 = arith.constant 0 : i32
    %sign3A_173 = arith.cmpi sgt, %jit3A_163, %sign3A_172 : i32
    %sign3A_174 = arith.extui %sign3A_173 : i1 to i32
    %sign3A_175 = arith.constant 0 : i32
    %sign3A_176 = arith.cmpi slt, %jit3A_163, %sign3A_175 : i32
    %sign3A_177 = arith.extui %sign3A_176 : i1 to i32
    %sign3A_178 = arith.subi %sign3A_174, %sign3A_177 : i32
    %ne3A_179 = arith.cmpi ne, %sign3A_171, %sign3A_178 : i32
    %rem3A_180 = arith.remsi %rem3A_162, %jit3A_163 : i32
    %ne3A_181 = arith.constant 0 : i32
    %ne3A_182 = arith.cmpi ne, %rem3A_180, %ne3A_181 : i32
    %and3A_183 = arith.andi %ne3A_179, %ne3A_182 : i1
    %sub3A_184 = arith.constant 1 : i32
    %sub3A_185 = arith.subi %div3A_164, %sub3A_184 : i32
    %select_n3A_186 = arith.select %and3A_183, %sub3A_185, %div3A_164 : i32
    %mul3A_187 = arith.constant 8 : i32
    %mul3A_188 = arith.muli %select_n3A_160, %mul3A_187 : i32
    %rem3A_189 = arith.constant 4 : i32
    %rem3A_190 = arith.remsi %add3A_136, %rem3A_189 : i32
    %mul3A_191 = arith.constant 2 : i32
    %mul3A_192 = arith.muli %rem3A_190, %mul3A_191 : i32
    %add3A_193 = arith.addi %mul3A_188, %mul3A_192 : i32
    %mul3A_194 = arith.constant 128 : i32
    %mul3A_195 = arith.muli %select_n3A_186, %mul3A_194 : i32
    %dma_wait3A_196 = arith.constant 0 : i32
    %dma_wait3A_197 = tpu.memref_slice %arg5[%add3A_193, %dma_wait3A_196, %mul3A_195] : memref<200x32x4096xf32, #tpu.memory_space<hbm>> -> memref<2x32x128xf32, #tpu.memory_space<hbm>>
    %dma_wait3A_198 = arith.constant 0 : i32
    %dma_wait3A_199 = tpu.memref_slice %arg5[%add3A_193, %dma_wait3A_198, %mul3A_195] : memref<200x32x4096xf32, #tpu.memory_space<hbm>> -> memref<2x32x128xf32, #tpu.memory_space<hbm>>
    tpu.wait_dma2 semaphore(%arg17 : memref<!tpu.dma_semaphore, #tpu.memory_space<semaphore_mem>>) src(%arg13 : memref<2x32x128xf32, #tpu.memory_space<vmem>>) dst(%dma_wait3A_199 : memref<2x32x128xf32, #tpu.memory_space<hbm>>)
    return
  }
}

module attributes {stable_mosaic.version = 14 : i64} {
  func.func @body(%arg0: i32, %arg1: memref<32x1000000xf32, #tpu.memory_space<hbm>>, %arg2: memref<4096x128xf32, #tpu.memory_space<vmem>>, %arg3: memref<2x4x32x4096xf32, #tpu.memory_space<vmem>>, %arg4: memref<!tpu.dma_semaphore, #tpu.memory_space<semaphore_mem>>, %arg5: memref<!tpu.dma_semaphore, #tpu.memory_space<semaphore_mem>>) attributes {dimension_semantics = [#tpu.dimension_semantics<arbitrary>], iteration_bounds = array<i64: 64>, scalar_prefetch = 0 : i64, scratch_operands = 3 : i64, tpu.core_type = #tpu.core_type<tc>, window_params = [{}, {transform_indices = @transform_1, window_bounds = array<i64: 4096, 128>}]} {
    %rem3A = arith.constant 2 : i32
    %rem3A_0 = arith.remsi %arg0, %rem3A : i32
    %eq3A = arith.constant 0 : i32
    %eq3A_1 = arith.cmpi eq, %arg0, %eq3A : i32
    %convert_element_type3A = arith.extui %eq3A_1 : i1 to i32
    %cond3A = arith.constant 0 : i32
    %cond3A_2 = arith.cmpi ne, %convert_element_type3A, %cond3A : i32
    scf.if %cond3A_2 {
      %mul3A = arith.constant 4096 : i32
      %mul3A_30 = arith.muli %arg0, %mul3A : i32
      %multiple_of3A = tpu.assume_multiple %mul3A_30, 128 : i32
      %add3A_31 = arith.constant 0 : i32
      %add3A_32 = arith.addi %add3A_31, %multiple_of3A : i32
      %dma_start3A = arith.constant 0 : i32
      %dma_start3A_33 = arith.constant 0 : i32
      %dma_start3A_34 = arith.constant 0 : i32
      %dma_start3A_35 = arith.constant 0 : i32
      %dma_start3A_36 = arith.constant 0 : i32
      %dma_start3A_37 = tpu.memref_slice %arg3[%dma_start3A, %dma_start3A_34, %dma_start3A_35, %dma_start3A_36] : memref<2x4x32x4096xf32, #tpu.memory_space<vmem>> -> memref<1x4x32x4096xf32, #tpu.memory_space<vmem>>
      %dma_start3A_38 = tpu.memref_squeeze %dma_start3A_37 : memref<1x4x32x4096xf32, #tpu.memory_space<vmem>> -> memref<4x32x4096xf32, #tpu.memory_space<vmem>>
      %dma_start3A_39 = arith.constant 0 : i32
      %dma_start3A_40 = arith.constant 0 : i32
      %dma_start3A_41 = tpu.memref_slice %dma_start3A_38[%dma_start3A_33, %dma_start3A_39, %dma_start3A_40] : memref<4x32x4096xf32, #tpu.memory_space<vmem>> -> memref<1x32x4096xf32, #tpu.memory_space<vmem>>
      %dma_start3A_42 = tpu.memref_squeeze %dma_start3A_41 : memref<1x32x4096xf32, #tpu.memory_space<vmem>> -> memref<32x4096xf32, #tpu.memory_space<vmem>>
      %dma_start3A_43 = arith.constant 0 : i32
      %dma_start3A_44 = tpu.memref_slice %arg1[%dma_start3A_43, %add3A_32] : memref<32x1000000xf32, #tpu.memory_space<hbm>> -> memref<32x4096xf32, #tpu.memory_space<hbm>>
      tpu.enqueue_dma source(%dma_start3A_44 : memref<32x4096xf32, #tpu.memory_space<hbm>>) target(%dma_start3A_42 : memref<32x4096xf32, #tpu.memory_space<vmem>>) target_semaphore(%arg4 : memref<!tpu.dma_semaphore, #tpu.memory_space<semaphore_mem>>)
      %add3A_45 = arith.constant 262144 : i32
      %add3A_46 = arith.addi %add3A_45, %multiple_of3A : i32
      %dma_start3A_47 = arith.constant 0 : i32
      %dma_start3A_48 = arith.constant 1 : i32
      %dma_start3A_49 = arith.constant 0 : i32
      %dma_start3A_50 = arith.constant 0 : i32
      %dma_start3A_51 = arith.constant 0 : i32
      %dma_start3A_52 = tpu.memref_slice %arg3[%dma_start3A_47, %dma_start3A_49, %dma_start3A_50, %dma_start3A_51] : memref<2x4x32x4096xf32, #tpu.memory_space<vmem>> -> memref<1x4x32x4096xf32, #tpu.memory_space<vmem>>
      %dma_start3A_53 = tpu.memref_squeeze %dma_start3A_52 : memref<1x4x32x4096xf32, #tpu.memory_space<vmem>> -> memref<4x32x4096xf32, #tpu.memory_space<vmem>>
      %dma_start3A_54 = arith.constant 0 : i32
      %dma_start3A_55 = arith.constant 0 : i32
      %dma_start3A_56 = tpu.memref_slice %dma_start3A_53[%dma_start3A_48, %dma_start3A_54, %dma_start3A_55] : memref<4x32x4096xf32, #tpu.memory_space<vmem>> -> memref<1x32x4096xf32, #tpu.memory_space<vmem>>
      %dma_start3A_57 = tpu.memref_squeeze %dma_start3A_56 : memref<1x32x4096xf32, #tpu.memory_space<vmem>> -> memref<32x4096xf32, #tpu.memory_space<vmem>>
      %dma_start3A_58 = arith.constant 0 : i32
      %dma_start3A_59 = tpu.memref_slice %arg1[%dma_start3A_58, %add3A_46] : memref<32x1000000xf32, #tpu.memory_space<hbm>> -> memref<32x4096xf32, #tpu.memory_space<hbm>>
      tpu.enqueue_dma source(%dma_start3A_59 : memref<32x4096xf32, #tpu.memory_space<hbm>>) target(%dma_start3A_57 : memref<32x4096xf32, #tpu.memory_space<vmem>>) target_semaphore(%arg4 : memref<!tpu.dma_semaphore, #tpu.memory_space<semaphore_mem>>)
      %add3A_60 = arith.constant 524288 : i32
      %add3A_61 = arith.addi %add3A_60, %multiple_of3A : i32
      %dma_start3A_62 = arith.constant 0 : i32
      %dma_start3A_63 = arith.constant 2 : i32
      %dma_start3A_64 = arith.constant 0 : i32
      %dma_start3A_65 = arith.constant 0 : i32
      %dma_start3A_66 = arith.constant 0 : i32
      %dma_start3A_67 = tpu.memref_slice %arg3[%dma_start3A_62, %dma_start3A_64, %dma_start3A_65, %dma_start3A_66] : memref<2x4x32x4096xf32, #tpu.memory_space<vmem>> -> memref<1x4x32x4096xf32, #tpu.memory_space<vmem>>
      %dma_start3A_68 = tpu.memref_squeeze %dma_start3A_67 : memref<1x4x32x4096xf32, #tpu.memory_space<vmem>> -> memref<4x32x4096xf32, #tpu.memory_space<vmem>>
      %dma_start3A_69 = arith.constant 0 : i32
      %dma_start3A_70 = arith.constant 0 : i32
      %dma_start3A_71 = tpu.memref_slice %dma_start3A_68[%dma_start3A_63, %dma_start3A_69, %dma_start3A_70] : memref<4x32x4096xf32, #tpu.memory_space<vmem>> -> memref<1x32x4096xf32, #tpu.memory_space<vmem>>
      %dma_start3A_72 = tpu.memref_squeeze %dma_start3A_71 : memref<1x32x4096xf32, #tpu.memory_space<vmem>> -> memref<32x4096xf32, #tpu.memory_space<vmem>>
      %dma_start3A_73 = arith.constant 0 : i32
      %dma_start3A_74 = tpu.memref_slice %arg1[%dma_start3A_73, %add3A_61] : memref<32x1000000xf32, #tpu.memory_space<hbm>> -> memref<32x4096xf32, #tpu.memory_space<hbm>>
      tpu.enqueue_dma source(%dma_start3A_74 : memref<32x4096xf32, #tpu.memory_space<hbm>>) target(%dma_start3A_72 : memref<32x4096xf32, #tpu.memory_space<vmem>>) target_semaphore(%arg4 : memref<!tpu.dma_semaphore, #tpu.memory_space<semaphore_mem>>)
      %mul3A_75 = arith.constant 4096 : i32
      %mul3A_76 = arith.muli %arg0, %mul3A_75 : i32
      %multiple_of3A_77 = tpu.assume_multiple %mul3A_76, 128 : i32
      %lt3A_78 = arith.constant 52 : i32
      %lt3A_79 = arith.cmpi slt, %arg0, %lt3A_78 : i32
      %convert_element_type3A_80 = arith.extui %lt3A_79 : i1 to i32
      %cond3A_81 = arith.constant 0 : i32
      %cond3A_82 = arith.constant 0 : i32
      %cond3A_83 = arith.cmpi ne, %convert_element_type3A_80, %cond3A_82 : i32
      scf.if %cond3A_83 {
        %add3A_90 = arith.constant 786432 : i32
        %add3A_91 = arith.addi %add3A_90, %multiple_of3A_77 : i32
        %dma_start3A_92 = arith.constant 3 : i32
        %dma_start3A_93 = arith.constant 0 : i32
        %dma_start3A_94 = arith.constant 0 : i32
        %dma_start3A_95 = arith.constant 0 : i32
        %dma_start3A_96 = tpu.memref_slice %arg3[%cond3A_81, %dma_start3A_93, %dma_start3A_94, %dma_start3A_95] : memref<2x4x32x4096xf32, #tpu.memory_space<vmem>> -> memref<1x4x32x4096xf32, #tpu.memory_space<vmem>>
        %dma_start3A_97 = tpu.memref_squeeze %dma_start3A_96 : memref<1x4x32x4096xf32, #tpu.memory_space<vmem>> -> memref<4x32x4096xf32, #tpu.memory_space<vmem>>
        %dma_start3A_98 = arith.constant 0 : i32
        %dma_start3A_99 = arith.constant 0 : i32
        %dma_start3A_100 = tpu.memref_slice %dma_start3A_97[%dma_start3A_92, %dma_start3A_98, %dma_start3A_99] : memref<4x32x4096xf32, #tpu.memory_space<vmem>> -> memref<1x32x4096xf32, #tpu.memory_space<vmem>>
        %dma_start3A_101 = tpu.memref_squeeze %dma_start3A_100 : memref<1x32x4096xf32, #tpu.memory_space<vmem>> -> memref<32x4096xf32, #tpu.memory_space<vmem>>
        %dma_start3A_102 = arith.constant 0 : i32
        %dma_start3A_103 = tpu.memref_slice %arg1[%dma_start3A_102, %add3A_91] : memref<32x1000000xf32, #tpu.memory_space<hbm>> -> memref<32x4096xf32, #tpu.memory_space<hbm>>
        tpu.enqueue_dma source(%dma_start3A_103 : memref<32x4096xf32, #tpu.memory_space<hbm>>) target(%dma_start3A_101 : memref<32x4096xf32, #tpu.memory_space<vmem>>) target_semaphore(%arg4 : memref<!tpu.dma_semaphore, #tpu.memory_space<semaphore_mem>>)
      } else {
      }
      %eq3A_84 = arith.constant 52 : i32
      %eq3A_85 = arith.cmpi eq, %arg0, %eq3A_84 : i32
      %convert_element_type3A_86 = arith.extui %eq3A_85 : i1 to i32
      %cond3A_87 = arith.constant 0 : i32
      %cond3A_88 = arith.constant 0 : i32
      %cond3A_89 = arith.cmpi ne, %convert_element_type3A_86, %cond3A_88 : i32
      scf.if %cond3A_89 {
        %dma_start3A_90 = arith.constant 3 : i32
        %dma_start3A_91 = arith.constant 0 : i32
        %dma_start3A_92 = arith.constant 0 : i32
        %dma_start3A_93 = arith.constant 0 : i32
        %dma_start3A_94 = tpu.memref_slice %arg3[%cond3A_87, %dma_start3A_91, %dma_start3A_92, %dma_start3A_93] : memref<2x4x32x4096xf32, #tpu.memory_space<vmem>> -> memref<1x4x32x4096xf32, #tpu.memory_space<vmem>>
        %dma_start3A_95 = tpu.memref_squeeze %dma_start3A_94 : memref<1x4x32x4096xf32, #tpu.memory_space<vmem>> -> memref<4x32x4096xf32, #tpu.memory_space<vmem>>
        %dma_start3A_96 = arith.constant 0 : i32
        %dma_start3A_97 = arith.constant 0 : i32
        %dma_start3A_98 = tpu.memref_slice %dma_start3A_95[%dma_start3A_90, %dma_start3A_96, %dma_start3A_97] : memref<4x32x4096xf32, #tpu.memory_space<vmem>> -> memref<1x32x512xf32, #tpu.memory_space<vmem>>
        %dma_start3A_99 = tpu.memref_squeeze %dma_start3A_98 : memref<1x32x512xf32, #tpu.memory_space<vmem>> -> memref<32x512xf32, #tpu.memory_space<vmem>>
        %dma_start3A_100 = arith.constant 0 : i32
        %dma_start3A_101 = arith.constant 999424 : i32
        %dma_start3A_102 = tpu.memref_slice %arg1[%dma_start3A_100, %dma_start3A_101] : memref<32x1000000xf32, #tpu.memory_space<hbm>> -> memref<32x512xf32, #tpu.memory_space<hbm>>
        tpu.enqueue_dma source(%dma_start3A_102 : memref<32x512xf32, #tpu.memory_space<hbm>>) target(%dma_start3A_99 : memref<32x512xf32, #tpu.memory_space<vmem>>) target_semaphore(%arg4 : memref<!tpu.dma_semaphore, #tpu.memory_space<semaphore_mem>>)
      } else {
      }
    } else {
    }
    %add3A = arith.constant 1 : i32
    %add3A_3 = arith.addi %arg0, %add3A : i32
    %lt3A = arith.constant 64 : i32
    %lt3A_4 = arith.cmpi slt, %add3A_3, %lt3A : i32
    %eq3A_5 = arith.constant 0 : i32
    %eq3A_6 = arith.cmpi eq, %rem3A_0, %eq3A_5 : i32
    %and3A = arith.andi %lt3A_4, %eq3A_6 : i1
    %convert_element_type3A_7 = arith.extui %and3A : i1 to i32
    %cond3A_8 = arith.constant 0 : i32
    %cond3A_9 = arith.cmpi ne, %convert_element_type3A_7, %cond3A_8 : i32
    scf.if %cond3A_9 {
      %add3A_30 = arith.constant 1 : i32
      %add3A_31 = arith.addi %arg0, %add3A_30 : i32
      %mul3A = arith.constant 4096 : i32
      %mul3A_32 = arith.muli %add3A_31, %mul3A : i32
      %multiple_of3A = tpu.assume_multiple %mul3A_32, 128 : i32
      %add3A_33 = arith.constant 0 : i32
      %add3A_34 = arith.addi %add3A_33, %multiple_of3A : i32
      %dma_start3A = arith.constant 1 : i32
      %dma_start3A_35 = arith.constant 0 : i32
      %dma_start3A_36 = arith.constant 0 : i32
      %dma_start3A_37 = arith.constant 0 : i32
      %dma_start3A_38 = arith.constant 0 : i32
      %dma_start3A_39 = tpu.memref_slice %arg3[%dma_start3A, %dma_start3A_36, %dma_start3A_37, %dma_start3A_38] : memref<2x4x32x4096xf32, #tpu.memory_space<vmem>> -> memref<1x4x32x4096xf32, #tpu.memory_space<vmem>>
      %dma_start3A_40 = tpu.memref_squeeze %dma_start3A_39 : memref<1x4x32x4096xf32, #tpu.memory_space<vmem>> -> memref<4x32x4096xf32, #tpu.memory_space<vmem>>
      %dma_start3A_41 = arith.constant 0 : i32
      %dma_start3A_42 = arith.constant 0 : i32
      %dma_start3A_43 = tpu.memref_slice %dma_start3A_40[%dma_start3A_35, %dma_start3A_41, %dma_start3A_42] : memref<4x32x4096xf32, #tpu.memory_space<vmem>> -> memref<1x32x4096xf32, #tpu.memory_space<vmem>>
      %dma_start3A_44 = tpu.memref_squeeze %dma_start3A_43 : memref<1x32x4096xf32, #tpu.memory_space<vmem>> -> memref<32x4096xf32, #tpu.memory_space<vmem>>
      %dma_start3A_45 = arith.constant 0 : i32
      %dma_start3A_46 = tpu.memref_slice %arg1[%dma_start3A_45, %add3A_34] : memref<32x1000000xf32, #tpu.memory_space<hbm>> -> memref<32x4096xf32, #tpu.memory_space<hbm>>
      tpu.enqueue_dma source(%dma_start3A_46 : memref<32x4096xf32, #tpu.memory_space<hbm>>) target(%dma_start3A_44 : memref<32x4096xf32, #tpu.memory_space<vmem>>) target_semaphore(%arg5 : memref<!tpu.dma_semaphore, #tpu.memory_space<semaphore_mem>>)
      %add3A_47 = arith.constant 262144 : i32
      %add3A_48 = arith.addi %add3A_47, %multiple_of3A : i32
      %dma_start3A_49 = arith.constant 1 : i32
      %dma_start3A_50 = arith.constant 1 : i32
      %dma_start3A_51 = arith.constant 0 : i32
      %dma_start3A_52 = arith.constant 0 : i32
      %dma_start3A_53 = arith.constant 0 : i32
      %dma_start3A_54 = tpu.memref_slice %arg3[%dma_start3A_49, %dma_start3A_51, %dma_start3A_52, %dma_start3A_53] : memref<2x4x32x4096xf32, #tpu.memory_space<vmem>> -> memref<1x4x32x4096xf32, #tpu.memory_space<vmem>>
      %dma_start3A_55 = tpu.memref_squeeze %dma_start3A_54 : memref<1x4x32x4096xf32, #tpu.memory_space<vmem>> -> memref<4x32x4096xf32, #tpu.memory_space<vmem>>
      %dma_start3A_56 = arith.constant 0 : i32
      %dma_start3A_57 = arith.constant 0 : i32
      %dma_start3A_58 = tpu.memref_slice %dma_start3A_55[%dma_start3A_50, %dma_start3A_56, %dma_start3A_57] : memref<4x32x4096xf32, #tpu.memory_space<vmem>> -> memref<1x32x4096xf32, #tpu.memory_space<vmem>>
      %dma_start3A_59 = tpu.memref_squeeze %dma_start3A_58 : memref<1x32x4096xf32, #tpu.memory_space<vmem>> -> memref<32x4096xf32, #tpu.memory_space<vmem>>
      %dma_start3A_60 = arith.constant 0 : i32
      %dma_start3A_61 = tpu.memref_slice %arg1[%dma_start3A_60, %add3A_48] : memref<32x1000000xf32, #tpu.memory_space<hbm>> -> memref<32x4096xf32, #tpu.memory_space<hbm>>
      tpu.enqueue_dma source(%dma_start3A_61 : memref<32x4096xf32, #tpu.memory_space<hbm>>) target(%dma_start3A_59 : memref<32x4096xf32, #tpu.memory_space<vmem>>) target_semaphore(%arg5 : memref<!tpu.dma_semaphore, #tpu.memory_space<semaphore_mem>>)
      %add3A_62 = arith.constant 524288 : i32
      %add3A_63 = arith.addi %add3A_62, %multiple_of3A : i32
      %dma_start3A_64 = arith.constant 1 : i32
      %dma_start3A_65 = arith.constant 2 : i32
      %dma_start3A_66 = arith.constant 0 : i32
      %dma_start3A_67 = arith.constant 0 : i32
      %dma_start3A_68 = arith.constant 0 : i32
      %dma_start3A_69 = tpu.memref_slice %arg3[%dma_start3A_64, %dma_start3A_66, %dma_start3A_67, %dma_start3A_68] : memref<2x4x32x4096xf32, #tpu.memory_space<vmem>> -> memref<1x4x32x4096xf32, #tpu.memory_space<vmem>>
      %dma_start3A_70 = tpu.memref_squeeze %dma_start3A_69 : memref<1x4x32x4096xf32, #tpu.memory_space<vmem>> -> memref<4x32x4096xf32, #tpu.memory_space<vmem>>
      %dma_start3A_71 = arith.constant 0 : i32
      %dma_start3A_72 = arith.constant 0 : i32
      %dma_start3A_73 = tpu.memref_slice %dma_start3A_70[%dma_start3A_65, %dma_start3A_71, %dma_start3A_72] : memref<4x32x4096xf32, #tpu.memory_space<vmem>> -> memref<1x32x4096xf32, #tpu.memory_space<vmem>>
      %dma_start3A_74 = tpu.memref_squeeze %dma_start3A_73 : memref<1x32x4096xf32, #tpu.memory_space<vmem>> -> memref<32x4096xf32, #tpu.memory_space<vmem>>
      %dma_start3A_75 = arith.constant 0 : i32
      %dma_start3A_76 = tpu.memref_slice %arg1[%dma_start3A_75, %add3A_63] : memref<32x1000000xf32, #tpu.memory_space<hbm>> -> memref<32x4096xf32, #tpu.memory_space<hbm>>
      tpu.enqueue_dma source(%dma_start3A_76 : memref<32x4096xf32, #tpu.memory_space<hbm>>) target(%dma_start3A_74 : memref<32x4096xf32, #tpu.memory_space<vmem>>) target_semaphore(%arg5 : memref<!tpu.dma_semaphore, #tpu.memory_space<semaphore_mem>>)
      %mul3A_77 = arith.constant 4096 : i32
      %mul3A_78 = arith.muli %add3A_31, %mul3A_77 : i32
      %multiple_of3A_79 = tpu.assume_multiple %mul3A_78, 128 : i32
      %lt3A_80 = arith.constant 52 : i32
      %lt3A_81 = arith.cmpi slt, %add3A_31, %lt3A_80 : i32
      %convert_element_type3A_82 = arith.extui %lt3A_81 : i1 to i32
      %cond3A_83 = arith.constant 1 : i32
      %cond3A_84 = arith.constant 0 : i32
      %cond3A_85 = arith.cmpi ne, %convert_element_type3A_82, %cond3A_84 : i32
      scf.if %cond3A_85 {
        %add3A_92 = arith.constant 786432 : i32
        %add3A_93 = arith.addi %add3A_92, %multiple_of3A_79 : i32
        %dma_start3A_94 = arith.constant 3 : i32
        %dma_start3A_95 = arith.constant 0 : i32
        %dma_start3A_96 = arith.constant 0 : i32
        %dma_start3A_97 = arith.constant 0 : i32
        %dma_start3A_98 = tpu.memref_slice %arg3[%cond3A_83, %dma_start3A_95, %dma_start3A_96, %dma_start3A_97] : memref<2x4x32x4096xf32, #tpu.memory_space<vmem>> -> memref<1x4x32x4096xf32, #tpu.memory_space<vmem>>
        %dma_start3A_99 = tpu.memref_squeeze %dma_start3A_98 : memref<1x4x32x4096xf32, #tpu.memory_space<vmem>> -> memref<4x32x4096xf32, #tpu.memory_space<vmem>>
        %dma_start3A_100 = arith.constant 0 : i32
        %dma_start3A_101 = arith.constant 0 : i32
        %dma_start3A_102 = tpu.memref_slice %dma_start3A_99[%dma_start3A_94, %dma_start3A_100, %dma_start3A_101] : memref<4x32x4096xf32, #tpu.memory_space<vmem>> -> memref<1x32x4096xf32, #tpu.memory_space<vmem>>
        %dma_start3A_103 = tpu.memref_squeeze %dma_start3A_102 : memref<1x32x4096xf32, #tpu.memory_space<vmem>> -> memref<32x4096xf32, #tpu.memory_space<vmem>>
        %dma_start3A_104 = arith.constant 0 : i32
        %dma_start3A_105 = tpu.memref_slice %arg1[%dma_start3A_104, %add3A_93] : memref<32x1000000xf32, #tpu.memory_space<hbm>> -> memref<32x4096xf32, #tpu.memory_space<hbm>>
        tpu.enqueue_dma source(%dma_start3A_105 : memref<32x4096xf32, #tpu.memory_space<hbm>>) target(%dma_start3A_103 : memref<32x4096xf32, #tpu.memory_space<vmem>>) target_semaphore(%arg5 : memref<!tpu.dma_semaphore, #tpu.memory_space<semaphore_mem>>)
      } else {
      }
      %eq3A_86 = arith.constant 52 : i32
      %eq3A_87 = arith.cmpi eq, %add3A_31, %eq3A_86 : i32
      %convert_element_type3A_88 = arith.extui %eq3A_87 : i1 to i32
      %cond3A_89 = arith.constant 1 : i32
      %cond3A_90 = arith.constant 0 : i32
      %cond3A_91 = arith.cmpi ne, %convert_element_type3A_88, %cond3A_90 : i32
      scf.if %cond3A_91 {
        %dma_start3A_92 = arith.constant 3 : i32
        %dma_start3A_93 = arith.constant 0 : i32
        %dma_start3A_94 = arith.constant 0 : i32
        %dma_start3A_95 = arith.constant 0 : i32
        %dma_start3A_96 = tpu.memref_slice %arg3[%cond3A_89, %dma_start3A_93, %dma_start3A_94, %dma_start3A_95] : memref<2x4x32x4096xf32, #tpu.memory_space<vmem>> -> memref<1x4x32x4096xf32, #tpu.memory_space<vmem>>
        %dma_start3A_97 = tpu.memref_squeeze %dma_start3A_96 : memref<1x4x32x4096xf32, #tpu.memory_space<vmem>> -> memref<4x32x4096xf32, #tpu.memory_space<vmem>>
        %dma_start3A_98 = arith.constant 0 : i32
        %dma_start3A_99 = arith.constant 0 : i32
        %dma_start3A_100 = tpu.memref_slice %dma_start3A_97[%dma_start3A_92, %dma_start3A_98, %dma_start3A_99] : memref<4x32x4096xf32, #tpu.memory_space<vmem>> -> memref<1x32x512xf32, #tpu.memory_space<vmem>>
        %dma_start3A_101 = tpu.memref_squeeze %dma_start3A_100 : memref<1x32x512xf32, #tpu.memory_space<vmem>> -> memref<32x512xf32, #tpu.memory_space<vmem>>
        %dma_start3A_102 = arith.constant 0 : i32
        %dma_start3A_103 = arith.constant 999424 : i32
        %dma_start3A_104 = tpu.memref_slice %arg1[%dma_start3A_102, %dma_start3A_103] : memref<32x1000000xf32, #tpu.memory_space<hbm>> -> memref<32x512xf32, #tpu.memory_space<hbm>>
        tpu.enqueue_dma source(%dma_start3A_104 : memref<32x512xf32, #tpu.memory_space<hbm>>) target(%dma_start3A_101 : memref<32x512xf32, #tpu.memory_space<vmem>>) target_semaphore(%arg5 : memref<!tpu.dma_semaphore, #tpu.memory_space<semaphore_mem>>)
      } else {
      }
    } else {
    }
    %add3A_10 = arith.constant 1 : i32
    %add3A_11 = arith.addi %arg0, %add3A_10 : i32
    %lt3A_12 = arith.constant 64 : i32
    %lt3A_13 = arith.cmpi slt, %add3A_11, %lt3A_12 : i32
    %eq3A_14 = arith.constant 1 : i32
    %eq3A_15 = arith.cmpi eq, %rem3A_0, %eq3A_14 : i32
    %and3A_16 = arith.andi %lt3A_13, %eq3A_15 : i1
    %convert_element_type3A_17 = arith.extui %and3A_16 : i1 to i32
    %cond3A_18 = arith.constant 0 : i32
    %cond3A_19 = arith.cmpi ne, %convert_element_type3A_17, %cond3A_18 : i32
    scf.if %cond3A_19 {
      %add3A_30 = arith.constant 1 : i32
      %add3A_31 = arith.addi %arg0, %add3A_30 : i32
      %mul3A = arith.constant 4096 : i32
      %mul3A_32 = arith.muli %add3A_31, %mul3A : i32
      %multiple_of3A = tpu.assume_multiple %mul3A_32, 128 : i32
      %add3A_33 = arith.constant 0 : i32
      %add3A_34 = arith.addi %add3A_33, %multiple_of3A : i32
      %dma_start3A = arith.constant 0 : i32
      %dma_start3A_35 = arith.constant 0 : i32
      %dma_start3A_36 = arith.constant 0 : i32
      %dma_start3A_37 = arith.constant 0 : i32
      %dma_start3A_38 = arith.constant 0 : i32
      %dma_start3A_39 = tpu.memref_slice %arg3[%dma_start3A, %dma_start3A_36, %dma_start3A_37, %dma_start3A_38] : memref<2x4x32x4096xf32, #tpu.memory_space<vmem>> -> memref<1x4x32x4096xf32, #tpu.memory_space<vmem>>
      %dma_start3A_40 = tpu.memref_squeeze %dma_start3A_39 : memref<1x4x32x4096xf32, #tpu.memory_space<vmem>> -> memref<4x32x4096xf32, #tpu.memory_space<vmem>>
      %dma_start3A_41 = arith.constant 0 : i32
      %dma_start3A_42 = arith.constant 0 : i32
      %dma_start3A_43 = tpu.memref_slice %dma_start3A_40[%dma_start3A_35, %dma_start3A_41, %dma_start3A_42] : memref<4x32x4096xf32, #tpu.memory_space<vmem>> -> memref<1x32x4096xf32, #tpu.memory_space<vmem>>
      %dma_start3A_44 = tpu.memref_squeeze %dma_start3A_43 : memref<1x32x4096xf32, #tpu.memory_space<vmem>> -> memref<32x4096xf32, #tpu.memory_space<vmem>>
      %dma_start3A_45 = arith.constant 0 : i32
      %dma_start3A_46 = tpu.memref_slice %arg1[%dma_start3A_45, %add3A_34] : memref<32x1000000xf32, #tpu.memory_space<hbm>> -> memref<32x4096xf32, #tpu.memory_space<hbm>>
      tpu.enqueue_dma source(%dma_start3A_46 : memref<32x4096xf32, #tpu.memory_space<hbm>>) target(%dma_start3A_44 : memref<32x4096xf32, #tpu.memory_space<vmem>>) target_semaphore(%arg4 : memref<!tpu.dma_semaphore, #tpu.memory_space<semaphore_mem>>)
      %add3A_47 = arith.constant 262144 : i32
      %add3A_48 = arith.addi %add3A_47, %multiple_of3A : i32
      %dma_start3A_49 = arith.constant 0 : i32
      %dma_start3A_50 = arith.constant 1 : i32
      %dma_start3A_51 = arith.constant 0 : i32
      %dma_start3A_52 = arith.constant 0 : i32
      %dma_start3A_53 = arith.constant 0 : i32
      %dma_start3A_54 = tpu.memref_slice %arg3[%dma_start3A_49, %dma_start3A_51, %dma_start3A_52, %dma_start3A_53] : memref<2x4x32x4096xf32, #tpu.memory_space<vmem>> -> memref<1x4x32x4096xf32, #tpu.memory_space<vmem>>
      %dma_start3A_55 = tpu.memref_squeeze %dma_start3A_54 : memref<1x4x32x4096xf32, #tpu.memory_space<vmem>> -> memref<4x32x4096xf32, #tpu.memory_space<vmem>>
      %dma_start3A_56 = arith.constant 0 : i32
      %dma_start3A_57 = arith.constant 0 : i32
      %dma_start3A_58 = tpu.memref_slice %dma_start3A_55[%dma_start3A_50, %dma_start3A_56, %dma_start3A_57] : memref<4x32x4096xf32, #tpu.memory_space<vmem>> -> memref<1x32x4096xf32, #tpu.memory_space<vmem>>
      %dma_start3A_59 = tpu.memref_squeeze %dma_start3A_58 : memref<1x32x4096xf32, #tpu.memory_space<vmem>> -> memref<32x4096xf32, #tpu.memory_space<vmem>>
      %dma_start3A_60 = arith.constant 0 : i32
      %dma_start3A_61 = tpu.memref_slice %arg1[%dma_start3A_60, %add3A_48] : memref<32x1000000xf32, #tpu.memory_space<hbm>> -> memref<32x4096xf32, #tpu.memory_space<hbm>>
      tpu.enqueue_dma source(%dma_start3A_61 : memref<32x4096xf32, #tpu.memory_space<hbm>>) target(%dma_start3A_59 : memref<32x4096xf32, #tpu.memory_space<vmem>>) target_semaphore(%arg4 : memref<!tpu.dma_semaphore, #tpu.memory_space<semaphore_mem>>)
      %add3A_62 = arith.constant 524288 : i32
      %add3A_63 = arith.addi %add3A_62, %multiple_of3A : i32
      %dma_start3A_64 = arith.constant 0 : i32
      %dma_start3A_65 = arith.constant 2 : i32
      %dma_start3A_66 = arith.constant 0 : i32
      %dma_start3A_67 = arith.constant 0 : i32
      %dma_start3A_68 = arith.constant 0 : i32
      %dma_start3A_69 = tpu.memref_slice %arg3[%dma_start3A_64, %dma_start3A_66, %dma_start3A_67, %dma_start3A_68] : memref<2x4x32x4096xf32, #tpu.memory_space<vmem>> -> memref<1x4x32x4096xf32, #tpu.memory_space<vmem>>
      %dma_start3A_70 = tpu.memref_squeeze %dma_start3A_69 : memref<1x4x32x4096xf32, #tpu.memory_space<vmem>> -> memref<4x32x4096xf32, #tpu.memory_space<vmem>>
      %dma_start3A_71 = arith.constant 0 : i32
      %dma_start3A_72 = arith.constant 0 : i32
      %dma_start3A_73 = tpu.memref_slice %dma_start3A_70[%dma_start3A_65, %dma_start3A_71, %dma_start3A_72] : memref<4x32x4096xf32, #tpu.memory_space<vmem>> -> memref<1x32x4096xf32, #tpu.memory_space<vmem>>
      %dma_start3A_74 = tpu.memref_squeeze %dma_start3A_73 : memref<1x32x4096xf32, #tpu.memory_space<vmem>> -> memref<32x4096xf32, #tpu.memory_space<vmem>>
      %dma_start3A_75 = arith.constant 0 : i32
      %dma_start3A_76 = tpu.memref_slice %arg1[%dma_start3A_75, %add3A_63] : memref<32x1000000xf32, #tpu.memory_space<hbm>> -> memref<32x4096xf32, #tpu.memory_space<hbm>>
      tpu.enqueue_dma source(%dma_start3A_76 : memref<32x4096xf32, #tpu.memory_space<hbm>>) target(%dma_start3A_74 : memref<32x4096xf32, #tpu.memory_space<vmem>>) target_semaphore(%arg4 : memref<!tpu.dma_semaphore, #tpu.memory_space<semaphore_mem>>)
      %mul3A_77 = arith.constant 4096 : i32
      %mul3A_78 = arith.muli %add3A_31, %mul3A_77 : i32
      %multiple_of3A_79 = tpu.assume_multiple %mul3A_78, 128 : i32
      %lt3A_80 = arith.constant 52 : i32
      %lt3A_81 = arith.cmpi slt, %add3A_31, %lt3A_80 : i32
      %convert_element_type3A_82 = arith.extui %lt3A_81 : i1 to i32
      %cond3A_83 = arith.constant 0 : i32
      %cond3A_84 = arith.constant 0 : i32
      %cond3A_85 = arith.cmpi ne, %convert_element_type3A_82, %cond3A_84 : i32
      scf.if %cond3A_85 {
        %add3A_92 = arith.constant 786432 : i32
        %add3A_93 = arith.addi %add3A_92, %multiple_of3A_79 : i32
        %dma_start3A_94 = arith.constant 3 : i32
        %dma_start3A_95 = arith.constant 0 : i32
        %dma_start3A_96 = arith.constant 0 : i32
        %dma_start3A_97 = arith.constant 0 : i32
        %dma_start3A_98 = tpu.memref_slice %arg3[%cond3A_83, %dma_start3A_95, %dma_start3A_96, %dma_start3A_97] : memref<2x4x32x4096xf32, #tpu.memory_space<vmem>> -> memref<1x4x32x4096xf32, #tpu.memory_space<vmem>>
        %dma_start3A_99 = tpu.memref_squeeze %dma_start3A_98 : memref<1x4x32x4096xf32, #tpu.memory_space<vmem>> -> memref<4x32x4096xf32, #tpu.memory_space<vmem>>
        %dma_start3A_100 = arith.constant 0 : i32
        %dma_start3A_101 = arith.constant 0 : i32
        %dma_start3A_102 = tpu.memref_slice %dma_start3A_99[%dma_start3A_94, %dma_start3A_100, %dma_start3A_101] : memref<4x32x4096xf32, #tpu.memory_space<vmem>> -> memref<1x32x4096xf32, #tpu.memory_space<vmem>>
        %dma_start3A_103 = tpu.memref_squeeze %dma_start3A_102 : memref<1x32x4096xf32, #tpu.memory_space<vmem>> -> memref<32x4096xf32, #tpu.memory_space<vmem>>
        %dma_start3A_104 = arith.constant 0 : i32
        %dma_start3A_105 = tpu.memref_slice %arg1[%dma_start3A_104, %add3A_93] : memref<32x1000000xf32, #tpu.memory_space<hbm>> -> memref<32x4096xf32, #tpu.memory_space<hbm>>
        tpu.enqueue_dma source(%dma_start3A_105 : memref<32x4096xf32, #tpu.memory_space<hbm>>) target(%dma_start3A_103 : memref<32x4096xf32, #tpu.memory_space<vmem>>) target_semaphore(%arg4 : memref<!tpu.dma_semaphore, #tpu.memory_space<semaphore_mem>>)
      } else {
      }
      %eq3A_86 = arith.constant 52 : i32
      %eq3A_87 = arith.cmpi eq, %add3A_31, %eq3A_86 : i32
      %convert_element_type3A_88 = arith.extui %eq3A_87 : i1 to i32
      %cond3A_89 = arith.constant 0 : i32
      %cond3A_90 = arith.constant 0 : i32
      %cond3A_91 = arith.cmpi ne, %convert_element_type3A_88, %cond3A_90 : i32
      scf.if %cond3A_91 {
        %dma_start3A_92 = arith.constant 3 : i32
        %dma_start3A_93 = arith.constant 0 : i32
        %dma_start3A_94 = arith.constant 0 : i32
        %dma_start3A_95 = arith.constant 0 : i32
        %dma_start3A_96 = tpu.memref_slice %arg3[%cond3A_89, %dma_start3A_93, %dma_start3A_94, %dma_start3A_95] : memref<2x4x32x4096xf32, #tpu.memory_space<vmem>> -> memref<1x4x32x4096xf32, #tpu.memory_space<vmem>>
        %dma_start3A_97 = tpu.memref_squeeze %dma_start3A_96 : memref<1x4x32x4096xf32, #tpu.memory_space<vmem>> -> memref<4x32x4096xf32, #tpu.memory_space<vmem>>
        %dma_start3A_98 = arith.constant 0 : i32
        %dma_start3A_99 = arith.constant 0 : i32
        %dma_start3A_100 = tpu.memref_slice %dma_start3A_97[%dma_start3A_92, %dma_start3A_98, %dma_start3A_99] : memref<4x32x4096xf32, #tpu.memory_space<vmem>> -> memref<1x32x512xf32, #tpu.memory_space<vmem>>
        %dma_start3A_101 = tpu.memref_squeeze %dma_start3A_100 : memref<1x32x512xf32, #tpu.memory_space<vmem>> -> memref<32x512xf32, #tpu.memory_space<vmem>>
        %dma_start3A_102 = arith.constant 0 : i32
        %dma_start3A_103 = arith.constant 999424 : i32
        %dma_start3A_104 = tpu.memref_slice %arg1[%dma_start3A_102, %dma_start3A_103] : memref<32x1000000xf32, #tpu.memory_space<hbm>> -> memref<32x512xf32, #tpu.memory_space<hbm>>
        tpu.enqueue_dma source(%dma_start3A_104 : memref<32x512xf32, #tpu.memory_space<hbm>>) target(%dma_start3A_101 : memref<32x512xf32, #tpu.memory_space<vmem>>) target_semaphore(%arg4 : memref<!tpu.dma_semaphore, #tpu.memory_space<semaphore_mem>>)
      } else {
      }
    } else {
    }
    %eq3A_20 = arith.constant 0 : i32
    %eq3A_21 = arith.cmpi eq, %rem3A_0, %eq3A_20 : i32
    %convert_element_type3A_22 = arith.extui %eq3A_21 : i1 to i32
    %cond3A_23 = arith.constant 0 : i32
    %cond3A_24 = arith.cmpi ne, %convert_element_type3A_22, %cond3A_23 : i32
    scf.if %cond3A_24 {
      %dma_wait3A = arith.constant 0 : i32
      %dma_wait3A_30 = arith.constant 0 : i32
      %dma_wait3A_31 = arith.constant 0 : i32
      %dma_wait3A_32 = arith.constant 0 : i32
      %dma_wait3A_33 = arith.constant 0 : i32
      %dma_wait3A_34 = tpu.memref_slice %arg3[%dma_wait3A, %dma_wait3A_31, %dma_wait3A_32, %dma_wait3A_33] : memref<2x4x32x4096xf32, #tpu.memory_space<vmem>> -> memref<1x4x32x4096xf32, #tpu.memory_space<vmem>>
      %dma_wait3A_35 = tpu.memref_squeeze %dma_wait3A_34 : memref<1x4x32x4096xf32, #tpu.memory_space<vmem>> -> memref<4x32x4096xf32, #tpu.memory_space<vmem>>
      %dma_wait3A_36 = arith.constant 0 : i32
      %dma_wait3A_37 = arith.constant 0 : i32
      %dma_wait3A_38 = tpu.memref_slice %dma_wait3A_35[%dma_wait3A_30, %dma_wait3A_36, %dma_wait3A_37] : memref<4x32x4096xf32, #tpu.memory_space<vmem>> -> memref<1x32x4096xf32, #tpu.memory_space<vmem>>
      %dma_wait3A_39 = tpu.memref_squeeze %dma_wait3A_38 : memref<1x32x4096xf32, #tpu.memory_space<vmem>> -> memref<32x4096xf32, #tpu.memory_space<vmem>>
      %dma_wait3A_40 = arith.constant 0 : i32
      %dma_wait3A_41 = arith.constant 0 : i32
      %dma_wait3A_42 = tpu.memref_slice %arg1[%dma_wait3A_40, %dma_wait3A_41] : memref<32x1000000xf32, #tpu.memory_space<hbm>> -> memref<32x4096xf32, #tpu.memory_space<hbm>>
      tpu.wait_dma2 semaphore(%arg4 : memref<!tpu.dma_semaphore, #tpu.memory_space<semaphore_mem>>) src(%dma_wait3A_42 : memref<32x4096xf32, #tpu.memory_space<hbm>>) dst(%dma_wait3A_39 : memref<32x4096xf32, #tpu.memory_space<vmem>>)
      %dma_wait3A_43 = arith.constant 0 : i32
      %dma_wait3A_44 = arith.constant 1 : i32
      %dma_wait3A_45 = arith.constant 0 : i32
      %dma_wait3A_46 = arith.constant 0 : i32
      %dma_wait3A_47 = arith.constant 0 : i32
      %dma_wait3A_48 = tpu.memref_slice %arg3[%dma_wait3A_43, %dma_wait3A_45, %dma_wait3A_46, %dma_wait3A_47] : memref<2x4x32x4096xf32, #tpu.memory_space<vmem>> -> memref<1x4x32x4096xf32, #tpu.memory_space<vmem>>
      %dma_wait3A_49 = tpu.memref_squeeze %dma_wait3A_48 : memref<1x4x32x4096xf32, #tpu.memory_space<vmem>> -> memref<4x32x4096xf32, #tpu.memory_space<vmem>>
      %dma_wait3A_50 = arith.constant 0 : i32
      %dma_wait3A_51 = arith.constant 0 : i32
      %dma_wait3A_52 = tpu.memref_slice %dma_wait3A_49[%dma_wait3A_44, %dma_wait3A_50, %dma_wait3A_51] : memref<4x32x4096xf32, #tpu.memory_space<vmem>> -> memref<1x32x4096xf32, #tpu.memory_space<vmem>>
      %dma_wait3A_53 = tpu.memref_squeeze %dma_wait3A_52 : memref<1x32x4096xf32, #tpu.memory_space<vmem>> -> memref<32x4096xf32, #tpu.memory_space<vmem>>
      %dma_wait3A_54 = arith.constant 0 : i32
      %dma_wait3A_55 = arith.constant 262144 : i32
      %dma_wait3A_56 = tpu.memref_slice %arg1[%dma_wait3A_54, %dma_wait3A_55] : memref<32x1000000xf32, #tpu.memory_space<hbm>> -> memref<32x4096xf32, #tpu.memory_space<hbm>>
      tpu.wait_dma2 semaphore(%arg4 : memref<!tpu.dma_semaphore, #tpu.memory_space<semaphore_mem>>) src(%dma_wait3A_56 : memref<32x4096xf32, #tpu.memory_space<hbm>>) dst(%dma_wait3A_53 : memref<32x4096xf32, #tpu.memory_space<vmem>>)
      %dma_wait3A_57 = arith.constant 0 : i32
      %dma_wait3A_58 = arith.constant 2 : i32
      %dma_wait3A_59 = arith.constant 0 : i32
      %dma_wait3A_60 = arith.constant 0 : i32
      %dma_wait3A_61 = arith.constant 0 : i32
      %dma_wait3A_62 = tpu.memref_slice %arg3[%dma_wait3A_57, %dma_wait3A_59, %dma_wait3A_60, %dma_wait3A_61] : memref<2x4x32x4096xf32, #tpu.memory_space<vmem>> -> memref<1x4x32x4096xf32, #tpu.memory_space<vmem>>
      %dma_wait3A_63 = tpu.memref_squeeze %dma_wait3A_62 : memref<1x4x32x4096xf32, #tpu.memory_space<vmem>> -> memref<4x32x4096xf32, #tpu.memory_space<vmem>>
      %dma_wait3A_64 = arith.constant 0 : i32
      %dma_wait3A_65 = arith.constant 0 : i32
      %dma_wait3A_66 = tpu.memref_slice %dma_wait3A_63[%dma_wait3A_58, %dma_wait3A_64, %dma_wait3A_65] : memref<4x32x4096xf32, #tpu.memory_space<vmem>> -> memref<1x32x4096xf32, #tpu.memory_space<vmem>>
      %dma_wait3A_67 = tpu.memref_squeeze %dma_wait3A_66 : memref<1x32x4096xf32, #tpu.memory_space<vmem>> -> memref<32x4096xf32, #tpu.memory_space<vmem>>
      %dma_wait3A_68 = arith.constant 0 : i32
      %dma_wait3A_69 = arith.constant 524288 : i32
      %dma_wait3A_70 = tpu.memref_slice %arg1[%dma_wait3A_68, %dma_wait3A_69] : memref<32x1000000xf32, #tpu.memory_space<hbm>> -> memref<32x4096xf32, #tpu.memory_space<hbm>>
      tpu.wait_dma2 semaphore(%arg4 : memref<!tpu.dma_semaphore, #tpu.memory_space<semaphore_mem>>) src(%dma_wait3A_70 : memref<32x4096xf32, #tpu.memory_space<hbm>>) dst(%dma_wait3A_67 : memref<32x4096xf32, #tpu.memory_space<vmem>>)
      %lt3A_71 = arith.constant 52 : i32
      %lt3A_72 = arith.cmpi slt, %arg0, %lt3A_71 : i32
      %convert_element_type3A_73 = arith.extui %lt3A_72 : i1 to i32
      %cond3A_74 = arith.constant 0 : i32
      %cond3A_75 = arith.constant 0 : i32
      %cond3A_76 = arith.cmpi ne, %convert_element_type3A_73, %cond3A_75 : i32
      scf.if %cond3A_76 {
        %dma_wait3A_120 = arith.constant 3 : i32
        %dma_wait3A_121 = arith.constant 0 : i32
        %dma_wait3A_122 = arith.constant 0 : i32
        %dma_wait3A_123 = arith.constant 0 : i32
        %dma_wait3A_124 = tpu.memref_slice %arg3[%cond3A_74, %dma_wait3A_121, %dma_wait3A_122, %dma_wait3A_123] : memref<2x4x32x4096xf32, #tpu.memory_space<vmem>> -> memref<1x4x32x4096xf32, #tpu.memory_space<vmem>>
        %dma_wait3A_125 = tpu.memref_squeeze %dma_wait3A_124 : memref<1x4x32x4096xf32, #tpu.memory_space<vmem>> -> memref<4x32x4096xf32, #tpu.memory_space<vmem>>
        %dma_wait3A_126 = arith.constant 0 : i32
        %dma_wait3A_127 = arith.constant 0 : i32
        %dma_wait3A_128 = tpu.memref_slice %dma_wait3A_125[%dma_wait3A_120, %dma_wait3A_126, %dma_wait3A_127] : memref<4x32x4096xf32, #tpu.memory_space<vmem>> -> memref<1x32x4096xf32, #tpu.memory_space<vmem>>
        %dma_wait3A_129 = tpu.memref_squeeze %dma_wait3A_128 : memref<1x32x4096xf32, #tpu.memory_space<vmem>> -> memref<32x4096xf32, #tpu.memory_space<vmem>>
        %dma_wait3A_130 = arith.constant 0 : i32
        %dma_wait3A_131 = arith.constant 786432 : i32
        %dma_wait3A_132 = tpu.memref_slice %arg1[%dma_wait3A_130, %dma_wait3A_131] : memref<32x1000000xf32, #tpu.memory_space<hbm>> -> memref<32x4096xf32, #tpu.memory_space<hbm>>
        tpu.wait_dma2 semaphore(%arg4 : memref<!tpu.dma_semaphore, #tpu.memory_space<semaphore_mem>>) src(%dma_wait3A_132 : memref<32x4096xf32, #tpu.memory_space<hbm>>) dst(%dma_wait3A_129 : memref<32x4096xf32, #tpu.memory_space<vmem>>)
      } else {
      }
      %eq3A_77 = arith.constant 52 : i32
      %eq3A_78 = arith.cmpi eq, %arg0, %eq3A_77 : i32
      %convert_element_type3A_79 = arith.extui %eq3A_78 : i1 to i32
      %cond3A_80 = arith.constant 0 : i32
      %cond3A_81 = arith.constant 0 : i32
      %cond3A_82 = arith.cmpi ne, %convert_element_type3A_79, %cond3A_81 : i32
      scf.if %cond3A_82 {
        %dma_wait3A_120 = arith.constant 3 : i32
        %dma_wait3A_121 = arith.constant 0 : i32
        %dma_wait3A_122 = arith.constant 0 : i32
        %dma_wait3A_123 = arith.constant 0 : i32
        %dma_wait3A_124 = tpu.memref_slice %arg3[%cond3A_80, %dma_wait3A_121, %dma_wait3A_122, %dma_wait3A_123] : memref<2x4x32x4096xf32, #tpu.memory_space<vmem>> -> memref<1x4x32x4096xf32, #tpu.memory_space<vmem>>
        %dma_wait3A_125 = tpu.memref_squeeze %dma_wait3A_124 : memref<1x4x32x4096xf32, #tpu.memory_space<vmem>> -> memref<4x32x4096xf32, #tpu.memory_space<vmem>>
        %dma_wait3A_126 = arith.constant 0 : i32
        %dma_wait3A_127 = arith.constant 0 : i32
        %dma_wait3A_128 = tpu.memref_slice %dma_wait3A_125[%dma_wait3A_120, %dma_wait3A_126, %dma_wait3A_127] : memref<4x32x4096xf32, #tpu.memory_space<vmem>> -> memref<1x32x512xf32, #tpu.memory_space<vmem>>
        %dma_wait3A_129 = tpu.memref_squeeze %dma_wait3A_128 : memref<1x32x512xf32, #tpu.memory_space<vmem>> -> memref<32x512xf32, #tpu.memory_space<vmem>>
        %dma_wait3A_130 = arith.constant 0 : i32
        %dma_wait3A_131 = arith.constant 786432 : i32
        %dma_wait3A_132 = tpu.memref_slice %arg1[%dma_wait3A_130, %dma_wait3A_131] : memref<32x1000000xf32, #tpu.memory_space<hbm>> -> memref<32x512xf32, #tpu.memory_space<hbm>>
        tpu.wait_dma2 semaphore(%arg4 : memref<!tpu.dma_semaphore, #tpu.memory_space<semaphore_mem>>) src(%dma_wait3A_132 : memref<32x512xf32, #tpu.memory_space<hbm>>) dst(%dma_wait3A_129 : memref<32x512xf32, #tpu.memory_space<vmem>>)
      } else {
      }
      %get3A = arith.constant 0 : index
      %get3A_83 = arith.constant 0 : index
      %get3A_84 = arith.constant 0 : index
      %get3A_85 = arith.constant 0 : index
      %get3A_86 = vector.load %arg3[%get3A, %get3A_83, %get3A_84, %get3A_85] : memref<2x4x32x4096xf32, #tpu.memory_space<vmem>>, vector<1x1x32x4096xf32>
      %get3A_87 = vector.shape_cast %get3A_86 : vector<1x1x32x4096xf32> to vector<32x4096xf32>
      %transpose3A = tpu.transpose %get3A_87, [1, 0] : vector<32x4096xf32> -> vector<4096x32xf32>
      %swap3A = arith.constant 0 : index
      %swap3A_88 = arith.constant 0 : index
      %swap3A_89 = vector.load %arg2[%swap3A, %swap3A_88] : memref<4096x128xf32, #tpu.memory_space<vmem>>, vector<4096x32xf32>
      tpu.vector_store %arg2[%swap3A, %swap3A_88], %transpose3A {strides = array<i32>} : memref<4096x128xf32, #tpu.memory_space<vmem>>, vector<4096x32xf32>,
      %get3A_90 = arith.constant 0 : index
      %get3A_91 = arith.constant 1 : index
      %get3A_92 = arith.constant 0 : index
      %get3A_93 = arith.constant 0 : index
      %get3A_94 = vector.load %arg3[%get3A_90, %get3A_91, %get3A_92, %get3A_93] : memref<2x4x32x4096xf32, #tpu.memory_space<vmem>>, vector<1x1x32x4096xf32>
      %get3A_95 = vector.shape_cast %get3A_94 : vector<1x1x32x4096xf32> to vector<32x4096xf32>
      %transpose3A_96 = tpu.transpose %get3A_95, [1, 0] : vector<32x4096xf32> -> vector<4096x32xf32>
      %swap3A_97 = arith.constant 0 : index
      %swap3A_98 = arith.constant 32 : index
      %swap3A_99 = vector.load %arg2[%swap3A_97, %swap3A_98] : memref<4096x128xf32, #tpu.memory_space<vmem>>, vector<4096x32xf32>
      tpu.vector_store %arg2[%swap3A_97, %swap3A_98], %transpose3A_96 {strides = array<i32>} : memref<4096x128xf32, #tpu.memory_space<vmem>>, vector<4096x32xf32>,
      %get3A_100 = arith.constant 0 : index
      %get3A_101 = arith.constant 2 : index
      %get3A_102 = arith.constant 0 : index
      %get3A_103 = arith.constant 0 : index
      %get3A_104 = vector.load %arg3[%get3A_100, %get3A_101, %get3A_102, %get3A_103] : memref<2x4x32x4096xf32, #tpu.memory_space<vmem>>, vector<1x1x32x4096xf32>
      %get3A_105 = vector.shape_cast %get3A_104 : vector<1x1x32x4096xf32> to vector<32x4096xf32>
      %transpose3A_106 = tpu.transpose %get3A_105, [1, 0] : vector<32x4096xf32> -> vector<4096x32xf32>
      %swap3A_107 = arith.constant 0 : index
      %swap3A_108 = arith.constant 64 : index
      %swap3A_109 = vector.load %arg2[%swap3A_107, %swap3A_108] : memref<4096x128xf32, #tpu.memory_space<vmem>>, vector<4096x32xf32>
      tpu.vector_store %arg2[%swap3A_107, %swap3A_108], %transpose3A_106 {strides = array<i32>} : memref<4096x128xf32, #tpu.memory_space<vmem>>, vector<4096x32xf32>,
      %get3A_110 = arith.constant 0 : index
      %get3A_111 = arith.constant 3 : index
      %get3A_112 = arith.constant 0 : index
      %get3A_113 = arith.constant 0 : index
      %get3A_114 = vector.load %arg3[%get3A_110, %get3A_111, %get3A_112, %get3A_113] : memref<2x4x32x4096xf32, #tpu.memory_space<vmem>>, vector<1x1x32x4096xf32>
      %get3A_115 = vector.shape_cast %get3A_114 : vector<1x1x32x4096xf32> to vector<32x4096xf32>
      %transpose3A_116 = tpu.transpose %get3A_115, [1, 0] : vector<32x4096xf32> -> vector<4096x32xf32>
      %swap3A_117 = arith.constant 0 : index
      %swap3A_118 = arith.constant 96 : index
      %swap3A_119 = vector.load %arg2[%swap3A_117, %swap3A_118] : memref<4096x128xf32, #tpu.memory_space<vmem>>, vector<4096x32xf32>
      tpu.vector_store %arg2[%swap3A_117, %swap3A_118], %transpose3A_116 {strides = array<i32>} : memref<4096x128xf32, #tpu.memory_space<vmem>>, vector<4096x32xf32>,
    } else {
    }
    %eq3A_25 = arith.constant 1 : i32
    %eq3A_26 = arith.cmpi eq, %rem3A_0, %eq3A_25 : i32
    %convert_element_type3A_27 = arith.extui %eq3A_26 : i1 to i32
    %cond3A_28 = arith.constant 0 : i32
    %cond3A_29 = arith.cmpi ne, %convert_element_type3A_27, %cond3A_28 : i32
    scf.if %cond3A_29 {
      %dma_wait3A = arith.constant 1 : i32
      %dma_wait3A_30 = arith.constant 0 : i32
      %dma_wait3A_31 = arith.constant 0 : i32
      %dma_wait3A_32 = arith.constant 0 : i32
      %dma_wait3A_33 = arith.constant 0 : i32
      %dma_wait3A_34 = tpu.memref_slice %arg3[%dma_wait3A, %dma_wait3A_31, %dma_wait3A_32, %dma_wait3A_33] : memref<2x4x32x4096xf32, #tpu.memory_space<vmem>> -> memref<1x4x32x4096xf32, #tpu.memory_space<vmem>>
      %dma_wait3A_35 = tpu.memref_squeeze %dma_wait3A_34 : memref<1x4x32x4096xf32, #tpu.memory_space<vmem>> -> memref<4x32x4096xf32, #tpu.memory_space<vmem>>
      %dma_wait3A_36 = arith.constant 0 : i32
      %dma_wait3A_37 = arith.constant 0 : i32
      %dma_wait3A_38 = tpu.memref_slice %dma_wait3A_35[%dma_wait3A_30, %dma_wait3A_36, %dma_wait3A_37] : memref<4x32x4096xf32, #tpu.memory_space<vmem>> -> memref<1x32x4096xf32, #tpu.memory_space<vmem>>
      %dma_wait3A_39 = tpu.memref_squeeze %dma_wait3A_38 : memref<1x32x4096xf32, #tpu.memory_space<vmem>> -> memref<32x4096xf32, #tpu.memory_space<vmem>>
      %dma_wait3A_40 = arith.constant 0 : i32
      %dma_wait3A_41 = arith.constant 0 : i32
      %dma_wait3A_42 = tpu.memref_slice %arg1[%dma_wait3A_40, %dma_wait3A_41] : memref<32x1000000xf32, #tpu.memory_space<hbm>> -> memref<32x4096xf32, #tpu.memory_space<hbm>>
      tpu.wait_dma2 semaphore(%arg5 : memref<!tpu.dma_semaphore, #tpu.memory_space<semaphore_mem>>) src(%dma_wait3A_42 : memref<32x4096xf32, #tpu.memory_space<hbm>>) dst(%dma_wait3A_39 : memref<32x4096xf32, #tpu.memory_space<vmem>>)
      %dma_wait3A_43 = arith.constant 1 : i32
      %dma_wait3A_44 = arith.constant 1 : i32
      %dma_wait3A_45 = arith.constant 0 : i32
      %dma_wait3A_46 = arith.constant 0 : i32
      %dma_wait3A_47 = arith.constant 0 : i32
      %dma_wait3A_48 = tpu.memref_slice %arg3[%dma_wait3A_43, %dma_wait3A_45, %dma_wait3A_46, %dma_wait3A_47] : memref<2x4x32x4096xf32, #tpu.memory_space<vmem>> -> memref<1x4x32x4096xf32, #tpu.memory_space<vmem>>
      %dma_wait3A_49 = tpu.memref_squeeze %dma_wait3A_48 : memref<1x4x32x4096xf32, #tpu.memory_space<vmem>> -> memref<4x32x4096xf32, #tpu.memory_space<vmem>>
      %dma_wait3A_50 = arith.constant 0 : i32
      %dma_wait3A_51 = arith.constant 0 : i32
      %dma_wait3A_52 = tpu.memref_slice %dma_wait3A_49[%dma_wait3A_44, %dma_wait3A_50, %dma_wait3A_51] : memref<4x32x4096xf32, #tpu.memory_space<vmem>> -> memref<1x32x4096xf32, #tpu.memory_space<vmem>>
      %dma_wait3A_53 = tpu.memref_squeeze %dma_wait3A_52 : memref<1x32x4096xf32, #tpu.memory_space<vmem>> -> memref<32x4096xf32, #tpu.memory_space<vmem>>
      %dma_wait3A_54 = arith.constant 0 : i32
      %dma_wait3A_55 = arith.constant 262144 : i32
      %dma_wait3A_56 = tpu.memref_slice %arg1[%dma_wait3A_54, %dma_wait3A_55] : memref<32x1000000xf32, #tpu.memory_space<hbm>> -> memref<32x4096xf32, #tpu.memory_space<hbm>>
      tpu.wait_dma2 semaphore(%arg5 : memref<!tpu.dma_semaphore, #tpu.memory_space<semaphore_mem>>) src(%dma_wait3A_56 : memref<32x4096xf32, #tpu.memory_space<hbm>>) dst(%dma_wait3A_53 : memref<32x4096xf32, #tpu.memory_space<vmem>>)
      %dma_wait3A_57 = arith.constant 1 : i32
      %dma_wait3A_58 = arith.constant 2 : i32
      %dma_wait3A_59 = arith.constant 0 : i32
      %dma_wait3A_60 = arith.constant 0 : i32
      %dma_wait3A_61 = arith.constant 0 : i32
      %dma_wait3A_62 = tpu.memref_slice %arg3[%dma_wait3A_57, %dma_wait3A_59, %dma_wait3A_60, %dma_wait3A_61] : memref<2x4x32x4096xf32, #tpu.memory_space<vmem>> -> memref<1x4x32x4096xf32, #tpu.memory_space<vmem>>
      %dma_wait3A_63 = tpu.memref_squeeze %dma_wait3A_62 : memref<1x4x32x4096xf32, #tpu.memory_space<vmem>> -> memref<4x32x4096xf32, #tpu.memory_space<vmem>>
      %dma_wait3A_64 = arith.constant 0 : i32
      %dma_wait3A_65 = arith.constant 0 : i32
      %dma_wait3A_66 = tpu.memref_slice %dma_wait3A_63[%dma_wait3A_58, %dma_wait3A_64, %dma_wait3A_65] : memref<4x32x4096xf32, #tpu.memory_space<vmem>> -> memref<1x32x4096xf32, #tpu.memory_space<vmem>>
      %dma_wait3A_67 = tpu.memref_squeeze %dma_wait3A_66 : memref<1x32x4096xf32, #tpu.memory_space<vmem>> -> memref<32x4096xf32, #tpu.memory_space<vmem>>
      %dma_wait3A_68 = arith.constant 0 : i32
      %dma_wait3A_69 = arith.constant 524288 : i32
      %dma_wait3A_70 = tpu.memref_slice %arg1[%dma_wait3A_68, %dma_wait3A_69] : memref<32x1000000xf32, #tpu.memory_space<hbm>> -> memref<32x4096xf32, #tpu.memory_space<hbm>>
      tpu.wait_dma2 semaphore(%arg5 : memref<!tpu.dma_semaphore, #tpu.memory_space<semaphore_mem>>) src(%dma_wait3A_70 : memref<32x4096xf32, #tpu.memory_space<hbm>>) dst(%dma_wait3A_67 : memref<32x4096xf32, #tpu.memory_space<vmem>>)
      %lt3A_71 = arith.constant 52 : i32
      %lt3A_72 = arith.cmpi slt, %arg0, %lt3A_71 : i32
      %convert_element_type3A_73 = arith.extui %lt3A_72 : i1 to i32
      %cond3A_74 = arith.constant 1 : i32
      %cond3A_75 = arith.constant 0 : i32
      %cond3A_76 = arith.cmpi ne, %convert_element_type3A_73, %cond3A_75 : i32
      scf.if %cond3A_76 {
        %dma_wait3A_120 = arith.constant 3 : i32
        %dma_wait3A_121 = arith.constant 0 : i32
        %dma_wait3A_122 = arith.constant 0 : i32
        %dma_wait3A_123 = arith.constant 0 : i32
        %dma_wait3A_124 = tpu.memref_slice %arg3[%cond3A_74, %dma_wait3A_121, %dma_wait3A_122, %dma_wait3A_123] : memref<2x4x32x4096xf32, #tpu.memory_space<vmem>> -> memref<1x4x32x4096xf32, #tpu.memory_space<vmem>>
        %dma_wait3A_125 = tpu.memref_squeeze %dma_wait3A_124 : memref<1x4x32x4096xf32, #tpu.memory_space<vmem>> -> memref<4x32x4096xf32, #tpu.memory_space<vmem>>
        %dma_wait3A_126 = arith.constant 0 : i32
        %dma_wait3A_127 = arith.constant 0 : i32
        %dma_wait3A_128 = tpu.memref_slice %dma_wait3A_125[%dma_wait3A_120, %dma_wait3A_126, %dma_wait3A_127] : memref<4x32x4096xf32, #tpu.memory_space<vmem>> -> memref<1x32x4096xf32, #tpu.memory_space<vmem>>
        %dma_wait3A_129 = tpu.memref_squeeze %dma_wait3A_128 : memref<1x32x4096xf32, #tpu.memory_space<vmem>> -> memref<32x4096xf32, #tpu.memory_space<vmem>>
        %dma_wait3A_130 = arith.constant 0 : i32
        %dma_wait3A_131 = arith.constant 786432 : i32
        %dma_wait3A_132 = tpu.memref_slice %arg1[%dma_wait3A_130, %dma_wait3A_131] : memref<32x1000000xf32, #tpu.memory_space<hbm>> -> memref<32x4096xf32, #tpu.memory_space<hbm>>
        tpu.wait_dma2 semaphore(%arg5 : memref<!tpu.dma_semaphore, #tpu.memory_space<semaphore_mem>>) src(%dma_wait3A_132 : memref<32x4096xf32, #tpu.memory_space<hbm>>) dst(%dma_wait3A_129 : memref<32x4096xf32, #tpu.memory_space<vmem>>)
      } else {
      }
      %eq3A_77 = arith.constant 52 : i32
      %eq3A_78 = arith.cmpi eq, %arg0, %eq3A_77 : i32
      %convert_element_type3A_79 = arith.extui %eq3A_78 : i1 to i32
      %cond3A_80 = arith.constant 1 : i32
      %cond3A_81 = arith.constant 0 : i32
      %cond3A_82 = arith.cmpi ne, %convert_element_type3A_79, %cond3A_81 : i32
      scf.if %cond3A_82 {
        %dma_wait3A_120 = arith.constant 3 : i32
        %dma_wait3A_121 = arith.constant 0 : i32
        %dma_wait3A_122 = arith.constant 0 : i32
        %dma_wait3A_123 = arith.constant 0 : i32
        %dma_wait3A_124 = tpu.memref_slice %arg3[%cond3A_80, %dma_wait3A_121, %dma_wait3A_122, %dma_wait3A_123] : memref<2x4x32x4096xf32, #tpu.memory_space<vmem>> -> memref<1x4x32x4096xf32, #tpu.memory_space<vmem>>
        %dma_wait3A_125 = tpu.memref_squeeze %dma_wait3A_124 : memref<1x4x32x4096xf32, #tpu.memory_space<vmem>> -> memref<4x32x4096xf32, #tpu.memory_space<vmem>>
        %dma_wait3A_126 = arith.constant 0 : i32
        %dma_wait3A_127 = arith.constant 0 : i32
        %dma_wait3A_128 = tpu.memref_slice %dma_wait3A_125[%dma_wait3A_120, %dma_wait3A_126, %dma_wait3A_127] : memref<4x32x4096xf32, #tpu.memory_space<vmem>> -> memref<1x32x512xf32, #tpu.memory_space<vmem>>
        %dma_wait3A_129 = tpu.memref_squeeze %dma_wait3A_128 : memref<1x32x512xf32, #tpu.memory_space<vmem>> -> memref<32x512xf32, #tpu.memory_space<vmem>>
        %dma_wait3A_130 = arith.constant 0 : i32
        %dma_wait3A_131 = arith.constant 786432 : i32
        %dma_wait3A_132 = tpu.memref_slice %arg1[%dma_wait3A_130, %dma_wait3A_131] : memref<32x1000000xf32, #tpu.memory_space<hbm>> -> memref<32x512xf32, #tpu.memory_space<hbm>>
        tpu.wait_dma2 semaphore(%arg5 : memref<!tpu.dma_semaphore, #tpu.memory_space<semaphore_mem>>) src(%dma_wait3A_132 : memref<32x512xf32, #tpu.memory_space<hbm>>) dst(%dma_wait3A_129 : memref<32x512xf32, #tpu.memory_space<vmem>>)
      } else {
      }
      %get3A = arith.constant 1 : index
      %get3A_83 = arith.constant 0 : index
      %get3A_84 = arith.constant 0 : index
      %get3A_85 = arith.constant 0 : index
      %get3A_86 = vector.load %arg3[%get3A, %get3A_83, %get3A_84, %get3A_85] : memref<2x4x32x4096xf32, #tpu.memory_space<vmem>>, vector<1x1x32x4096xf32>
      %get3A_87 = vector.shape_cast %get3A_86 : vector<1x1x32x4096xf32> to vector<32x4096xf32>
      %transpose3A = tpu.transpose %get3A_87, [1, 0] : vector<32x4096xf32> -> vector<4096x32xf32>
      %swap3A = arith.constant 0 : index
      %swap3A_88 = arith.constant 0 : index
      %swap3A_89 = vector.load %arg2[%swap3A, %swap3A_88] : memref<4096x128xf32, #tpu.memory_space<vmem>>, vector<4096x32xf32>
      tpu.vector_store %arg2[%swap3A, %swap3A_88], %transpose3A {strides = array<i32>} : memref<4096x128xf32, #tpu.memory_space<vmem>>, vector<4096x32xf32>,
      %get3A_90 = arith.constant 1 : index
      %get3A_91 = arith.constant 1 : index
      %get3A_92 = arith.constant 0 : index
      %get3A_93 = arith.constant 0 : index
      %get3A_94 = vector.load %arg3[%get3A_90, %get3A_91, %get3A_92, %get3A_93] : memref<2x4x32x4096xf32, #tpu.memory_space<vmem>>, vector<1x1x32x4096xf32>
      %get3A_95 = vector.shape_cast %get3A_94 : vector<1x1x32x4096xf32> to vector<32x4096xf32>
      %transpose3A_96 = tpu.transpose %get3A_95, [1, 0] : vector<32x4096xf32> -> vector<4096x32xf32>
      %swap3A_97 = arith.constant 0 : index
      %swap3A_98 = arith.constant 32 : index
      %swap3A_99 = vector.load %arg2[%swap3A_97, %swap3A_98] : memref<4096x128xf32, #tpu.memory_space<vmem>>, vector<4096x32xf32>
      tpu.vector_store %arg2[%swap3A_97, %swap3A_98], %transpose3A_96 {strides = array<i32>} : memref<4096x128xf32, #tpu.memory_space<vmem>>, vector<4096x32xf32>,
      %get3A_100 = arith.constant 1 : index
      %get3A_101 = arith.constant 2 : index
      %get3A_102 = arith.constant 0 : index
      %get3A_103 = arith.constant 0 : index
      %get3A_104 = vector.load %arg3[%get3A_100, %get3A_101, %get3A_102, %get3A_103] : memref<2x4x32x4096xf32, #tpu.memory_space<vmem>>, vector<1x1x32x4096xf32>
      %get3A_105 = vector.shape_cast %get3A_104 : vector<1x1x32x4096xf32> to vector<32x4096xf32>
      %transpose3A_106 = tpu.transpose %get3A_105, [1, 0] : vector<32x4096xf32> -> vector<4096x32xf32>
      %swap3A_107 = arith.constant 0 : index
      %swap3A_108 = arith.constant 64 : index
      %swap3A_109 = vector.load %arg2[%swap3A_107, %swap3A_108] : memref<4096x128xf32, #tpu.memory_space<vmem>>, vector<4096x32xf32>
      tpu.vector_store %arg2[%swap3A_107, %swap3A_108], %transpose3A_106 {strides = array<i32>} : memref<4096x128xf32, #tpu.memory_space<vmem>>, vector<4096x32xf32>,
      %get3A_110 = arith.constant 1 : index
      %get3A_111 = arith.constant 3 : index
      %get3A_112 = arith.constant 0 : index
      %get3A_113 = arith.constant 0 : index
      %get3A_114 = vector.load %arg3[%get3A_110, %get3A_111, %get3A_112, %get3A_113] : memref<2x4x32x4096xf32, #tpu.memory_space<vmem>>, vector<1x1x32x4096xf32>
      %get3A_115 = vector.shape_cast %get3A_114 : vector<1x1x32x4096xf32> to vector<32x4096xf32>
      %transpose3A_116 = tpu.transpose %get3A_115, [1, 0] : vector<32x4096xf32> -> vector<4096x32xf32>
      %swap3A_117 = arith.constant 0 : index
      %swap3A_118 = arith.constant 96 : index
      %swap3A_119 = vector.load %arg2[%swap3A_117, %swap3A_118] : memref<4096x128xf32, #tpu.memory_space<vmem>>, vector<4096x32xf32>
      tpu.vector_store %arg2[%swap3A_117, %swap3A_118], %transpose3A_116 {strides = array<i32>} : memref<4096x128xf32, #tpu.memory_space<vmem>>, vector<4096x32xf32>,
    } else {
    }
    return
  }
  func.func @transform_1(%arg0: i32) -> (i32, i32) {
    %c0_i32 = arith.constant 0 : i32
    %c0_i32_0 = arith.constant 0 : i32
    return %arg0, %c0_i32 : i32, i32
  }
}

</mosaic_0001>

<sc_bundles>
// kernel: kernel.4.cloned.1.call-start
scs
__scs_entry_jumppad:
0x0: {  	(pc) =	sbr.rel $0x88, $3  }
0x1: {  	(tag) =	ssettag $0x0;
	lr =	simm.s32 $0x1  }
0x2: {  	[smem:$0x3F9F] =	sst lr;
	_ =	strace $0xD0000000  }
0x3: {  	_ = 	snop  }
0x4: {  	_ = 	snop  }
0x5: {  	_ = 	snop  }
0x6: {  	_ = 	snop  }
0x7: {  	_ = 	snop  }
__scs_overlays_trampoline_lowered:
0x8: {  	[smem:$0x3FAE] =	sst s0  }
0x9: {  	[smem:$0x3FAF] =	sst s1  }
0xa: {  	[smem:$0x3FB0] =	sst s2  }
0xb: {  	[smem:$0x3FB1] =	sst s3  }
0xc: {  	[smem:$0x3FB2] =	sst s4  }
0xd: {  	[smem:$0x3FB3] =	sst s5  }
0xe: {  	[smem:$0x3FB4] =	sst s6  }
0xf: {  	[smem:$0x3FB5] =	sst s7  }
0x10: {  	[smem:$0x3FB6] =	sst s8  }
0x11: {  	[smem:$0x3FB7] =	sst s9;
	s0 =	simm.s32 @!p0 $0x0  }
0x12: {  	s1 =	sld [smem:$0x3F9D];
	s0 =	simm.s32 @p0 $0x1  }
0x13: {  	[smem:$0x3FB8] =	sst s0;
	s0 =	simm.s32 @!p1 $0x0  }
0x14: {  	s2 =	sld [smem:$0x3F9C];
	s0 =	simm.s32 @p1 $0x1  }
0x15: {  	[smem:$0x3FB9] =	sst s0;
	s0 =	simm.s32 @!p2 $0x0  }
0x16: {  	s3 =	sld [smem:$0x3FDB];
	s0 =	simm.s32 @p2 $0x1  }
0x17: {  	s4 =	simm.s32 $0x1BF5;
	[smem:$0x3FBB] =	sst s0  }
0x18: {  	s0 =	sld [smem:$0x3F9E];
	_ =	swait.ge [sflag:s4], $0x0  }
0x19: {  	s7 =	sld [smem:$0x3F9F]  }
0x1a: {  	s8 =	sadd.s32 $0xFFFFE003, lr  }
0x1b: {  	s9 =	sadd.s32 $0xFFFFFEF7, lr;
	s5 =	simm.s32 $0xFFFFFFFF;
	p2 =	slt.u32 s8, $0xFFFFF086  }
0x1c: {  	p1 =	slt.u32 s9, $0xF7A;
	s5 =	simm.s32 @!p2 $0x0  }
0x1d: {  	s5 =	simm.s32 @p1 $0x1;
	p0 =	seq.s32 s7, s2  }
0x1e: {  	s7 =	smul.u32 @!p0 $0xF7A, s2;
	p2 =	seq.s32 @!p0 s5, $0x0  }
0x1f: {  	s9 =	smul.u32 $0xF7A, s1;
	s8 =	simm.s32 @!p0 $0x1BF5;
	p2 =	por !p2, p0  }
0x20: {  	[sflag:s8] =	ssyncset.s32 @!p0 $0xFFFFF086;
	s6 =	sadd.s32 @!p0 s3, s7;
	s7 =	simm.s32 @!p0 $0x108  }
0x21: {  	s3 =	sadd.s32 s3, s9;
	s6 =	sadd.s32 @!p0 $0x88, s6;
	s7 =	simm.s32 @p2 $0x1082  }
0x22: {  	[simem:s7], [sflag:s8] =	dma.local @!p0 [hbm:s6], $0xF7A  }
0x23: {  	s9 =	sor.u32 $0xD0000000, s2;
	s6 =	simm.s32 $0x108;
	_ =	swait.ge @!p0 [sflag:s8], $0x0  }
0x24: {  	s3 =	sadd.s32 $0x88, s3;
	s6 =	simm.s32 @!p1 $0x1082;
	[sflag:s4] =	ssyncset.s32 $0xFFFFF086  }
0x25: {  	[simem:s6], [sflag:s4] =	dma.local [hbm:s3], $0xF7A  }
0x26: {  	[smem:$0x3F9F] =	sst s1;
	(tag) =	ssettag s2;
	_ =	strace s9  }
0x27: {  	s1 =	sld [smem:$0x3FAF]  }
0x28: {  	s2 =	sld [smem:$0x3FB0]  }
0x29: {  	s4 =	sld [smem:$0x3FB2]  }
0x2a: {  	p0 =	seq.s32 s5, $0x0;
	s5 =	sld [smem:$0x3FB3]  }
0x2b: {  	s6 =	sld [smem:$0x3FB4]  }
0x2c: {  	s7 =	sld [smem:$0x3FB5]  }
0x2d: {  	s3 =	simm.s32 $0x108;
	s8 =	sld [smem:$0x3FB6]  }
0x2e: {  	s3 =	simm.s32 @!p0 $0x1082;
	s9 =	sld [smem:$0x3FB7]  }
0x2f: {  	lr =	sadd.s32 s0, s3;
	s0 =	sld [smem:$0x3FAE]  }
0x30: {  	s3 =	sld [smem:$0x3FB1]  }
0x31: {  	[smem:$0x3FBA] =	sst s10  }
0x32: {  	s10 =	sld [smem:$0x3FB8];
	_ =	sdelay $0x3  }
0x33: {  	p0 =	seq.s32 s10, $0x1;
	s10 =	sld [smem:$0x3FBA];
	_ =	sdelay $0x3  }
0x34: {  	[smem:$0x3FBA] =	sst s10  }
0x35: {  	s10 =	sld [smem:$0x3FB9];
	_ =	sdelay $0x3  }
0x36: {  	p1 =	seq.s32 s10, $0x1;
	s10 =	sld [smem:$0x3FBA];
	_ =	sdelay $0x3  }
0x37: {  	[smem:$0x3FBA] =	sst s10  }
0x38: {  	s10 =	sld [smem:$0x3FBB]  }
0x39: {  	_ = 	snop;
	(pc) =	sbr.ind lr, $3  }
0x3a: {  	_ = 	snop  }
0x3b: {  	_ = 	snop  }
0x3c: {  	p2 =	seq.s32 s10, $0x1;
	s10 =	sld [smem:$0x3FBA]  }
0x3d: {  	_ =	shalt  }
0x3e: {  	_ =	shalt  }
0x3f: {  	_ =	shalt  }
0x40: {  	_ =	shalt  }
0x41: {  	_ =	shalt  }
0x42: {  	_ =	shalt  }
0x43: {  	_ =	shalt  }
0x44: {  	_ =	shalt  }
0x45: {  	_ =	shalt  }
0x46: {  	_ =	shalt  }
0x47: {  	_ =	shalt  }
0x48: {  	_ =	shalt  }
0x49: {  	_ =	shalt  }
0x4a: {  	_ =	shalt  }
0x4b: {  	_ =	shalt  }
0x4c: {  	_ =	shalt  }
0x4d: {  	_ =	shalt  }
0x4e: {  	_ =	shalt  }
0x4f: {  	_ =	shalt  }
0x50: {  	_ =	shalt  }
0x51: {  	_ =	shalt  }
0x52: {  	_ =	shalt  }
0x53: {  	_ =	shalt  }
0x54: {  	_ =	shalt  }
0x55: {  	_ =	shalt  }
0x56: {  	_ =	shalt  }
0x57: {  	_ =	shalt  }
0x58: {  	_ =	shalt  }
0x59: {  	_ =	shalt  }
0x5a: {  	_ =	shalt  }
0x5b: {  	_ =	shalt  }
0x5c: {  	_ =	shalt  }
0x5d: {  	_ =	shalt  }
0x5e: {  	_ =	shalt  }
0x5f: {  	_ =	shalt  }
0x60: {  	_ =	shalt  }
0x61: {  	_ =	shalt  }
0x62: {  	_ =	shalt  }
0x63: {  	_ =	shalt  }
0x64: {  	_ =	shalt  }
0x65: {  	_ =	shalt  }
0x66: {  	_ =	shalt  }
0x67: {  	_ =	shalt  }
0x68: {  	_ =	shalt  }
0x69: {  	_ =	shalt  }
0x6a: {  	_ =	shalt  }
0x6b: {  	_ =	shalt  }
0x6c: {  	_ =	shalt  }
0x6d: {  	_ =	shalt  }
0x6e: {  	_ =	shalt  }
0x6f: {  	_ =	shalt  }
0x70: {  	_ =	shalt  }
0x71: {  	_ =	shalt  }
0x72: {  	_ =	shalt  }
0x73: {  	_ =	shalt  }
0x74: {  	_ =	shalt  }
0x75: {  	_ =	shalt  }
0x76: {  	_ =	shalt  }
0x77: {  	_ =	shalt  }
0x78: {  	_ =	shalt  }
0x79: {  	_ =	shalt  }
0x7a: {  	_ =	shalt  }
0x7b: {  	_ =	shalt  }
0x7c: {  	_ =	shalt  }
0x7d: {  	_ =	shalt  }
0x7e: {  	_ =	shalt  }
0x7f: {  	_ =	shalt  }
0x80: {  	_ =	shalt  }
0x81: {  	_ =	shalt  }
0x82: {  	_ =	shalt  }
0x83: {  	_ =	shalt  }
0x84: {  	_ =	shalt  }
0x85: {  	_ =	shalt  }
0x86: {  	_ =	shalt  }
0x87: {  	_ =	shalt  }
.Lfunc_end0:
.L_simem_size_0:
called_computation_lowered:
.L_overlay_start_0:
0x88: {  	s2 =	sld [smem:$0x3FD9]  }
0x89: {  	s3 =	sld [smem:$0x3FFE];
	_ =	sdelay $0x1  }
0x8a: {  	s1 =	srdreg.scid  }
0x8b: {  	s0 =	sand.u32 $0x1, s1  }
0x8c: {  	s17 =	sshll.u32 s0, $0xA;
	s2 =	sadd.s32 s3, s2  }
0x8d: {  	s2 =	sadd.s32 s2, s17  }
0x8e: {  	[smem:$0x3FC6] =	sst s2  }
0x8f: {  	_ = 	snop  }
0x90: {  	s2 =	sld [smem:$0x3FC9]  }
0x91: {  	s18 =	sld [smem:$0x3FD0];
	(tm) =	ssettm $0x1  }
0x92: {  	s4 =	sld [smem:$0x3FFB];
	_ =	sdelay $0x3  }
0x93: {  	_ =	strace s4  }
0x94: {  	s4 =	sld [smem:$0x3FFC];
	_ =	sdelay $0x3  }
0x95: {  	_ =	strace s4  }
0x96: {  	s4 =	sld [smem:$0x3FFD];
	_ =	sdelay $0x3  }
0x97: {  	_ =	strace s4  }
0x98: {  	_ =	strace $0x8FFFFFFF  }
0x99: {  	s19 =	sld [smem:$0x3FDB];
	_ =	sdelay $0x1  }
0x9a: {  	s5 =	simm.s32 $_scs_section_size  }
0x9b: {  	s6 =	simm.s32 $_size__tile_overlayer_lowered;
	s7 =	simm.s32 $_tile_overlayer_lowered  }
0x9c: {  	s22 =	simm.s32 $0x1BFF;
	s21 =	sshll.u32 s7, $0x1;
	s4 =	sadd.s32 s5, s19  }
0x9d: {  	s8 =	simm.s32 $0x0;
	s20 =	sshll.u32 s6, $0x1;
	s6 =	sadd.s32 s21, s4  }
0x9e: {  	[timem:s8], [sflag:s22] =	dma.local [hbm:s6], s20  }
0x9f: {  	_ =	swait.ge [sflag:s22], s20  }
0xa0: {  	s5 =	ssub.s32 $0x0, s20;
	[sflag:s22] =	ssyncset.done $0x0  }
0xa1: {  	[sflag:s22] =	ssyncadd.s32 s5;
	_ =	sdelay $0x1  }
0xa2: {  	s23 =	simm.s32 $0x1B8B  }
0xa3: {  	_ =	swait.ge [sflag:s23], $0x1  }
0xa4: {  	[sflag:s23] =	ssyncset.done $0x0  }
0xa5: {  	s25 =	simm.s32 $0x1B8E;
	s24 =	sld [smem:$0x3FFE];
	[sflag:s23] =	ssyncadd.s32 $0xFFFFFFFF  }
0xa6: {  	s26 =	simm.s32 $execute0_lowered;
	[smem:$0x3FD2] =	sst s25  }
0xa7: {  	s6 =	sshll.u32 s26, $0x1;
	_ =	strace $0x80000046;
	[dreg:$0x1] =	wrdreg $0xFFFFFFFF  }
0xa8: {  	s28 =	simm.s32 $_size_execute0_lowered;
	s4 =	sadd.s32 s4, s6;
	[dreg:$0x0] =	wrdreg $0x0  }
0xa9: {  	s6 =	sshll.u32 s28, $0x1;
	[dreg:$0x2] =	wrdreg s4  }
0xaa: {  	[dreg:$0x3] =	wrdreg s6  }
0xab: {  	[dreg:$0x4] =	wrdreg $0xC0  }
0xac: {  	_ =	task [dreg:s8], $0x5FFFF  }
0xad: {  	[dreg:$0x1] =	wrdreg $0xFFFFFFFF  }
0xae: {  	[dreg:$0x0] =	wrdreg $0x60  }
0xaf: {  	[dreg:$0x2] =	wrdreg s24  }
0xb0: {  	[dreg:$0x3] =	wrdreg s2  }
0xb1: {  	[dreg:$0x4] =	wrdreg s18  }
0xb2: {  	[dreg:$0x5] =	wrdreg $0x9  }
0xb3: {  	_ =	task.clear_ibuf [dreg:s8], $0x6FFFF;
	_ =	strace $0x90000046  }
0xb4: {  	s29 =	simm.s32 $0x9;
	_ =	strace $0x80000048  }
0xb5: {  	_ =	swait.ge [sflag:s29], $0x1  }
0xb6: {  	[sflag:s29] =	ssyncadd.s32 $0xFFFFFFFF  }
0xb7: {  	_ =	strace $0x90000048  }
0xb8: {  	_ =	sfence  }
0xb9: {  	s30 =	sld [smem:$0x0];
	_ =	sdelay $0x2  }
0xba: {  	s31 =	sshll.u32 s1, $0xD;
	s1 =	sshrl.u32 s1, $0x2  }
0xbb: {  	s3 =	sand.u32 $0x4000, s31;
	s1 =	sadd.s32 s1, s30  }
0xbc: {  	s0 =	sor.u32 s3, s0;
	s1 =	sshll.u32 s1, $0x11  }
0xbd: {  	s0 =	sor.u32 s1, s0  }
0xbe: {  	s0 =	sadd.s32 $0x8F2B, s0  }
0xbf: {  	[sflag:s0] =	ssyncadd.remote.s32 $0x1  }
0xc0: {  	_ =	sfence.sel $0xFFFF  }
0xc1: {  	[dreg:$0x0] =	wrdreg $0xFFFFFFFF;
	(pc) =	sbr.abs _section_cstart, $3  }
0xc2: {  	[dreg:$0x1] =	wrdreg $0xFFFFFFFF  }
0xc3: {  	_ =	task.clear_ibuf [dreg:s8], $0x2FFFF;
	_ =	strace $0x9FFFFFFF  }
0xc4: {  	(tm) =	ssettm $0x7FFFFFFF  }
0xc5: {  	_ =	shalt  }
tec
execute0_lowered:
.L_overlay_start_1:
0x0: {  	(tag) =	ssettag $0x1  }
0x1: {  	v0 =	vlaneseq.u32  }
0x2: {  	v0 =	vmul.u32 $0x80, v0;
	_ =	sdelay $0x1  }
0x3: {  	v1 =	vor.u32 $0x800, v0  }
0x4: {  	s0 =	rddreg [dreg:$0x0];
	v36 =	vor.u32 $0x1000, v0;
	[tilespmem:$0x1FE10] =	vst v1  }
0x5: {  	s2 =	rddreg [dreg:$0x1];
	s5 =	simm.s32 $0x0;
	v37 =	vor.u32 $0x1800, v0;
	[tilespmem:$0x1FE20] =	vst v36  }
0x6: {  	[smem:$0x7FF] =	sst s5;
	v38 =	vor.u32 $0x2000, v0;
	[tilespmem:$0x1FE30] =	vst v37  }
0x7: {  	s1 =	rddreg [dreg:$0x2];
	v39 =	vor.u32 $0x2800, v0;
	_ =	strace $0x80000047;
	[tilespmem:$0x1FE40] =	vst v38  }
0x8: {  	v40 =	vor.u32 $0x3000, v0;
	[tilespmem:$0x1FE50] =	vst v39  }
0x9: {  	v41 =	vor.u32 $0x3800, v0;
	[tilespmem:$0x1FE60] =	vst v40  }
0xa: {  	v42 =	vor.u32 $0x4000, v0;
	[tilespmem:$0x1FE70] =	vst v41  }
0xb: {  	v43 =	vor.u32 $0x4800, v0;
	[tilespmem:$0x1FE80] =	vst v42  }
0xc: {  	v44 =	vor.u32 $0x5000, v0;
	[tilespmem:$0x1FE90] =	vst v43  }
0xd: {  	v45 =	vor.u32 $0x5800, v0;
	[tilespmem:$0x1FEA0] =	vst v44  }
0xe: {  	v46 =	vor.u32 $0x6000, v0;
	[tilespmem:$0x1FEB0] =	vst v45  }
0xf: {  	v47 =	vor.u32 $0x6800, v0;
	[tilespmem:$0x1FEC0] =	vst v46  }
0x10: {  	v48 =	vor.u32 $0x7000, v0;
	[tilespmem:$0x1FED0] =	vst v47  }
0x11: {  	v49 =	vor.u32 $0x7800, v0;
	[tilespmem:$0x1FEE0] =	vst v48  }
0x12: {  	v50 =	vor.u32 $0x801, v0;
	[tilespmem:$0x1FEF0] =	vst v49  }
0x13: {  	v51 =	vor.u32 $0x1001, v0;
	[tilespmem:$0x1FF00] =	vst v50  }
0x14: {  	v52 =	vor.u32 $0x1801, v0;
	[tilespmem:$0x1FF10] =	vst v51  }
0x15: {  	v53 =	vor.u32 $0x2001, v0;
	[tilespmem:$0x1FF20] =	vst v52  }
0x16: {  	v54 =	vor.u32 $0x2801, v0;
	[tilespmem:$0x1FF30] =	vst v53  }
0x17: {  	v55 =	vor.u32 $0x3001, v0;
	[tilespmem:$0x1FF40] =	vst v54  }
0x18: {  	v56 =	vor.u32 $0x3801, v0;
	[tilespmem:$0x1FF50] =	vst v55  }
0x19: {  	s3 =	srdreg.scid;
	s4 =	stileid.u32;
	s9 =	simm.s32 $0x5;
	v57 =	vor.u32 $0x4001, v0;
	[tilespmem:$0x1FF60] =	vst v56  }
0x1a: {  	s10 =	simm.s32 $0x6400;
	s11 =	simm.s32 $0x100;
	s12 =	simm.s32 $0x8400;
	v58 =	vor.u32 $0x4801, v0;
	[tilespmem:$0x1FF70] =	vst v57  }
0x1b: {  	s13 =	simm.s32 $0x8600;
	s14 =	simm.s32 $0x8500;
	s15 =	simm.s32 $0x10600;
	v59 =	vor.u32 $0x5001, v0;
	[tilespmem:$0x1FF80] =	vst v58  }
0x1c: {  	s16 =	simm.s32 $0x1;
	s17 =	simm.s32 $0x400;
	s18 =	simm.s32 $0x8000;
	v60 =	vor.u32 $0x5801, v0;
	[tilespmem:$0x1FF90] =	vst v59  }
0x1d: {  	s19 =	simm.s32 $0x18600;
	s20 =	simm.s32 $0x2;
	s21 =	simm.s32 $0x4;
	v61 =	vor.u32 $0x6001, v0;
	[tilespmem:$0x1FFA0] =	vst v60  }
0x1e: {  	s22 =	simm.s32 $0x1A600;
	s3 =	sand.u32 $0x1, s3;
	s4 =	sshll.u32 s4, $0x1;
	v62 =	vor.u32 $0x6801, v0;
	[tilespmem:$0x1FFB0] =	vst v61  }
0x1f: {  	s23 =	simm.s32 $0x3;
	s6 =	ssub.s32 $0x2, s3;
	s3 =	sor.u32 s3, s4;
	v63 =	vor.u32 $0x7001, v0;
	[tilespmem:$0x1FFC0] =	vst v62  }
0x20: {  	s24 =	simm.s32 $0x0;
	s7 =	sshrl.u32 s6, $0x1;
	s8 =	smul.u32 $0xC80, s3;
	[tilespmem:$0x1FFD0] =	vst v63  }
0x21: {  	s5 =	sadd.s32 $0x400, s0;
	s4 =	sadd.s32 $0x800, s0;
	s31 =	ssub.s32 s6, s7;
	[tilespmem:$0x1FFE0] =	vst v0;
	v0 =	vor.u32 $0x7801, v0  }
0x22: {  	s6 =	smul.u32 $0x64, s3;
	s7 =	sadd.s32 s2, s8;
	s8 =	smax.u32 s31, $0x1;
	[tilespmem:$0x1FFF0] =	vst v0  }
.LBB2_1:
0x23: {  	s0 =	simm.s32 $0x0  }
0x24: {  	[tilespmem:s0], [sflag:$0x5] =	stream.linear.gather [hbm4b:s7+s0], $0x6400, $0x38;
	[tilespmem:$0x1C600] =	vst v63  }
0x25: {  	_ =	swait.ge [sflag:s9], $0x6400  }
0x26: {  	[sflag:s9] =	ssyncset.done $0x0  }
0x27: {  	[sflag:s9] =	ssyncadd.s32 $0xFFFF9C00  }
0x28: {  	[tilespmem:s10], [sflag:$0x5] =	stream.linear.gather [hbm4b:s5+s0], $0x2000, $0x38;
	[tilespmem:$0x1C600] =	vst v63  }
0x29: {  	_ =	swait.ge [sflag:s9], $0x2000  }
0x2a: {  	[sflag:s9] =	ssyncset.done $0x0  }
0x2b: {  	[sflag:s9] =	ssyncadd.s32 $0xFFFFE000  }
0x2c: {  	v0 =	vld [tilespmem:$0x0]  }
0x2d: {  	v1 =	vld [tilespmem:$0x10]  }
0x2e: {  	v2 =	vld [tilespmem:$0x20]  }
0x2f: {  	v3 =	vld [tilespmem:$0x30]  }
0x30: {  	v4 =	vld [tilespmem:$0x40]  }
0x31: {  	v5 =	vld [tilespmem:$0x50];
	v0 =	vand.u32 $0x3FFFF, v0  }
0x32: {  	v40 =	vld [tilespmem:$0x60];
	v39 =	vand.u32 $0x3FFFF, v1;
	[tilespmem:$0x8400] =	vst v0  }
0x33: {  	v42 =	vld [tilespmem:$0x70];
	v41 =	vand.u32 $0x3FFFF, v2;
	[tilespmem:$0x8410] =	vst v39  }
0x34: {  	v44 =	vld [tilespmem:$0x80];
	v43 =	vand.u32 $0x3FFFF, v3;
	[tilespmem:$0x8420] =	vst v41  }
0x35: {  	v46 =	vld [tilespmem:$0x90];
	v45 =	vand.u32 $0x3FFFF, v4;
	[tilespmem:$0x8430] =	vst v43  }
0x36: {  	v48 =	vld [tilespmem:$0xA0];
	v47 =	vand.u32 $0x3FFFF, v5;
	[tilespmem:$0x8440] =	vst v45  }
0x37: {  	v50 =	vld [tilespmem:$0xB0];
	v49 =	vand.u32 $0x3FFFF, v40;
	[tilespmem:$0x8450] =	vst v47  }
0x38: {  	v52 =	vld [tilespmem:$0xC0];
	v51 =	vand.u32 $0x3FFFF, v42;
	[tilespmem:$0x8460] =	vst v49  }
0x39: {  	v54 =	vld [tilespmem:$0xD0];
	v53 =	vand.u32 $0x3FFFF, v44;
	[tilespmem:$0x8470] =	vst v51  }
0x3a: {  	v56 =	vld [tilespmem:$0xE0];
	v55 =	vand.u32 $0x3FFFF, v46;
	[tilespmem:$0x8480] =	vst v53  }
0x3b: {  	v58 =	vld [tilespmem:$0xF0];
	v57 =	vand.u32 $0x3FFFF, v48;
	[tilespmem:$0x8490] =	vst v55  }
0x3c: {  	v59 =	vand.u32 $0x3FFFF, v50;
	[tilespmem:$0x84A0] =	vst v57  }
0x3d: {  	v60 =	vand.u32 $0x3FFFF, v52;
	[tilespmem:$0x84B0] =	vst v59  }
0x3e: {  	v61 =	vand.u32 $0x3FFFF, v54;
	[tilespmem:$0x84C0] =	vst v60  }
0x3f: {  	v62 =	vand.u32 $0x3FFFF, v56;
	[tilespmem:$0x84D0] =	vst v61  }
0x40: {  	v63 =	vand.u32 $0x3FFFF, v58;
	[tilespmem:$0x84E0] =	vst v62  }
0x41: {  	s25 =	simm.s32 $0x0;
	[tilespmem:$0x84F0] =	vst v63  }
0x42: {  	[tilespmem:s13], [sflag:$0x1] =	stream.indirect.gather [hbm4b:s4+s11], $0x80, s12, s11, $0xb8;
	[tilespmem:$0x1C600] =	vst v63  }
.LBB2_2:
0x43: {  	s26 =	sshllo.u32 s25, $0x1  }
0x44: {  	s2 =	simm.s32 $0x0;
	s0 =	sshll.u32 s26, $0x8  }
0x45: {  	s31 =	sand.u32 $0x80, s2;
	s28 =	sand.u32 $0x3FFFFF00, s0  }
0x46: {  	s3 =	sand.u32 $0x70, s2;
	s0 =	sadd.s32 s31, s28  }
0x47: {  	s3 =	sadd.s32 s3, s0  }
0x48: {  	v0 =	vld [tilespmem:s3+$0x0];
	_ =	sdelay $0x2  }
0x49: {  	s29 =	sshll.u32 s25, $0x1;
	s2 =	simm.s32 $0x10  }
0x4a: {  	s30 =	sand.u32 $0x80, s2;
	s0 =	simm.s32 $0x8500;
	s3 =	simm.s32 $0x20  }
.LBB2_3:
0x4b: {  	p0 =	sne.s32 s3, $0xF0;
	s2 =	sand.u32 $0x70, s2;
	s30 =	sadd.s32 s30, s28;
	v0 =	vand.u32 $0x3FFFF, v0  }
0x4c: {  	s30 =	sadd.s32 s2, s30;
	[tilespmem:s0+$0x0] =	vst v0;
	s2 =	smov.u32 s3  }
.Ltmp0:
0x4d: {  	v0 =	vld [tilespmem:s30+$0x0];
	(pc) =	sbr.rel @p0 .LBB2_3-.Ltmp0, $2  }
0x4e: {  	_ =	sdelay $0x2  }
0x4f: {  	s3 =	sadd.s32 $0x10, s3;
	s0 =	sadd.s32 $0x10, s0;
	s30 =	sand.u32 $0x80, s2  }
0x50: {  	s2 =	sand.u32 $0x70, s2;
	s3 =	sadd.s32 s30, s28;
	v0 =	vand.u32 $0x3FFFF, v0  }
0x51: {  	s2 =	sadd.s32 s2, s3;
	[tilespmem:s0+$0x0] =	vst v0  }
0x52: {  	v0 =	vld [tilespmem:s2+$0x0];
	_ =	sdelay $0x4  }
0x53: {  	s2 =	sadd.s32 $0x10, s0;
	v0 =	vand.u32 $0x3FFFF, v0  }
0x54: {  	[tilespmem:s2+$0x0] =	vst v0  }
0x55: {  	[tilespmem:s15], [sflag:$0x2] =	stream.indirect.gather [hbm4b:s4+s11], $0x80, s14, s11, $0xb8;
	[tilespmem:$0x1C600] =	vst v63  }
0x56: {  	_ =	swait.ge [sflag:s16], $0x8000  }
0x57: {  	p0 =	seq.s32 s25, $0x0;
	[sflag:s16] =	ssyncset.done $0x0  }
0x58: {  	s0 =	simm.s32 @!p0 $0x3;
	[sflag:s16] =	ssyncadd.s32 $0xFFFF8000  }
0x59: {  	_ =	swait.ge @!p0 [sflag:s0], $0x2000  }
0x5a: {  	s3 =	sshll.u32 s25, $0x9;
	[sflag:s0] =	ssyncset.done @!p0 $0x0  }
0x5b: {  	s30 =	sand.u32 $0x3FFFFE00, s3;
	[sflag:s0] =	ssyncadd.s32 @!p0 $0xFFFFE000  }
0x5c: {  	v12 =	vld [tilespmem:s30+$0x0]  }
0x5d: {  	v21 =	vld [tilespmem:s30+$0x10]  }
0x5e: {  	v34 =	vld [tilespmem:s30+$0xD0]  }
0x5f: {  	v26 =	vld [tilespmem:s30+$0x20]  }
0x60: {  	v0 =	vld [tilespmem:$0x1FED0]  }
0x61: {  	v32 =	vld [tilespmem:s30+$0xE0]  }
0x62: {  	v1 =	vadd.s32 $0xFFF0BE00, v12  }
0x63: {  	v2 =	vadd.s32 $0xFFF0BE00, v21;
	v3 =	vshra.s32 v34, $0xD;
	vm0 =	vgt.s32 v1, $0x0  }
0x64: {  	v33 =	vld [tilespmem:s30+$0x40];
	v13 =	vnsel vm0, $0x0, v1;
	vm0 =	vgt.s32 v2, $0x0;
	v1 =	vadd.s32 $0xFFF0BE00, v26  }
0x65: {  	v35 =	vand.u32 $0xFFFFFFE0, v3;
	v57 =	vnsel vm0, $0x0, v2;
	vm0 =	vgt.s32 v1, $0x0  }
0x66: {  	v6 =	vadd.s32 v0, v35;
	v0 =	vld [tilespmem:$0x1FE40];
	v17 =	vnsel vm0, $0x0, v1;
	v1 =	vadd.s32 $0xFFF0BE00, v32  }
0x67: {  	vm0 =	vgt.s32 v1, $0x0  }
0x68: {  	v1 =	vnsel vm0, $0x0, v1  }
0x69: {  	v37 =	vld [tilespmem:s30+$0x50];
	v38 =	vshll.u32 v1, $0x7;
	v1 =	vshra.s32 v33, $0xD  }
0x6a: {  	v1 =	vand.u32 $0xFFFFFFE0, v1  }
0x6b: {  	v9 =	vadd.s32 v0, v1;
	v0 =	vld [tilespmem:$0x1FE50];
	_ =	sdelay $0x1  }
0x6c: {  	v53 =	vld [tilespmem:s30+$0xF0]  }
0x6d: {  	v3 =	vshra.s32 v37, $0xD  }
0x6e: {  	[tilespmem:$0x1FDC0] =	vst v1;
	v1 =	vand.u32 $0xFFFFFFE0, v3  }
0x6f: {  	v19 =	vadd.s32 v0, v1;
	v0 =	vld.idx.msk [tilespmem:v38+s10+$0x0], $0xffff;
	_ =	sdelay $0x1  }
0x70: {  	v2 =	vadd.s32 $0xFFF0BE00, v53  }
0x71: {  	v39 =	vld [tilespmem:s30+$0x60];
	vm0 =	vgt.s32 v2, $0x0  }
0x72: {  	v2 =	vnsel vm0, $0x0, v2  }
0x73: {  	v36 =	vshll.u32 v2, $0x7;
	[tilespmem:$0x1FDD0] =	vst v0;
	v0 =	vld [tilespmem:$0x1FE60]  }
0x74: {  	v4 =	vadd.s32 $0xFFF0BE00, v34  }
0x75: {  	vm0 =	vgt.s32 v4, $0x0  }
0x76: {  	v2 =	vnsel vm0, $0x0, v4;
	v4 =	vshra.s32 v39, $0xD  }
0x77: {  	[tilespmem:$0x1FDE0] =	vst v1;
	v1 =	vand.u32 $0xFFFFFFE0, v4  }
0x78: {  	v20 =	vadd.s32 v0, v1;
	v0 =	vld.idx.msk [tilespmem:v36+s10+$0x0], $0xffff;
	_ =	sdelay $0x2  }
0x79: {  	v40 =	vld [tilespmem:s30+$0x70];
	_ =	sdelay $0x1  }
0x7a: {  	[tilespmem:$0x1FD30] =	vst v0;
	v0 =	vld [tilespmem:$0x1FE70];
	_ =	sdelay $0x2  }
0x7b: {  	v5 =	vshra.s32 v40, $0xD  }
0x7c: {  	v55 =	vand.u32 $0xFFFFFFE0, v5  }
0x7d: {  	v23 =	vadd.s32 v0, v55;
	v0 =	vld.idx.msk [tilespmem:v6+s13+$0x0], $0xffff;
	_ =	sdelay $0x2  }
0x7e: {  	v41 =	vld [tilespmem:s30+$0x80];
	_ =	sdelay $0x1  }
0x7f: {  	v58 =	vshll.u32 v2, $0x7;
	[tilespmem:$0x1FDA0] =	vst v0;
	v0 =	vld [tilespmem:$0x1FE80];
	_ =	sdelay $0x2  }
0x80: {  	v8 =	vshra.s32 v41, $0xD  }
0x81: {  	[tilespmem:$0x1FDF0] =	vst v1;
	v1 =	vand.u32 $0xFFFFFFE0, v8  }
0x82: {  	v24 =	vadd.s32 v0, v1;
	v0 =	vld.idx.msk [tilespmem:v58+s10+$0x0], $0xffff;
	_ =	sdelay $0x2  }
0x83: {  	v42 =	vld [tilespmem:s30+$0x90];
	_ =	sdelay $0x1  }
0x84: {  	[tilespmem:$0x1FDB0] =	vst v0;
	v0 =	vld [tilespmem:$0x1FE90];
	_ =	sdelay $0x2  }
0x85: {  	v22 =	vshra.s32 v42, $0xD  }
0x86: {  	v62 =	vand.u32 $0xFFFFFFE0, v22  }
0x87: {  	v25 =	vadd.s32 v0, v62;
	v0 =	vld.idx.msk [tilespmem:v9+s13+$0x0], $0xffff;
	_ =	sdelay $0x2  }
0x88: {  	v44 =	vld [tilespmem:s30+$0xA0];
	_ =	sdelay $0x1  }
0x89: {  	[tilespmem:$0x1FD40] =	vst v0;
	v0 =	vld [tilespmem:$0x1FEA0];
	_ =	sdelay $0x2  }
0x8a: {  	v8 =	vshra.s32 v44, $0xD  }
0x8b: {  	v60 =	vand.u32 $0xFFFFFFE0, v8  }
0x8c: {  	v50 =	vadd.s32 v0, v60;
	v0 =	vld.idx.msk [tilespmem:v19+s13+$0x0], $0xffff;
	_ =	sdelay $0x2  }
0x8d: {  	v43 =	vld [tilespmem:s30+$0xB0];
	_ =	sdelay $0x1  }
0x8e: {  	[tilespmem:$0x1FD50] =	vst v0;
	v0 =	vld [tilespmem:$0x1FEB0];
	_ =	sdelay $0x2  }
0x8f: {  	v52 =	vld [tilespmem:s30+$0xC0];
	v22 =	vshra.s32 v43, $0xD  }
0x90: {  	v56 =	vand.u32 $0xFFFFFFE0, v22  }
0x91: {  	v51 =	vadd.s32 v0, v56;
	v0 =	vld [tilespmem:$0x1FEC0];
	_ =	sdelay $0x2  }
0x92: {  	v27 =	vshra.s32 v52, $0xD  }
0x93: {  	v45 =	vand.u32 $0xFFFFFFE0, v27;
	v27 =	vld.idx.msk [tilespmem:v20+s13+$0x0], $0xffff  }
0x94: {  	v20 =	vadd.s32 v0, v45;
	v0 =	vld.idx.msk [tilespmem:v23+s13+$0x0], $0xffff;
	_ =	sdelay $0x4  }
0x95: {  	[tilespmem:$0x1FD60] =	vst v0;
	v0 =	vld [tilespmem:$0x1FFE0];
	_ =	sdelay $0x2  }
0x96: {  	v11 =	vshra.s32 v12, $0xD  }
0x97: {  	v11 =	vand.u32 $0xFFFFFFE0, v11  }
0x98: {  	v46 =	vadd.s32 v0, v11;
	v0 =	vld [tilespmem:$0x1FE20];
	_ =	sdelay $0x2  }
0x99: {  	v16 =	vshra.s32 v26, $0xD  }
0x9a: {  	v47 =	vand.u32 $0xFFFFFFE0, v16  }
0x9b: {  	v16 =	vadd.s32 v0, v47;
	v0 =	vld.idx.msk [tilespmem:v25+s13+$0x0], $0xffff;
	_ =	sdelay $0x2  }
0x9c: {  	v28 =	vld [tilespmem:s30+$0x30];
	_ =	sdelay $0x1  }
0x9d: {  	[tilespmem:$0x1FD70] =	vst v0;
	v0 =	vld [tilespmem:$0x1FE30];
	_ =	sdelay $0x2  }
0x9e: {  	v18 =	vshra.s32 v28, $0xD  }
0x9f: {  	v14 =	vshra.s32 v21, $0xD;
	v48 =	vand.u32 $0xFFFFFFE0, v18  }
0xa0: {  	v49 =	vand.u32 $0xFFFFFFE0, v14;
	v14 =	vadd.s32 v0, v48;
	v0 =	vld.idx.msk [tilespmem:v50+s13+$0x0], $0xffff;
	_ =	sdelay $0x4  }
0xa1: {  	[tilespmem:$0x1FD80] =	vst v0;
	v0 =	vld [tilespmem:$0x1FE10];
	_ =	sdelay $0x4  }
0xa2: {  	v61 =	vadd.s32 v0, v49;
	v0 =	vld.idx.msk [tilespmem:v51+s13+$0x0], $0xffff;
	_ =	sdelay $0x4  }
0xa3: {  	v19 =	vadd.s32 $0xFFF0BE00, v28;
	[tilespmem:$0x1FD90] =	vst v0;
	v0 =	vld [tilespmem:$0x1FEE0]  }
0xa4: {  	v59 =	vadd.s32 $0xFFF0BE00, v39;
	v57 =	vshll.u32 v57, $0x7;
	vm0 =	vgt.s32 v19, $0x0  }
0xa5: {  	v18 =	vshra.s32 v32, $0xD;
	v19 =	vnsel vm0, $0x0, v19;
	v11 =	vadd.s32 $0xFFF0BE00, v33  }
0xa6: {  	v63 =	vshll.u32 v19, $0x7;
	v23 =	vld.idx.msk [tilespmem:v20+s13+$0x0], $0xffff;
	v20 =	vadd.s32 $0xFFF0BE00, v37;
	vm0 =	vgt.s32 v11, $0x0  }
0xa7: {  	v11 =	vnsel vm0, $0x0, v11;
	vm0 =	vgt.s32 v20, $0x0;
	v15 =	vld.idx.msk [tilespmem:v16+s13+$0x0], $0xffff;
	v50 =	vand.u32 $0xFFFFFFE0, v18  }
0xa8: {  	v16 =	vnsel vm0, $0x0, v20;
	vm0 =	vgt.s32 v59, $0x0;
	v18 =	vadd.s32 v0, v50;
	v0 =	vld [tilespmem:$0x1FEF0]  }
0xa9: {  	v54 =	vshra.s32 v53, $0xD;
	v6 =	vld.idx.msk [tilespmem:v57+s10+$0x0], $0xffff;
	v20 =	vnsel vm0, $0x0, v59;
	v59 =	vshll.u32 v17, $0x7  }
0xaa: {  	v24 =	vld.idx.msk [tilespmem:v24+s13+$0x0], $0xffff;
	v51 =	vand.u32 $0xFFFFFFE0, v54;
	v54 =	vshll.u32 v13, $0x7;
	v13 =	vadd.s32 $0xFFF0BE00, v40  }
0xab: {  	v31 =	vld.idx.msk [tilespmem:v14+s13+$0x0], $0xffff;
	v14 =	vadd.s32 $0xFFF0BE00, v41;
	vm0 =	vgt.s32 v13, $0x0  }
0xac: {  	v19 =	vadd.s32 $0xFFF0BE00, v42;
	v3 =	vld.idx.msk [tilespmem:v63+s10+$0x0], $0xffff;
	v17 =	vnsel vm0, $0x0, v13;
	vm0 =	vgt.s32 v14, $0x0  }
0xad: {  	v13 =	vshll.u32 v11, $0x7;
	v29 =	vadd.s32 v0, v51;
	v22 =	vld.idx.msk [tilespmem:v18+s13+$0x0], $0xffff;
	v18 =	vnsel vm0, $0x0, v14  }
0xae: {  	v30 =	vld.idx.msk [tilespmem:v46+s13+$0x0], $0xffff;
	v14 =	vshll.u32 v16, $0x7;
	vm0 =	vgt.s32 v19, $0x0;
	v16 =	vadd.s32 $0xFFF0BE00, v44  }
0xaf: {  	v25 =	vshll.u32 v20, $0x7;
	v5 =	vld.idx.msk [tilespmem:v59+s10+$0x0], $0xffff;
	v19 =	vnsel vm0, $0x0, v19;
	vm0 =	vgt.s32 v16, $0x0  }
0xb0: {  	v61 =	vld.idx.msk [tilespmem:v61+s13+$0x0], $0xffff;
	v20 =	vnsel vm0, $0x0, v16;
	v16 =	vshll.u32 v18, $0x7;
	v18 =	vadd.s32 $0xFFF0BE00, v43  }
0xb1: {  	v7 =	vld.idx.msk [tilespmem:v54+s10+$0x0], $0xffff;
	vm0 =	vgt.s32 v18, $0x0  }
0xb2: {  	v2 =	vld.idx.msk [tilespmem:v13+s10+$0x0], $0xffff;
	v0 =	vnsel vm0, $0x0, v18;
	v18 =	vshll.u32 v20, $0x7  }
0xb3: {  	v8 =	vld.idx.msk [tilespmem:v29+s13+$0x0], $0xffff;
	v29 =	vshll.u32 v17, $0x7;
	v17 =	vshll.u32 v19, $0x7;
	v19 =	vadd.s32 $0xFFF0BE00, v52  }
0xb4: {  	[tilespmem:$0x1FE00] =	vst v1;
	v1 =	vld.idx.msk [tilespmem:v14+s10+$0x0], $0xffff;
	vm0 =	vgt.s32 v19, $0x0  }
0xb5: {  	v20 =	vnsel vm0, $0x0, v19;
	v19 =	vshll.u32 v0, $0x7;
	v0 =	vld.idx.msk [tilespmem:v25+s10+$0x0], $0xffff  }
0xb6: {  	v9 =	vld.idx.msk [tilespmem:v16+s10+$0x0], $0xffff  }
0xb7: {  	vm0 =	vgt.s32 v12, $0xF41FF;
	v12 =	vld [tilespmem:$0x1FD30];
	v20 =	vshll.u32 v20, $0x7  }
0xb8: {  	v11 =	vld.idx.msk [tilespmem:v18+s10+$0x0], $0xffff  }
0xb9: {  	v4 =	vld.idx.msk [tilespmem:v29+s10+$0x0], $0xffff  }
0xba: {  	v10 =	vld.idx.msk [tilespmem:v17+s10+$0x0], $0xffff  }
0xbb: {  	vm1 =	vgt.s32 v53, $0xF41FF;
	vm6 =	vgt.s32 v28, $0xF41FF;
	v53 =	vld.idx.msk [tilespmem:v19+s10+$0x0], $0xffff  }
0xbc: {  	s31 =	simm.s32 $0x19600;
	v3 =	vsel vm6, v3, v31;
	v8 =	vsel vm1, v12, v8;
	v12 =	vld.idx.msk [tilespmem:v20+s10+$0x0], $0xffff  }
0xbd: {  	[tilespmem:s31+$0xFFFFF030] =	vst v3;
	v3 =	vld [tilespmem:$0x1FD50];
	_ =	sdelay $0x3  }
0xbe: {  	vm12 =	vgt.s32 v37, $0xF41FF  }
0xbf: {  	vm13 =	vgt.s32 v39, $0xF41FF;
	v1 =	vsel vm12, v1, v3  }
0xc0: {  	vm10 =	vgt.s32 v41, $0xF41FF;
	v0 =	vsel vm13, v0, v27;
	[tilespmem:s31+$0xFFFFF050] =	vst v1;
	v1 =	vld [tilespmem:$0x1FFC0]  }
0xc1: {  	[tilespmem:s31+$0xFFFFF060] =	vst v0;
	v0 =	vsel vm10, v9, v24  }
0xc2: {  	[tilespmem:s31+$0x0] =	vst v0;
	v0 =	vld [tilespmem:$0x1FD80];
	_ =	sdelay $0x2  }
0xc3: {  	vm4 =	vgt.s32 v26, $0xF41FF;
	v31 =	vadd.s32 v1, v35;
	v1 =	vld [tilespmem:$0x1FD60]  }
0xc4: {  	vm11 =	vgt.s32 v44, $0xF41FF;
	v5 =	vsel vm4, v5, v15  }
0xc5: {  	vm3 =	vgt.s32 v52, $0xF41FF;
	[tilespmem:s31+$0xFFFFF020] =	vst v5;
	v0 =	vsel vm11, v11, v0  }
0xc6: {  	v5 =	vld [tilespmem:$0x1FD40];
	[tilespmem:s31+$0x20] =	vst v0;
	v0 =	vsel vm3, v12, v23  }
0xc7: {  	vm9 =	vgt.s32 v40, $0xF41FF;
	[tilespmem:s31+$0x40] =	vst v0;
	v0 =	vld [tilespmem:$0x1FDA0]  }
0xc8: {  	v1 =	vsel vm9, v4, v1;
	v4 =	vld [tilespmem:$0x1FDB0];
	_ =	sdelay $0x2  }
0xc9: {  	vm8 =	vgt.s32 v33, $0xF41FF  }
0xca: {  	vm5 =	vgt.s32 v34, $0xF41FF;
	v2 =	vsel vm8, v2, v5;
	v5 =	vld [tilespmem:$0x1FDC0]  }
0xcb: {  	vm2 =	vgt.s32 v21, $0xF41FF;
	v0 =	vsel vm5, v4, v0;
	v4 =	vld [tilespmem:$0x1FF30]  }
0xcc: {  	v6 =	vsel vm2, v6, v61  }
0xcd: {  	[tilespmem:s31+$0xFFFFF010] =	vst v6;
	v6 =	vld [tilespmem:$0x1FDE0]  }
0xce: {  	v9 =	vld [tilespmem:$0x1FF10]  }
0xcf: {  	[tilespmem:s31+$0x50] =	vst v0;
	v0 =	vld [tilespmem:$0x1FF40]  }
0xd0: {  	v37 =	vadd.s32 v4, v5;
	v4 =	vld [tilespmem:$0x1FDD0];
	_ =	sdelay $0x2  }
0xd1: {  	[tilespmem:s31+$0xFFFFF070] =	vst v1;
	v1 =	vld [tilespmem:$0x1FD70]  }
0xd2: {  	vm15 =	vgt.s32 v32, $0xF41FF;
	v47 =	vadd.s32 v9, v47;
	v9 =	vld [tilespmem:$0x1FF20]  }
0xd3: {  	v35 =	vor.u32 $0x1, v38;
	v38 =	vadd.s32 v0, v6;
	v6 =	vld [tilespmem:$0x1FDF0];
	v4 =	vsel vm15, v4, v22  }
0xd4: {  	[tilespmem:s31+$0x60] =	vst v4;
	v4 =	vld [tilespmem:$0x1FF50]  }
0xd5: {  	vm14 =	vgt.s32 v42, $0xF41FF  }
0xd6: {  	v1 =	vsel vm14, v10, v1  }
0xd7: {  	[tilespmem:s31+$0x10] =	vst v1;
	v1 =	vld [tilespmem:$0x1FD90]  }
0xd8: {  	s0 =	simm.s32 $0x0;
	v36 =	vor.u32 $0x1, v36;
	v48 =	vadd.s32 v9, v48;
	v9 =	vld [tilespmem:$0x1FF00]  }
0xd9: {  	v3 =	vadd.s32 s0, v36;
	v39 =	vadd.s32 v4, v6;
	v4 =	vld [tilespmem:$0x1FF60]  }
0xda: {  	v7 =	vsel vm0, v7, v30;
	[tilespmem:s31+$0x70] =	vst v8  }
0xdb: {  	vm7 =	vgt.s32 v43, $0xF41FF;
	[tilespmem:s31+$0xFFFFF000] =	vst v7  }
0xdc: {  	[tilespmem:s31+$0xFFFFF040] =	vst v2;
	v1 =	vsel vm7, v53, v1  }
0xdd: {  	v49 =	vadd.s32 v9, v49;
	v9 =	vld [tilespmem:$0x1FFD0];
	[tilespmem:s31+$0x30] =	vst v1  }
0xde: {  	v40 =	vadd.s32 v4, v55;
	v55 =	vld.idx.msk [tilespmem:v3+s10+$0x0], $0xffff  }
0xdf: {  	v3 =	vld [tilespmem:$0x1FF70]  }
0xe0: {  	v4 =	vld [tilespmem:$0x1FE00]  }
0xe1: {  	v2 =	vadd.s32 s0, v35;
	_ =	sdelay $0x2  }
0xe2: {  	v50 =	vadd.s32 v9, v50;
	v9 =	vld [tilespmem:$0x1FFF0]  }
0xe3: {  	v33 =	vor.u32 $0x1, v58;
	v41 =	vadd.s32 v3, v4;
	v3 =	vld [tilespmem:$0x1FF80]  }
0xe4: {  	v5 =	vadd.s32 s0, v33;
	v11 =	vld.idx.msk [tilespmem:v2+s10+$0x0], $0xffff  }
0xe5: {  	v2 =	vadd.s32 s0, v38;
	v4 =	vld [tilespmem:$0x1FFA0]  }
0xe6: {  	v52 =	vor.u32 $0x1, v54;
	v54 =	vor.u32 $0x1, v59  }
0xe7: {  	v51 =	vadd.s32 v9, v51;
	v9 =	vadd.s32 s0, v54  }
0xe8: {  	v0 =	vadd.s32 s0, v37;
	v42 =	vadd.s32 v3, v62;
	v3 =	vld [tilespmem:$0x1FF90]  }
0xe9: {  	v1 =	vadd.s32 s0, v31;
	v34 =	vld.idx.msk [tilespmem:v5+s10+$0x0], $0xffff  }
0xea: {  	v5 =	vadd.s32 s0, v41;
	v44 =	vadd.s32 v4, v56;
	v4 =	vld.idx.msk [tilespmem:v2+s13+$0x0], $0xffff  }
0xeb: {  	v53 =	vor.u32 $0x1, v57;
	v57 =	vor.u32 $0x1, v63;
	v6 =	vadd.s32 s0, v39;
	v2 =	vld [tilespmem:$0x1FFB0]  }
0xec: {  	v63 =	vor.u32 $0x1, v14;
	v15 =	vadd.s32 s0, v57;
	v14 =	vld.idx.msk [tilespmem:v9+s10+$0x0], $0xffff  }
0xed: {  	v43 =	vadd.s32 v3, v60;
	v3 =	vld.idx.msk [tilespmem:v0+s13+$0x0], $0xffff;
	v0 =	vadd.s32 s0, v42  }
0xee: {  	v46 =	vor.u32 $0x1, v46;
	v32 =	vld.idx.msk [tilespmem:v1+s13+$0x0], $0xffff;
	v7 =	vadd.s32 s0, v43  }
0xef: {  	v61 =	vld.idx.msk [tilespmem:v5+s13+$0x0], $0xffff;
	v5 =	vadd.s32 s0, v46  }
0xf0: {  	v45 =	vadd.s32 v2, v45;
	v2 =	vld.idx.msk [tilespmem:v6+s13+$0x0], $0xffff;
	v6 =	vadd.s32 s0, v44  }
0xf1: {  	v15 =	vld.idx.msk [tilespmem:v15+s10+$0x0], $0xffff;
	v8 =	vadd.s32 s0, v45  }
0xf2: {  	v62 =	vld.idx.msk [tilespmem:v0+s13+$0x0], $0xffff;
	v0 =	vadd.s32 s0, v47  }
0xf3: {  	v60 =	vld.idx.msk [tilespmem:v7+s13+$0x0], $0xffff;
	v7 =	vadd.s32 s0, v48  }
0xf4: {  	v22 =	vld.idx.msk [tilespmem:v5+s13+$0x0], $0xffff;
	v5 =	vadd.s32 s0, v51  }
0xf5: {  	v58 =	vld.idx.msk [tilespmem:v6+s13+$0x0], $0xffff;
	v6 =	vadd.s32 s0, v49  }
0xf6: {  	v56 =	vld.idx.msk [tilespmem:v8+s13+$0x0], $0xffff;
	v8 =	vadd.s32 s0, v50  }
0xf7: {  	v12 =	vld.idx.msk [tilespmem:v0+s13+$0x0], $0xffff;
	v0 =	vadd.s32 s0, v52  }
0xf8: {  	v21 =	vld.idx.msk [tilespmem:v7+s13+$0x0], $0xffff;
	v7 =	vadd.s32 s0, v53  }
0xf9: {  	v59 =	vor.u32 $0x1, v13;
	v1 =	vadd.s32 s0, v40;
	v13 =	vld.idx.msk [tilespmem:v5+s13+$0x0], $0xffff  }
0xfa: {  	v30 =	vadd.s32 s0, v63;
	v23 =	vld.idx.msk [tilespmem:v6+s13+$0x0], $0xffff  }
0xfb: {  	v28 =	vadd.s32 s0, v59;
	v5 =	vor.u32 $0x1, v25;
	v27 =	vld.idx.msk [tilespmem:v8+s13+$0x0], $0xffff  }
0xfc: {  	v26 =	vadd.s32 s0, v5;
	v6 =	vor.u32 $0x1, v29;
	v24 =	vld.idx.msk [tilespmem:v0+s10+$0x0], $0xffff  }
0xfd: {  	v9 =	vor.u32 $0x1, v19;
	v19 =	vadd.s32 s0, v6;
	v0 =	vor.u32 $0x1, v16;
	v25 =	vld.idx.msk [tilespmem:v7+s10+$0x0], $0xffff  }
0xfe: {  	v10 =	vor.u32 $0x1, v18;
	v1 =	vld.idx.msk [tilespmem:v1+s13+$0x0], $0xffff;
	v8 =	vor.u32 $0x1, v17;
	v18 =	vadd.s32 s0, v0  }
0xff: {  	v17 =	vld.idx.msk [tilespmem:v30+s10+$0x0], $0xffff;
	v7 =	vor.u32 $0x1, v20;
	v20 =	vadd.s32 s0, v8  }
0x100: {  	s3 =	simm.s32 $0x2;
	s2 =	simm.s32 $0x1;
	v16 =	vld.idx.msk [tilespmem:v28+s10+$0x0], $0xffff;
	v11 =	vsel vm15, v11, v27;
	v27 =	vadd.s32 s0, v10  }
.LBB2_5:
0x101: {  	p1 =	sne.s32 s3, $0x1F;
	v26 =	vld.idx.msk [tilespmem:v26+s10+$0x0], $0xffff;
	v22 =	vsel vm0, v24, v22;
	v24 =	vadd.s32 s0, v9  }
0x102: {  	v23 =	vsel vm2, v25, v23;
	v25 =	vadd.s32 s0, v7;
	s0 =	smov.u32 s2;
	s2 =	smov.u32 s3;
	v19 =	vld.idx.msk [tilespmem:v19+s10+$0x0], $0xffff  }
0x103: {  	v12 =	vsel vm4, v14, v12;
	v18 =	vld.idx.msk [tilespmem:v18+s10+$0x0], $0xffff  }
0x104: {  	v15 =	vsel vm6, v15, v21;
	v14 =	vld.idx.msk [tilespmem:v20+s10+$0x0], $0xffff  }
0x105: {  	v3 =	vsel vm8, v16, v3;
	v20 =	vld.idx.msk [tilespmem:v27+s10+$0x0], $0xffff  }
0x106: {  	v13 =	vsel vm1, v55, v13;
	s31 =	sadd.s32 $0x80, s31;
	v4 =	vsel vm12, v17, v4;
	v16 =	vld.idx.msk [tilespmem:v24+s10+$0x0], $0xffff  }
0x107: {  	v2 =	vsel vm13, v26, v2;
	v17 =	vld.idx.msk [tilespmem:v25+s10+$0x0], $0xffff;
	[tilespmem:s31+$0x70] =	vst v13  }
0x108: {  	v1 =	vsel vm9, v19, v1;
	[tilespmem:s31+$0xFFFFF000] =	vst v22  }
0x109: {  	v13 =	vsel vm10, v18, v61;
	[tilespmem:s31+$0xFFFFF010] =	vst v23  }
0x10a: {  	[tilespmem:s31+$0xFFFFF020] =	vst v12;
	v12 =	vsel vm14, v14, v62  }
0x10b: {  	v14 =	vsel vm11, v20, v60;
	[tilespmem:s31+$0xFFFFF030] =	vst v15  }
0x10c: {  	[tilespmem:s31+$0xFFFFF040] =	vst v3;
	v3 =	vsel vm7, v16, v58  }
0x10d: {  	[tilespmem:s31+$0xFFFFF050] =	vst v4;
	v4 =	vsel vm3, v17, v56  }
0x10e: {  	[tilespmem:s31+$0xFFFFF060] =	vst v2  }
0x10f: {  	[tilespmem:s31+$0xFFFFF070] =	vst v1  }
0x110: {  	[tilespmem:s31+$0x0] =	vst v13  }
0x111: {  	[tilespmem:s31+$0x10] =	vst v12  }
0x112: {  	v1 =	vadd.s32 s0, v35;
	[tilespmem:s31+$0x20] =	vst v14  }
0x113: {  	v2 =	vadd.s32 s0, v36;
	[tilespmem:s31+$0x30] =	vst v3  }
0x114: {  	v3 =	vadd.s32 s0, v31;
	[tilespmem:s31+$0x40] =	vst v4;
	v4 =	vsel vm5, v34, v32  }
0x115: {  	v12 =	vadd.s32 s0, v33;
	[tilespmem:s31+$0x50] =	vst v4  }
0x116: {  	v4 =	vadd.s32 s0, v37;
	[tilespmem:s31+$0x60] =	vst v11  }
0x117: {  	v11 =	vld.idx.msk [tilespmem:v1+s10+$0x0], $0xffff;
	v1 =	vadd.s32 s0, v38  }
0x118: {  	v55 =	vld.idx.msk [tilespmem:v2+s10+$0x0], $0xffff;
	v2 =	vadd.s32 s0, v39  }
0x119: {  	v13 =	vadd.s32 s0, v40;
	v32 =	vld.idx.msk [tilespmem:v3+s13+$0x0], $0xffff  }
0x11a: {  	v34 =	vld.idx.msk [tilespmem:v12+s10+$0x0], $0xffff;
	v12 =	vadd.s32 s0, v41  }
0x11b: {  	v14 =	vadd.s32 s0, v42;
	v3 =	vld.idx.msk [tilespmem:v4+s13+$0x0], $0xffff  }
0x11c: {  	v15 =	vadd.s32 s0, v43;
	v4 =	vld.idx.msk [tilespmem:v1+s13+$0x0], $0xffff  }
0x11d: {  	v16 =	vadd.s32 s0, v44;
	v2 =	vld.idx.msk [tilespmem:v2+s13+$0x0], $0xffff  }
0x11e: {  	v1 =	vld.idx.msk [tilespmem:v13+s13+$0x0], $0xffff;
	v13 =	vadd.s32 s0, v45  }
0x11f: {  	v61 =	vld.idx.msk [tilespmem:v12+s13+$0x0], $0xffff;
	v12 =	vadd.s32 s0, v46  }
0x120: {  	v62 =	vld.idx.msk [tilespmem:v14+s13+$0x0], $0xffff;
	v14 =	vadd.s32 s0, v47  }
0x121: {  	v60 =	vld.idx.msk [tilespmem:v15+s13+$0x0], $0xffff;
	v15 =	vadd.s32 s0, v48  }
0x122: {  	v58 =	vld.idx.msk [tilespmem:v16+s13+$0x0], $0xffff;
	v16 =	vadd.s32 s0, v49  }
0x123: {  	v56 =	vld.idx.msk [tilespmem:v13+s13+$0x0], $0xffff;
	v13 =	vadd.s32 s0, v50  }
0x124: {  	v17 =	vadd.s32 s0, v51;
	v22 =	vld.idx.msk [tilespmem:v12+s13+$0x0], $0xffff  }
0x125: {  	v12 =	vld.idx.msk [tilespmem:v14+s13+$0x0], $0xffff;
	v14 =	vadd.s32 s0, v52  }
0x126: {  	v21 =	vld.idx.msk [tilespmem:v15+s13+$0x0], $0xffff;
	v15 =	vadd.s32 s0, v53  }
0x127: {  	v23 =	vld.idx.msk [tilespmem:v16+s13+$0x0], $0xffff;
	v16 =	vadd.s32 s0, v54  }
0x128: {  	v18 =	vadd.s32 s0, v57;
	v20 =	vld.idx.msk [tilespmem:v13+s13+$0x0], $0xffff  }
0x129: {  	v13 =	vld.idx.msk [tilespmem:v17+s13+$0x0], $0xffff;
	v17 =	vadd.s32 s0, v59  }
0x12a: {  	v27 =	vadd.s32 s0, v63;
	v24 =	vld.idx.msk [tilespmem:v14+s10+$0x0], $0xffff  }
.Ltmp1:
0x12b: {  	v26 =	vadd.s32 s0, v5;
	v25 =	vld.idx.msk [tilespmem:v15+s10+$0x0], $0xffff;
	(pc) =	sbr.rel @p1 .LBB2_5-.Ltmp1, $4  }
0x12c: {  	v19 =	vadd.s32 s0, v6;
	v14 =	vld.idx.msk [tilespmem:v16+s10+$0x0], $0xffff  }
0x12d: {  	v15 =	vld.idx.msk [tilespmem:v18+s10+$0x0], $0xffff;
	v18 =	vadd.s32 s0, v0  }
0x12e: {  	v11 =	vsel vm15, v11, v20;
	v20 =	vadd.s32 s0, v8;
	v16 =	vld.idx.msk [tilespmem:v17+s10+$0x0], $0xffff  }
0x12f: {  	s3 =	sadd.s32 $0x1, s3;
	v17 =	vld.idx.msk [tilespmem:v27+s10+$0x0], $0xffff;
	v27 =	vadd.s32 s0, v10  }
0x130: {  	_ =	sdelay $0x3  }
0x131: {  	v0 =	vld.idx.msk [tilespmem:v26+s10+$0x0], $0xffff;
	v5 =	vadd.s32 s0, v9  }
0x132: {  	v6 =	vld.idx.msk [tilespmem:v19+s10+$0x0], $0xffff;
	v7 =	vadd.s32 s0, v7  }
0x133: {  	v8 =	vld.idx.msk [tilespmem:v18+s10+$0x0], $0xffff  }
0x134: {  	v52 =	vld.idx.msk [tilespmem:v20+s10+$0x0], $0xffff  }
0x135: {  	v10 =	vld.idx.msk [tilespmem:v27+s10+$0x0], $0xffff  }
0x136: {  	v13 =	vsel vm1, v55, v13;
	s0 =	sadd.s32 $0x80, s31;
	v5 =	vld.idx.msk [tilespmem:v5+s10+$0x0], $0xffff  }
0x137: {  	v53 =	vsel vm0, v24, v22;
	v7 =	vld.idx.msk [tilespmem:v7+s10+$0x0], $0xffff;
	[tilespmem:s0+$0x70] =	vst v13  }
0x138: {  	v54 =	vsel vm2, v25, v23;
	[tilespmem:s0+$0xFFFFF000] =	vst v53  }
0x139: {  	v12 =	vsel vm4, v14, v12;
	[tilespmem:s0+$0xFFFFF010] =	vst v54  }
0x13a: {  	v55 =	vsel vm6, v15, v21;
	[tilespmem:s0+$0xFFFFF020] =	vst v12  }
0x13b: {  	v3 =	vsel vm8, v16, v3;
	[tilespmem:s0+$0xFFFFF030] =	vst v55  }
0x13c: {  	s2 =	sadd.s32 s6, s29;
	v4 =	vsel vm12, v17, v4;
	[tilespmem:s0+$0xFFFFF040] =	vst v3  }
0x13d: {  	s31 =	sand.u32 $0x1, s25;
	v63 =	vsel vm5, v34, v32;
	s3 =	sand.u32 $0x7E, s2;
	[tilespmem:s0+$0xFFFFF050] =	vst v4  }
0x13e: {  	p2 =	seq.s32 s31, $0x1;
	p1 =	seq.s32 s3, $0x0;
	[tilespmem:s0+$0x50] =	vst v63  }
0x13f: {  	s29 =	simm.s32 $0x1;
	p1 =	por !p1, !p2;
	v0 =	vsel vm13, v0, v2;
	[tilespmem:s0+$0x60] =	vst v11  }
0x140: {  	s2 =	sshll.u32 s2, $0xD;
	s31 =	sshll.u32 s25, $0x13;
	p1 =	por !p1, !p1;
	v1 =	vsel vm9, v6, v1;
	[tilespmem:s0+$0xFFFFF060] =	vst v0  }
0x141: {  	s3 =	sshrl.u32 s3, $0x2;
	s2 =	sand.u32 $0x7FF00000, s2;
	v57 =	vsel vm10, v8, v61;
	s29 =	simm.s32 @!p1 $0x0;
	[tilespmem:s0+$0xFFFFF070] =	vst v1  }
0x142: {  	s31 =	sand.u32 $0x80000, s31;
	v59 =	vsel vm14, v52, v62;
	p1 =	seq.s32 s25, $0x31;
	[tilespmem:s0+$0x0] =	vst v57;
	s3 =	ssub.s32 s3, s29  }
.Ltmp2:
0x143: {  	s2 =	sor.u32 s31, s2;
	v60 =	vsel vm11, v10, v60;
	[tilespmem:s0+$0x10] =	vst v59;
	s3 =	sshll.u32 s3, $0xA;
	(pc) =	sbr.rel @!p1 .LBB2_7-.Ltmp2, $4  }
0x144: {  	[tilespmem:s0+$0x20] =	vst v60;
	s2 =	sadd.s32 s3, s2;
	v61 =	vsel vm7, v5, v58  }
0x145: {  	s2 =	sshrl.u32 s2, $0x3;
	v62 =	vsel vm3, v7, v56;
	[tilespmem:s0+$0x30] =	vst v61  }
0x146: {  	s31 =	sadd.s32 s1, s2;
	[tilespmem:s0+$0x40] =	vst v62  }
0x147: {  	[hbm4b:s31+s17] =	stream.strided.scatter [tilespmem:s19], [sflag:$0x3], $0x2000, s18, s17, $0x38;
	[tilespmem:$0x1C600] =	vst v63  }
.Ltmp3:
0x148: {  	(pc) =	sbr.rel .LBB2_10-.Ltmp3, $4  }
0x149: {  	_ = 	snop  }
0x14a: {  	_ =	swait.ge [sflag:s20], $0x8000  }
0x14b: {  	[sflag:s20] =	ssyncset.done $0x0  }
0x14c: {  	[sflag:s20] =	ssyncadd.s32 $0xFFFF8000  }
.LBB2_7:
0x14d: {  	s3 =	simm.s32 $0x0  }
0x14e: {  	s2 =	sadd.s32 $0x200, s30;
	s29 =	sand.u32 $0x80, s3  }
0x14f: {  	s3 =	sand.u32 $0x70, s3;
	s30 =	sadd.s32 s29, s2  }
0x150: {  	s3 =	sadd.s32 s3, s30  }
0x151: {  	v0 =	vld [tilespmem:s3+$0x0];
	_ =	sdelay $0x2  }
0x152: {  	s29 =	simm.s32 $0x10  }
0x153: {  	s0 =	simm.s32 $0x8400;
	s30 =	sand.u32 $0x80, s29;
	s3 =	simm.s32 $0x20  }
.LBB2_8:
0x154: {  	p1 =	sne.s32 s3, $0xF0;
	s29 =	sand.u32 $0x70, s29;
	s30 =	sadd.s32 s30, s2;
	v0 =	vand.u32 $0x3FFFF, v0  }
0x155: {  	s30 =	sadd.s32 s29, s30;
	[tilespmem:s0+$0x0] =	vst v0;
	s29 =	smov.u32 s3  }
.Ltmp4:
0x156: {  	v0 =	vld [tilespmem:s30+$0x0];
	(pc) =	sbr.rel @p1 .LBB2_8-.Ltmp4, $2  }
0x157: {  	_ =	sdelay $0x2  }
0x158: {  	s3 =	sadd.s32 $0x10, s3;
	s0 =	sadd.s32 $0x10, s0;
	s30 =	sand.u32 $0x80, s29  }
0x159: {  	s3 =	sand.u32 $0x70, s29;
	s2 =	sadd.s32 s30, s2;
	v0 =	vand.u32 $0x3FFFF, v0  }
0x15a: {  	s2 =	sadd.s32 s3, s2;
	[tilespmem:s0+$0x0] =	vst v0  }
0x15b: {  	v0 =	vld [tilespmem:s2+$0x0];
	_ =	sdelay $0x4  }
0x15c: {  	s31 =	sadd.s32 $0x10, s0;
	v0 =	vand.u32 $0x3FFFF, v0  }
.Ltmp5:
0x15d: {  	[tilespmem:s31+$0x0] =	vst v0;
	(pc) =	sbr.rel @p0 .LBB2_11-.Ltmp5, $4  }
0x15e: {  	[tilespmem:s13], [sflag:$0x1] =	stream.indirect.gather [hbm4b:s4+s11], $0x80, s12, s11, $0xb8;
	[tilespmem:$0x1C600] =	vst v63  }
0x15f: {  	_ =	swait.ge [sflag:s20], $0x8000  }
0x160: {  	[sflag:s20] =	ssyncset.done $0x0  }
0x161: {  	[sflag:s20] =	ssyncadd.s32 $0xFFFF8000  }
.LBB2_10:
0x162: {  	_ =	swait.ge [sflag:s21], $0x2000  }
0x163: {  	[sflag:s21] =	ssyncset.done $0x0  }
0x164: {  	[sflag:s21] =	ssyncadd.s32 $0xFFFFE000  }
.LBB2_11:
0x165: {  	v31 =	vld [tilespmem:s28+$0x0]  }
0x166: {  	v25 =	vld [tilespmem:s28+$0x10]  }
0x167: {  	v28 =	vld [tilespmem:s28+$0x20];
	_ =	sdelay $0x1  }
0x168: {  	v35 =	vld [tilespmem:s28+$0xE0]  }
0x169: {  	v1 =	vadd.s32 $0xFFF0BE00, v31  }
0x16a: {  	v2 =	vadd.s32 $0xFFF0BE00, v25;
	vm0 =	vgt.s32 v1, $0x0  }
0x16b: {  	v32 =	vld [tilespmem:s28+$0x40];
	v12 =	vnsel vm0, $0x0, v1;
	vm0 =	vgt.s32 v2, $0x0;
	v1 =	vadd.s32 $0xFFF0BE00, v28  }
0x16c: {  	v0 =	vnsel vm0, $0x0, v2;
	vm0 =	vgt.s32 v1, $0x0  }
0x16d: {  	v36 =	vld [tilespmem:s28+$0xD0];
	v16 =	vnsel vm0, $0x0, v1;
	v1 =	vadd.s32 $0xFFF0BE00, v35  }
0x16e: {  	vm0 =	vgt.s32 v1, $0x0  }
0x16f: {  	v1 =	vnsel vm0, $0x0, v1  }
0x170: {  	v53 =	vld [tilespmem:s28+$0xF0];
	v38 =	vshll.u32 v1, $0x7;
	v1 =	vshra.s32 v32, $0xD  }
0x171: {  	v5 =	vand.u32 $0xFFFFFFE0, v1;
	v1 =	vld [tilespmem:$0x1FE40]  }
0x172: {  	v3 =	vshra.s32 v36, $0xD  }
0x173: {  	v58 =	vand.u32 $0xFFFFFFE0, v3;
	v3 =	vld [tilespmem:$0x1FED0]  }
0x174: {  	v37 =	vld [tilespmem:s28+$0x50];
	_ =	sdelay $0x1  }
0x175: {  	v2 =	vadd.s32 $0xFFF0BE00, v53;
	v9 =	vadd.s32 v1, v5;
	v1 =	vld [tilespmem:$0x1FE50]  }
0x176: {  	v4 =	vadd.s32 $0xFFF0BE00, v36;
	vm0 =	vgt.s32 v2, $0x0  }
0x177: {  	v6 =	vadd.s32 v3, v58;
	v2 =	vnsel vm0, $0x0, v2;
	vm0 =	vgt.s32 v4, $0x0  }
0x178: {  	v3 =	vshra.s32 v37, $0xD;
	v34 =	vshll.u32 v2, $0x7;
	v2 =	vnsel vm0, $0x0, v4  }
0x179: {  	v60 =	vshll.u32 v2, $0x7;
	v2 =	vand.u32 $0xFFFFFFE0, v3  }
0x17a: {  	v18 =	vadd.s32 v1, v2;
	v1 =	vld.idx.msk [tilespmem:v38+s10+$0x0], $0xffff;
	_ =	sdelay $0x2  }
0x17b: {  	v39 =	vld [tilespmem:s28+$0x60];
	_ =	sdelay $0x1  }
0x17c: {  	[tilespmem:$0x1FCE0] =	vst v1;
	v1 =	vld [tilespmem:$0x1FE60];
	_ =	sdelay $0x2  }
0x17d: {  	v4 =	vshra.s32 v39, $0xD  }
0x17e: {  	[tilespmem:$0x1FCF0] =	vst v2;
	v2 =	vand.u32 $0xFFFFFFE0, v4  }
0x17f: {  	v19 =	vadd.s32 v1, v2;
	v1 =	vld.idx.msk [tilespmem:v34+s10+$0x0], $0xffff;
	_ =	sdelay $0x2  }
0x180: {  	v40 =	vld [tilespmem:s28+$0x70];
	_ =	sdelay $0x1  }
0x181: {  	[tilespmem:$0x1FC40] =	vst v1;
	v1 =	vld [tilespmem:$0x1FE70];
	_ =	sdelay $0x2  }
0x182: {  	[tilespmem:$0x1FCD0] =	vst v5;
	v5 =	vshra.s32 v40, $0xD  }
0x183: {  	v55 =	vand.u32 $0xFFFFFFE0, v5  }
0x184: {  	v22 =	vadd.s32 v1, v55;
	v1 =	vld.idx.msk [tilespmem:v6+s15+$0x0], $0xffff;
	_ =	sdelay $0x2  }
0x185: {  	v41 =	vld [tilespmem:s28+$0x80];
	_ =	sdelay $0x1  }
0x186: {  	[tilespmem:$0x1FCB0] =	vst v1;
	v1 =	vld [tilespmem:$0x1FE80];
	_ =	sdelay $0x2  }
0x187: {  	v8 =	vshra.s32 v41, $0xD  }
0x188: {  	[tilespmem:$0x1FD00] =	vst v2;
	v2 =	vand.u32 $0xFFFFFFE0, v8  }
0x189: {  	v23 =	vadd.s32 v1, v2;
	v1 =	vld.idx.msk [tilespmem:v60+s10+$0x0], $0xffff;
	_ =	sdelay $0x2  }
0x18a: {  	v42 =	vld [tilespmem:s28+$0x90];
	_ =	sdelay $0x1  }
0x18b: {  	[tilespmem:$0x1FCC0] =	vst v1;
	v1 =	vld [tilespmem:$0x1FE90];
	_ =	sdelay $0x2  }
0x18c: {  	v20 =	vshra.s32 v42, $0xD  }
0x18d: {  	[tilespmem:$0x1FD10] =	vst v2;
	v2 =	vand.u32 $0xFFFFFFE0, v20  }
0x18e: {  	v24 =	vadd.s32 v1, v2;
	v1 =	vld.idx.msk [tilespmem:v9+s15+$0x0], $0xffff;
	_ =	sdelay $0x2  }
0x18f: {  	v44 =	vld [tilespmem:s28+$0xA0];
	_ =	sdelay $0x1  }
0x190: {  	[tilespmem:$0x1FC50] =	vst v1;
	v1 =	vld [tilespmem:$0x1FEA0];
	_ =	sdelay $0x2  }
0x191: {  	v8 =	vshra.s32 v44, $0xD  }
0x192: {  	v61 =	vand.u32 $0xFFFFFFE0, v8  }
0x193: {  	v27 =	vadd.s32 v1, v61;
	v1 =	vld.idx.msk [tilespmem:v18+s15+$0x0], $0xffff;
	_ =	sdelay $0x2  }
0x194: {  	v43 =	vld [tilespmem:s28+$0xB0];
	_ =	sdelay $0x1  }
0x195: {  	[tilespmem:$0x1FC60] =	vst v1;
	v1 =	vld [tilespmem:$0x1FEB0];
	_ =	sdelay $0x2  }
0x196: {  	v20 =	vshra.s32 v43, $0xD  }
0x197: {  	v59 =	vand.u32 $0xFFFFFFE0, v20  }
0x198: {  	v20 =	vadd.s32 v1, v59;
	v1 =	vld.idx.msk [tilespmem:v19+s15+$0x0], $0xffff;
	_ =	sdelay $0x2  }
0x199: {  	v52 =	vld [tilespmem:s28+$0xC0];
	_ =	sdelay $0x1  }
0x19a: {  	[tilespmem:$0x1FC70] =	vst v1;
	v1 =	vld [tilespmem:$0x1FEC0];
	_ =	sdelay $0x2  }
0x19b: {  	v26 =	vshra.s32 v52, $0xD  }
0x19c: {  	v45 =	vand.u32 $0xFFFFFFE0, v26  }
0x19d: {  	v19 =	vadd.s32 v1, v45;
	v1 =	vld.idx.msk [tilespmem:v22+s15+$0x0], $0xffff;
	_ =	sdelay $0x4  }
0x19e: {  	[tilespmem:$0x1FC80] =	vst v1;
	v1 =	vld [tilespmem:$0x1FFE0];
	_ =	sdelay $0x2  }
0x19f: {  	v11 =	vshra.s32 v31, $0xD  }
0x1a0: {  	v11 =	vand.u32 $0xFFFFFFE0, v11  }
0x1a1: {  	v46 =	vadd.s32 v1, v11;
	v1 =	vld [tilespmem:$0x1FE20];
	_ =	sdelay $0x2  }
0x1a2: {  	v33 =	vld [tilespmem:s28+$0x30];
	v15 =	vshra.s32 v28, $0xD  }
0x1a3: {  	v47 =	vand.u32 $0xFFFFFFE0, v15  }
0x1a4: {  	v15 =	vadd.s32 v1, v47;
	v1 =	vld [tilespmem:$0x1FE30];
	_ =	sdelay $0x2  }
0x1a5: {  	v17 =	vshra.s32 v33, $0xD  }
0x1a6: {  	v13 =	vshra.s32 v25, $0xD;
	v48 =	vand.u32 $0xFFFFFFE0, v17  }
0x1a7: {  	v49 =	vand.u32 $0xFFFFFFE0, v13;
	v13 =	vadd.s32 v1, v48;
	v1 =	vld.idx.msk [tilespmem:v27+s15+$0x0], $0xffff;
	_ =	sdelay $0x4  }
0x1a8: {  	[tilespmem:$0x1FC90] =	vst v1;
	v1 =	vld [tilespmem:$0x1FE10];
	_ =	sdelay $0x4  }
0x1a9: {  	v30 =	vadd.s32 v1, v49;
	v1 =	vld.idx.msk [tilespmem:v20+s15+$0x0], $0xffff  }
0x1aa: {  	v54 =	vshll.u32 v12, $0x7  }
0x1ab: {  	v56 =	vshll.u32 v0, $0x7;
	_ =	sdelay $0x2  }
0x1ac: {  	v29 =	vshra.s32 v53, $0xD;
	v18 =	vadd.s32 $0xFFF0BE00, v33;
	[tilespmem:$0x1FCA0] =	vst v1;
	v1 =	vld [tilespmem:$0x1FEE0]  }
0x1ad: {  	v57 =	vadd.s32 $0xFFF0BE00, v39;
	v7 =	vld.idx.msk [tilespmem:v54+s10+$0x0], $0xffff;
	vm0 =	vgt.s32 v18, $0x0;
	v11 =	vadd.s32 $0xFFF0BE00, v32  }
0x1ae: {  	v17 =	vshra.s32 v35, $0xD;
	v6 =	vld.idx.msk [tilespmem:v56+s10+$0x0], $0xffff;
	v18 =	vnsel vm0, $0x0, v18;
	vm0 =	vgt.s32 v11, $0x0  }
0x1af: {  	v51 =	vand.u32 $0xFFFFFFE0, v29;
	v29 =	vld.idx.msk [tilespmem:v19+s15+$0x0], $0xffff;
	v19 =	vnsel vm0, $0x0, v11;
	v11 =	vadd.s32 $0xFFF0BE00, v37  }
0x1b0: {  	v50 =	vand.u32 $0xFFFFFFE0, v17;
	v23 =	vld.idx.msk [tilespmem:v23+s15+$0x0], $0xffff;
	vm0 =	vgt.s32 v11, $0x0;
	v26 =	vshll.u32 v19, $0x7  }
0x1b1: {  	v12 =	vnsel vm0, $0x0, v11;
	vm0 =	vgt.s32 v57, $0x0;
	v17 =	vadd.s32 v1, v50;
	v1 =	vld [tilespmem:$0x1FEF0]  }
0x1b2: {  	v63 =	vld.idx.msk [tilespmem:v15+s15+$0x0], $0xffff;
	v15 =	vnsel vm0, $0x0, v57  }
0x1b3: {  	v24 =	vld.idx.msk [tilespmem:v24+s15+$0x0], $0xffff;
	v27 =	vshll.u32 v15, $0x7  }
0x1b4: {  	v62 =	vld.idx.msk [tilespmem:v46+s15+$0x0], $0xffff  }
0x1b5: {  	v5 =	vadd.s32 $0xFFF0BE00, v41;
	v21 =	vld.idx.msk [tilespmem:v13+s15+$0x0], $0xffff;
	v13 =	vadd.s32 $0xFFF0BE00, v40  }
0x1b6: {  	v19 =	vadd.s32 $0xFFF0BE00, v44;
	v3 =	vld.idx.msk [tilespmem:v26+s10+$0x0], $0xffff;
	vm0 =	vgt.s32 v13, $0x0;
	v20 =	vadd.s32 v1, v51  }
0x1b7: {  	v57 =	vshll.u32 v16, $0x7;
	v16 =	vnsel vm0, $0x0, v13;
	v14 =	vld.idx.msk [tilespmem:v30+s15+$0x0], $0xffff;
	v30 =	vshll.u32 v18, $0x7  }
0x1b8: {  	[tilespmem:$0x1FD20] =	vst v2;
	v2 =	vld.idx.msk [tilespmem:v27+s10+$0x0], $0xffff;
	vm0 =	vgt.s32 v5, $0x0;
	v13 =	vshll.u32 v12, $0x7;
	v18 =	vadd.s32 $0xFFF0BE00, v42  }
0x1b9: {  	v15 =	vshll.u32 v16, $0x7;
	v22 =	vld.idx.msk [tilespmem:v17+s15+$0x0], $0xffff;
	v17 =	vnsel vm0, $0x0, v5;
	vm0 =	vgt.s32 v18, $0x0  }
0x1ba: {  	v12 =	vld [tilespmem:$0x1FC40];
	v18 =	vnsel vm0, $0x0, v18;
	vm0 =	vgt.s32 v19, $0x0;
	v16 =	vshll.u32 v17, $0x7  }
0x1bb: {  	v19 =	vnsel vm0, $0x0, v19;
	v17 =	vshll.u32 v18, $0x7;
	v8 =	vld.idx.msk [tilespmem:v20+s15+$0x0], $0xffff;
	v20 =	vadd.s32 $0xFFF0BE00, v43  }
0x1bc: {  	v0 =	vadd.s32 $0xFFF0BE00, v52;
	v4 =	vld.idx.msk [tilespmem:v30+s10+$0x0], $0xffff;
	v18 =	vshll.u32 v19, $0x7;
	vm0 =	vgt.s32 v20, $0x0  }
0x1bd: {  	v5 =	vld.idx.msk [tilespmem:v57+s10+$0x0], $0xffff;
	v20 =	vnsel vm0, $0x0, v20;
	vm0 =	vgt.s32 v0, $0x0  }
0x1be: {  	v1 =	vld.idx.msk [tilespmem:v13+s10+$0x0], $0xffff;
	v0 =	vnsel vm0, $0x0, v0;
	v19 =	vshll.u32 v20, $0x7  }
0x1bf: {  	v9 =	vld.idx.msk [tilespmem:v16+s10+$0x0], $0xffff;
	v20 =	vshll.u32 v0, $0x7  }
0x1c0: {  	v10 =	vld.idx.msk [tilespmem:v17+s10+$0x0], $0xffff  }
0x1c1: {  	v11 =	vld.idx.msk [tilespmem:v18+s10+$0x0], $0xffff  }
0x1c2: {  	v0 =	vld.idx.msk [tilespmem:v15+s10+$0x0], $0xffff  }
0x1c3: {  	vm1 =	vgt.s32 v53, $0xF41FF;
	vm4 =	vgt.s32 v33, $0xF41FF;
	v53 =	vld.idx.msk [tilespmem:v19+s10+$0x0], $0xffff  }
0x1c4: {  	s28 =	simm.s32 $0x1B600;
	v4 =	vsel vm4, v4, v21;
	v8 =	vsel vm1, v12, v8;
	v12 =	vld.idx.msk [tilespmem:v20+s10+$0x0], $0xffff  }
0x1c5: {  	[tilespmem:s28+$0xFFFFF030] =	vst v4;
	v4 =	vld [tilespmem:$0x1FC60];
	_ =	sdelay $0x3  }
0x1c6: {  	vm6 =	vgt.s32 v37, $0xF41FF  }
0x1c7: {  	v1 =	vsel vm6, v1, v4  }
0x1c8: {  	[tilespmem:s28+$0xFFFFF050] =	vst v1;
	v1 =	vld [tilespmem:$0x1FFC0];
	_ =	sdelay $0x4  }
0x1c9: {  	vm0 =	vgt.s32 v31, $0xF41FF;
	v31 =	vadd.s32 v1, v58;
	v1 =	vld [tilespmem:$0x1FC80];
	_ =	sdelay $0x3  }
0x1ca: {  	vm8 =	vgt.s32 v40, $0xF41FF;
	vm9 =	vgt.s32 v41, $0xF41FF  }
0x1cb: {  	v0 =	vsel vm8, v0, v1;
	v1 =	vsel vm9, v9, v23  }
0x1cc: {  	[tilespmem:s28+$0x0] =	vst v1;
	v1 =	vld [tilespmem:$0x1FC90];
	_ =	sdelay $0x2  }
0x1cd: {  	vm3 =	vgt.s32 v28, $0xF41FF  }
0x1ce: {  	vm11 =	vgt.s32 v44, $0xF41FF;
	v5 =	vsel vm3, v5, v63  }
0x1cf: {  	vm14 =	vgt.s32 v52, $0xF41FF;
	[tilespmem:s28+$0xFFFFF020] =	vst v5;
	v5 =	vld [tilespmem:$0x1FC50];
	v1 =	vsel vm11, v11, v1  }
0x1d0: {  	v4 =	vld [tilespmem:$0x1FCC0];
	[tilespmem:s28+$0x20] =	vst v1;
	v1 =	vsel vm14, v12, v29  }
0x1d1: {  	[tilespmem:s28+$0x40] =	vst v1;
	v1 =	vld [tilespmem:$0x1FCB0];
	_ =	sdelay $0x2  }
0x1d2: {  	vm5 =	vgt.s32 v32, $0xF41FF  }
0x1d3: {  	vm12 =	vgt.s32 v36, $0xF41FF;
	v3 =	vsel vm5, v3, v5;
	v5 =	vld [tilespmem:$0x1FCD0]  }
0x1d4: {  	v1 =	vsel vm12, v4, v1;
	v4 =	vld [tilespmem:$0x1FF30]  }
0x1d5: {  	vm2 =	vgt.s32 v25, $0xF41FF  }
0x1d6: {  	v6 =	vsel vm2, v6, v14  }
0x1d7: {  	[tilespmem:s28+$0xFFFFF010] =	vst v6;
	v6 =	vld [tilespmem:$0x1FCF0]  }
0x1d8: {  	[tilespmem:s28+$0x50] =	vst v1;
	v1 =	vld [tilespmem:$0x1FF40]  }
0x1d9: {  	v37 =	vadd.s32 v4, v5;
	v4 =	vld [tilespmem:$0x1FCE0];
	_ =	sdelay $0x3  }
0x1da: {  	vm15 =	vgt.s32 v35, $0xF41FF  }
0x1db: {  	v33 =	vor.u32 $0x1, v38;
	v38 =	vadd.s32 v1, v6;
	v6 =	vld [tilespmem:$0x1FD00];
	v4 =	vsel vm15, v4, v22  }
0x1dc: {  	[tilespmem:s28+$0x60] =	vst v4;
	v4 =	vld [tilespmem:$0x1FF50];
	_ =	sdelay $0x2  }
0x1dd: {  	v9 =	vld [tilespmem:$0x1FF10];
	_ =	sdelay $0x1  }
0x1de: {  	vm7 =	vgt.s32 v39, $0xF41FF;
	v39 =	vadd.s32 v4, v6;
	v4 =	vld [tilespmem:$0x1FF60];
	_ =	sdelay $0x2  }
0x1df: {  	v47 =	vadd.s32 v9, v47;
	v9 =	vld [tilespmem:$0x1FF20]  }
0x1e0: {  	v6 =	vld [tilespmem:$0x1FD10]  }
0x1e1: {  	v40 =	vadd.s32 v4, v55;
	v4 =	vld [tilespmem:$0x1FF70];
	_ =	sdelay $0x2  }
0x1e2: {  	[tilespmem:s28+$0xFFFFF040] =	vst v3;
	v3 =	vld [tilespmem:$0x1FC70]  }
0x1e3: {  	v48 =	vadd.s32 v9, v48;
	v9 =	vld [tilespmem:$0x1FF00]  }
0x1e4: {  	v41 =	vadd.s32 v4, v6;
	v4 =	vld [tilespmem:$0x1FF80]  }
0x1e5: {  	vm10 =	vgt.s32 v42, $0xF41FF;
	v6 =	vld [tilespmem:$0x1FD20]  }
0x1e6: {  	[tilespmem:s28+$0xFFFFF070] =	vst v0;
	v0 =	vsel vm10, v10, v24  }
0x1e7: {  	[tilespmem:s28+$0x10] =	vst v0;
	v0 =	vld [tilespmem:$0x1FCA0]  }
0x1e8: {  	s0 =	simm.s32 $0x0;
	v2 =	vsel vm7, v2, v3;
	v49 =	vadd.s32 v9, v49;
	v9 =	vld [tilespmem:$0x1FFD0]  }
0x1e9: {  	[tilespmem:s28+$0xFFFFF060] =	vst v2;
	v2 =	vadd.s32 s0, v33  }
0x1ea: {  	v42 =	vadd.s32 v4, v6;
	v4 =	vld [tilespmem:$0x1FF90]  }
0x1eb: {  	vm13 =	vgt.s32 v43, $0xF41FF;
	v7 =	vsel vm0, v7, v62;
	[tilespmem:s28+$0x70] =	vst v8  }
0x1ec: {  	v32 =	vor.u32 $0x1, v60;
	[tilespmem:s28+$0xFFFFF000] =	vst v7;
	v0 =	vsel vm13, v53, v0  }
0x1ed: {  	v34 =	vor.u32 $0x1, v34;
	[tilespmem:s28+$0x30] =	vst v0;
	v5 =	vadd.s32 s0, v32;
	v50 =	vadd.s32 v9, v50;
	v9 =	vld [tilespmem:$0x1FFF0]  }
0x1ee: {  	v3 =	vadd.s32 s0, v34;
	v11 =	vld.idx.msk [tilespmem:v2+s10+$0x0], $0xffff  }
0x1ef: {  	v2 =	vadd.s32 s0, v38;
	v43 =	vadd.s32 v4, v61;
	v4 =	vld [tilespmem:$0x1FFA0];
	_ =	sdelay $0x1  }
0x1f0: {  	v52 =	vor.u32 $0x1, v54;
	v54 =	vor.u32 $0x1, v57;
	v0 =	vadd.s32 s0, v31  }
0x1f1: {  	v36 =	vld.idx.msk [tilespmem:v5+s10+$0x0], $0xffff;
	v51 =	vadd.s32 v9, v51;
	v9 =	vadd.s32 s0, v54  }
0x1f2: {  	v55 =	vld.idx.msk [tilespmem:v3+s10+$0x0], $0xffff;
	v6 =	vadd.s32 s0, v42  }
0x1f3: {  	v5 =	vadd.s32 s0, v41;
	v44 =	vadd.s32 v4, v59;
	v4 =	vld.idx.msk [tilespmem:v2+s15+$0x0], $0xffff  }
0x1f4: {  	v3 =	vadd.s32 s0, v39;
	v2 =	vld [tilespmem:$0x1FFB0]  }
0x1f5: {  	v35 =	vld.idx.msk [tilespmem:v0+s15+$0x0], $0xffff;
	v0 =	vadd.s32 s0, v40  }
0x1f6: {  	v12 =	vld.idx.msk [tilespmem:v9+s10+$0x0], $0xffff;
	v7 =	vadd.s32 s0, v43  }
0x1f7: {  	v46 =	vor.u32 $0x1, v46;
	v60 =	vld.idx.msk [tilespmem:v6+s15+$0x0], $0xffff;
	v6 =	vadd.s32 s0, v47  }
0x1f8: {  	v59 =	vld.idx.msk [tilespmem:v5+s15+$0x0], $0xffff;
	v5 =	vadd.s32 s0, v46  }
0x1f9: {  	v8 =	vadd.s32 s0, v44;
	v45 =	vadd.s32 v2, v45;
	v2 =	vld.idx.msk [tilespmem:v3+s15+$0x0], $0xffff  }
0x1fa: {  	v3 =	vld.idx.msk [tilespmem:v0+s15+$0x0], $0xffff;
	v0 =	vadd.s32 s0, v45  }
0x1fb: {  	v61 =	vld.idx.msk [tilespmem:v7+s15+$0x0], $0xffff;
	v7 =	vadd.s32 s0, v48  }
0x1fc: {  	v53 =	vor.u32 $0x1, v56;
	v56 =	vor.u32 $0x1, v30;
	v21 =	vld.idx.msk [tilespmem:v6+s15+$0x0], $0xffff;
	v6 =	vadd.s32 s0, v52  }
0x1fd: {  	v57 =	vor.u32 $0x1, v26;
	v26 =	vadd.s32 s0, v56;
	v23 =	vld.idx.msk [tilespmem:v5+s15+$0x0], $0xffff  }
0x1fe: {  	v5 =	vadd.s32 s0, v51;
	v62 =	vld.idx.msk [tilespmem:v8+s15+$0x0], $0xffff  }
0x1ff: {  	v63 =	vld.idx.msk [tilespmem:v0+s15+$0x0], $0xffff;
	v0 =	vadd.s32 s0, v50  }
0x200: {  	v8 =	vadd.s32 s0, v49;
	v22 =	vld.idx.msk [tilespmem:v7+s15+$0x0], $0xffff  }
0x201: {  	v7 =	vadd.s32 s0, v53;
	v14 =	vld.idx.msk [tilespmem:v6+s10+$0x0], $0xffff  }
0x202: {  	v58 =	vor.u32 $0x1, v13;
	v1 =	vadd.s32 s0, v37;
	v6 =	vor.u32 $0x1, v15;
	v15 =	vld.idx.msk [tilespmem:v26+s10+$0x0], $0xffff  }
0x203: {  	v30 =	vadd.s32 s0, v58;
	v13 =	vld.idx.msk [tilespmem:v5+s15+$0x0], $0xffff  }
0x204: {  	v29 =	vadd.s32 s0, v57;
	v5 =	vor.u32 $0x1, v27;
	v28 =	vld.idx.msk [tilespmem:v0+s15+$0x0], $0xffff  }
0x205: {  	v24 =	vld.idx.msk [tilespmem:v8+s15+$0x0], $0xffff;
	v26 =	vadd.s32 s0, v5  }
0x206: {  	v9 =	vor.u32 $0x1, v19;
	v19 =	vadd.s32 s0, v6;
	v25 =	vld.idx.msk [tilespmem:v7+s10+$0x0], $0xffff;
	v0 =	vor.u32 $0x1, v16  }
0x207: {  	v10 =	vor.u32 $0x1, v18;
	v1 =	vld.idx.msk [tilespmem:v1+s15+$0x0], $0xffff;
	v8 =	vor.u32 $0x1, v17;
	v18 =	vadd.s32 s0, v0  }
0x208: {  	v7 =	vor.u32 $0x1, v20;
	v17 =	vld.idx.msk [tilespmem:v30+s10+$0x0], $0xffff;
	v20 =	vadd.s32 s0, v8  }
0x209: {  	s2 =	simm.s32 $0x1;
	s3 =	simm.s32 $0x2;
	v27 =	vadd.s32 s0, v10;
	v16 =	vld.idx.msk [tilespmem:v29+s10+$0x0], $0xffff;
	v11 =	vsel vm15, v11, v28  }
.LBB2_12:
0x20a: {  	p0 =	sne.s32 s3, $0x1F;
	v26 =	vld.idx.msk [tilespmem:v26+s10+$0x0], $0xffff;
	v14 =	vsel vm0, v14, v23;
	v23 =	vadd.s32 s0, v9  }
0x20b: {  	v24 =	vsel vm2, v25, v24;
	v25 =	vadd.s32 s0, v7;
	s0 =	smov.u32 s2;
	s2 =	smov.u32 s3;
	v19 =	vld.idx.msk [tilespmem:v19+s10+$0x0], $0xffff  }
0x20c: {  	v12 =	vsel vm3, v12, v21;
	v18 =	vld.idx.msk [tilespmem:v18+s10+$0x0], $0xffff  }
0x20d: {  	v15 =	vsel vm4, v15, v22;
	v20 =	vld.idx.msk [tilespmem:v20+s10+$0x0], $0xffff  }
0x20e: {  	v1 =	vsel vm5, v16, v1;
	v21 =	vld.idx.msk [tilespmem:v27+s10+$0x0], $0xffff  }
0x20f: {  	v13 =	vsel vm1, v55, v13;
	s28 =	sadd.s32 $0x80, s28;
	v4 =	vsel vm6, v17, v4;
	v16 =	vld.idx.msk [tilespmem:v23+s10+$0x0], $0xffff  }
0x210: {  	v2 =	vsel vm7, v26, v2;
	v17 =	vld.idx.msk [tilespmem:v25+s10+$0x0], $0xffff;
	[tilespmem:s28+$0x70] =	vst v13  }
0x211: {  	v3 =	vsel vm8, v19, v3;
	[tilespmem:s28+$0xFFFFF000] =	vst v14  }
0x212: {  	v13 =	vsel vm9, v18, v59;
	[tilespmem:s28+$0xFFFFF010] =	vst v24  }
0x213: {  	[tilespmem:s28+$0xFFFFF020] =	vst v12;
	v12 =	vsel vm10, v20, v60  }
0x214: {  	v14 =	vsel vm11, v21, v61;
	[tilespmem:s28+$0xFFFFF030] =	vst v15  }
0x215: {  	[tilespmem:s28+$0xFFFFF040] =	vst v1;
	v1 =	vsel vm13, v16, v62  }
0x216: {  	[tilespmem:s28+$0xFFFFF050] =	vst v4;
	v4 =	vsel vm14, v17, v63  }
0x217: {  	[tilespmem:s28+$0xFFFFF060] =	vst v2  }
0x218: {  	[tilespmem:s28+$0xFFFFF070] =	vst v3  }
0x219: {  	[tilespmem:s28+$0x0] =	vst v13  }
0x21a: {  	[tilespmem:s28+$0x10] =	vst v12  }
0x21b: {  	v2 =	vadd.s32 s0, v33;
	[tilespmem:s28+$0x20] =	vst v14  }
0x21c: {  	v3 =	vadd.s32 s0, v34;
	[tilespmem:s28+$0x30] =	vst v1  }
0x21d: {  	v1 =	vadd.s32 s0, v31;
	[tilespmem:s28+$0x40] =	vst v4;
	v4 =	vsel vm12, v36, v35  }
0x21e: {  	v12 =	vadd.s32 s0, v32;
	[tilespmem:s28+$0x50] =	vst v4  }
0x21f: {  	v4 =	vadd.s32 s0, v37;
	[tilespmem:s28+$0x60] =	vst v11  }
0x220: {  	v11 =	vld.idx.msk [tilespmem:v2+s10+$0x0], $0xffff;
	v2 =	vadd.s32 s0, v38  }
0x221: {  	v55 =	vld.idx.msk [tilespmem:v3+s10+$0x0], $0xffff;
	v3 =	vadd.s32 s0, v39  }
0x222: {  	v13 =	vadd.s32 s0, v40;
	v35 =	vld.idx.msk [tilespmem:v1+s15+$0x0], $0xffff  }
0x223: {  	v36 =	vld.idx.msk [tilespmem:v12+s10+$0x0], $0xffff;
	v12 =	vadd.s32 s0, v41  }
0x224: {  	v14 =	vadd.s32 s0, v42;
	v1 =	vld.idx.msk [tilespmem:v4+s15+$0x0], $0xffff  }
0x225: {  	v15 =	vadd.s32 s0, v43;
	v4 =	vld.idx.msk [tilespmem:v2+s15+$0x0], $0xffff  }
0x226: {  	v16 =	vadd.s32 s0, v44;
	v2 =	vld.idx.msk [tilespmem:v3+s15+$0x0], $0xffff  }
0x227: {  	v3 =	vld.idx.msk [tilespmem:v13+s15+$0x0], $0xffff;
	v13 =	vadd.s32 s0, v45  }
0x228: {  	v59 =	vld.idx.msk [tilespmem:v12+s15+$0x0], $0xffff;
	v12 =	vadd.s32 s0, v46  }
0x229: {  	v60 =	vld.idx.msk [tilespmem:v14+s15+$0x0], $0xffff;
	v14 =	vadd.s32 s0, v47  }
0x22a: {  	v61 =	vld.idx.msk [tilespmem:v15+s15+$0x0], $0xffff;
	v15 =	vadd.s32 s0, v48  }
0x22b: {  	v62 =	vld.idx.msk [tilespmem:v16+s15+$0x0], $0xffff;
	v16 =	vadd.s32 s0, v49  }
0x22c: {  	v63 =	vld.idx.msk [tilespmem:v13+s15+$0x0], $0xffff;
	v13 =	vadd.s32 s0, v50  }
0x22d: {  	v23 =	vld.idx.msk [tilespmem:v12+s15+$0x0], $0xffff;
	v12 =	vadd.s32 s0, v51  }
0x22e: {  	v21 =	vld.idx.msk [tilespmem:v14+s15+$0x0], $0xffff;
	v14 =	vadd.s32 s0, v52  }
0x22f: {  	v22 =	vld.idx.msk [tilespmem:v15+s15+$0x0], $0xffff;
	v15 =	vadd.s32 s0, v53  }
0x230: {  	v24 =	vld.idx.msk [tilespmem:v16+s15+$0x0], $0xffff;
	v16 =	vadd.s32 s0, v54  }
0x231: {  	v18 =	vadd.s32 s0, v56;
	v17 =	vld.idx.msk [tilespmem:v13+s15+$0x0], $0xffff  }
0x232: {  	v20 =	vadd.s32 s0, v57;
	v13 =	vld.idx.msk [tilespmem:v12+s15+$0x0], $0xffff  }
0x233: {  	v27 =	vadd.s32 s0, v58;
	v14 =	vld.idx.msk [tilespmem:v14+s10+$0x0], $0xffff  }
.Ltmp6:
0x234: {  	v26 =	vadd.s32 s0, v5;
	v25 =	vld.idx.msk [tilespmem:v15+s10+$0x0], $0xffff;
	(pc) =	sbr.rel @p0 .LBB2_12-.Ltmp6, $4  }
0x235: {  	v19 =	vadd.s32 s0, v6;
	v12 =	vld.idx.msk [tilespmem:v16+s10+$0x0], $0xffff  }
0x236: {  	v15 =	vld.idx.msk [tilespmem:v18+s10+$0x0], $0xffff;
	v18 =	vadd.s32 s0, v0  }
0x237: {  	v11 =	vsel vm15, v11, v17;
	v16 =	vld.idx.msk [tilespmem:v20+s10+$0x0], $0xffff;
	v20 =	vadd.s32 s0, v8  }
0x238: {  	s3 =	sadd.s32 $0x1, s3;
	v17 =	vld.idx.msk [tilespmem:v27+s10+$0x0], $0xffff;
	v27 =	vadd.s32 s0, v10  }
0x239: {  	_ =	sdelay $0x3  }
0x23a: {  	v0 =	vld.idx.msk [tilespmem:v26+s10+$0x0], $0xffff;
	v5 =	vadd.s32 s0, v9  }
0x23b: {  	v6 =	vld.idx.msk [tilespmem:v19+s10+$0x0], $0xffff;
	v7 =	vadd.s32 s0, v7  }
0x23c: {  	v8 =	vld.idx.msk [tilespmem:v18+s10+$0x0], $0xffff  }
0x23d: {  	v54 =	vld.idx.msk [tilespmem:v20+s10+$0x0], $0xffff  }
0x23e: {  	v10 =	vld.idx.msk [tilespmem:v27+s10+$0x0], $0xffff  }
0x23f: {  	v13 =	vsel vm1, v55, v13;
	s29 =	sadd.s32 $0x80, s28;
	v5 =	vld.idx.msk [tilespmem:v5+s10+$0x0], $0xffff  }
0x240: {  	v14 =	vsel vm0, v14, v23;
	v7 =	vld.idx.msk [tilespmem:v7+s10+$0x0], $0xffff;
	[tilespmem:s29+$0x70] =	vst v13  }
0x241: {  	v55 =	vsel vm2, v25, v24;
	[tilespmem:s29+$0xFFFFF000] =	vst v14  }
0x242: {  	v12 =	vsel vm3, v12, v21;
	[tilespmem:s29+$0xFFFFF010] =	vst v55  }
0x243: {  	v56 =	vsel vm4, v15, v22;
	[tilespmem:s29+$0xFFFFF020] =	vst v12  }
0x244: {  	v1 =	vsel vm5, v16, v1;
	[tilespmem:s29+$0xFFFFF030] =	vst v56  }
0x245: {  	v4 =	vsel vm6, v17, v4;
	[tilespmem:s29+$0xFFFFF040] =	vst v1  }
0x246: {  	[tilespmem:s29+$0xFFFFF050] =	vst v4  }
0x247: {  	v0 =	vsel vm7, v0, v2;
	[tilespmem:s29+$0x60] =	vst v11  }
0x248: {  	v57 =	vsel vm8, v6, v3;
	[tilespmem:s29+$0xFFFFF060] =	vst v0  }
0x249: {  	v58 =	vsel vm9, v8, v59;
	[tilespmem:s29+$0xFFFFF070] =	vst v57  }
0x24a: {  	s25 =	sadd.s32 $0x1, s25;
	v59 =	vsel vm10, v54, v60;
	[tilespmem:s29+$0x0] =	vst v58  }
0x24b: {  	s2 =	sadd.s32 s6, s26;
	s30 =	sshll.u32 s26, $0xF;
	p0 =	sne.s32 s25, $0x32;
	v60 =	vsel vm11, v10, v61;
	[tilespmem:s29+$0x10] =	vst v59  }
.Ltmp7:
0x24c: {  	s3 =	sshll.u32 s2, $0xA;
	s2 =	sshll.u32 s2, $0x5;
	[tilespmem:s29+$0x20] =	vst v60;
	v61 =	vsel vm13, v5, v62;
	(pc) =	sbr.rel @p0 .LBB2_2-.Ltmp7, $4  }
0x24d: {  	s26 =	sand.u32 $0x18000, s30;
	s3 =	sand.u32 $0xFFE0000, s3;
	s2 =	sand.u32 $0xF80, s2;
	v62 =	vsel vm14, v7, v63;
	[tilespmem:s29+$0x30] =	vst v61  }
0x24e: {  	s3 =	sor.u32 s3, s26;
	s2 =	sadd.s32 s1, s2;
	v63 =	vsel vm12, v36, v35;
	[tilespmem:s29+$0x40] =	vst v62  }
0x24f: {  	s31 =	sadd.s32 s3, s2;
	[tilespmem:s29+$0x50] =	vst v63  }
0x250: {  	[hbm4b:s31+s17] =	stream.strided.scatter [tilespmem:s22], [sflag:$0x4], $0x2000, s18, s17, $0x38;
	[tilespmem:$0x1C600] =	vst v63  }
0x251: {  	s24 =	sadd.s32 $0x1, s24  }
0x252: {  	_ =	swait.ge [sflag:s23], $0x2000;
	p0 =	sne.s32 s24, s8  }
.Ltmp8:
0x253: {  	[sflag:s23] =	ssyncset.done $0x0;
	(pc) =	sbr.rel @p0 .LBB2_1-.Ltmp8, $4  }
0x254: {  	[sflag:s23] =	ssyncadd.s32 $0xFFFFE000  }
0x255: {  	_ =	swait.ge [sflag:s21], $0x2000  }
0x256: {  	[sflag:s21] =	ssyncset.done $0x0  }
0x257: {  	[sflag:s21] =	ssyncadd.s32 $0xFFFFE000  }
0x258: {  	_ =	sfence.sel $0x180000  }
0x259: {  	[bflag:$0x0] =	sbarrier.arrive $0xFFFF  }
0x25a: {  	_ =	strace $0x90000047  }
0x25b: {  	s0 =	stileid.u32;
	[bflag:$0x2] =	sbarrier.arrive $0xFFFF  }
0x25c: {  	p0 =	sne.s32 s0, $0x0;
	s0 =	rddreg [dreg:$0x3]  }
0x25d: {  	s0 =	sadd.s32 @!p0 $0x100000, s0  }
0x25e: {  	[sflag:s0] =	ssyncadd.tile.s32 @!p0 $0x1;
	_ =	shalt  }
.Lfunc_end2:
_tile_overlayer_lowered:
.L_overlay_start_2:
0x25f: {  	(tag) =	ssettag $0x2  }
0x260: {  	s0 =	rddreg [dreg:$0x0];
	s2 =	stileid.u32  }
0x261: {  	s1 =	rddreg [dreg:$0x1];
	p0 =	sne.s32 s2, $0x0  }
0x262: {  	s3 =	rddreg [dreg:$0x2];
	[bflag:$0x3] =	sbarrier.arrive $0xFFFF;
	s2 =	simm.s32 @!p0 $0x1C05  }
0x263: {  	[timem:s3], [sflag:s2] =	dma.local @!p0 [hbm:s0], s1  }
0x264: {  	s0 =	simm.s32 @!p0 $0x5  }
0x265: {  	_ =	swait.ge @!p0 [sflag:s0], s1  }
0x266: {  	s1 =	ssub.s32 @!p0 $0x0, s1;
	[sflag:s0] =	ssyncset.done @!p0 $0x0  }
0x267: {  	[sflag:s0] =	ssyncadd.s32 @!p0 s1  }
0x268: {  	[bflag:$0x3] =	sbarrier.arrive $0xFFFF  }
0x269: {  	_ =	shalt  }

</sc_bundles>
